<compile_context>
chip_gen: v7x
topology: tpu7x:2x2x1
jax: 0.10.2.dev20260603
libtpu: 0.0.44.dev20260713+nightly
codegen_flags: <defaults>
</compile_context>

<pallas_src>
import jax
import jax.numpy as jnp
from jax import lax
from jax.experimental import pallas as pl
from jax.experimental.pallas import tpu as pltpu
from jax.experimental.pallas import tpu_sc as plsc

N = 10000
D = 128
E = 320000
NEG_SLOPE = 0.01

NC, NS = 2, 16
NW = NC * NS
CHUNK = 128
EPW = E // NW
CPW = 80
EPW_PAD = CPW * CHUNK
E_PAD = EPW_PAD * NW
BLK = 8
NBLK = CPW // BLK
ACC_ROWS = 10112
ROWS_PT = ACC_ROWS // NS


def _sc_deg_body(dst_hbm, ones_hbm, zeros_hbm, out_hbm, dst_v, ones_v, acc):
    c = lax.axis_index("c")
    s = lax.axis_index("s")
    wid = c * NS + s
    pltpu.sync_copy(dst_hbm.at[wid], dst_v)
    pltpu.sync_copy(ones_hbm, ones_v)
    pltpu.sync_copy(zeros_hbm, acc.at[pl.ds(s * ROWS_PT, ROWS_PT)])
    plsc.subcore_barrier()

    def body(j, carry):
        pltpu.sync_copy(ones_v, acc.at[dst_v.at[j]], add=True)
        return carry

    lax.fori_loop(0, CPW, body, 0)
    plsc.subcore_barrier()
    pltpu.sync_copy(acc.at[pl.ds(s * ROWS_PT, ROWS_PT)],
                    out_hbm.at[c, pl.ds(s * ROWS_PT, ROWS_PT)])


def _sc_agg_body(g_hbm, src_hbm, dst_hbm, zeros_hbm, out_hbm,
                 s_ib, d_ib, rows0, rows1, acc, sem0, sem1):
    c = lax.axis_index("c")
    s = lax.axis_index("s")
    wid = c * NS + s
    pltpu.sync_copy(zeros_hbm, acc.at[pl.ds(s * ROWS_PT, ROWS_PT)])
    plsc.subcore_barrier()

    def blk(q, carry):
        pltpu.sync_copy(src_hbm.at[wid, pl.ds(q * BLK, BLK)], s_ib)
        pltpu.sync_copy(dst_hbm.at[wid, pl.ds(q * BLK, BLK)], d_ib)
        pltpu.async_copy(g_hbm.at[s_ib.at[0]], rows0, sem0)
        for k in range(BLK):
            rows_k, sem_k = (rows0, sem0) if k % 2 == 0 else (rows1, sem1)
            rows_n, sem_n = (rows1, sem1) if k % 2 == 0 else (rows0, sem0)
            if k < BLK - 1:
                pltpu.async_copy(g_hbm.at[s_ib.at[k + 1]], rows_n, sem_n)
            pltpu.make_async_copy(g_hbm.at[s_ib.at[k]], rows_k, sem_k).wait()
            pltpu.sync_copy(rows_k, acc.at[d_ib.at[k]], add=True)
        return carry

    lax.fori_loop(0, NBLK, blk, 0)
    plsc.subcore_barrier()
    pltpu.sync_copy(acc.at[pl.ds(s * ROWS_PT, ROWS_PT)],
                    out_hbm.at[c, pl.ds(s * ROWS_PT, ROWS_PT)])


def _sc_calls():
    mesh = plsc.VectorSubcoreMesh(core_axis_name="c", subcore_axis_name="s",
                                  num_cores=NC, num_subcores=NS)
    deg_call = pl.kernel(
        _sc_deg_body,
        out_type=jax.ShapeDtypeStruct((NC, ACC_ROWS, D), jnp.float32),
        mesh=mesh,
        scratch_types=[
            pltpu.VMEM((CPW, CHUNK), jnp.int32),
            pltpu.VMEM((CHUNK, D), jnp.float32),
            pltpu.VMEM_SHARED((ACC_ROWS, D), jnp.float32),
        ],
    )
    agg_call = pl.kernel(
        _sc_agg_body,
        out_type=jax.ShapeDtypeStruct((NC, ACC_ROWS, D), jnp.float32),
        mesh=mesh,
        scratch_types=[
            pltpu.VMEM((BLK, CHUNK), jnp.int32),
            pltpu.VMEM((BLK, CHUNK), jnp.int32),
            pltpu.VMEM((CHUNK, D), jnp.float32),
            pltpu.VMEM((CHUNK, D), jnp.float32),
            pltpu.VMEM_SHARED((ACC_ROWS, D), jnp.float32),
            pltpu.SemaphoreType.DMA,
            pltpu.SemaphoreType.DMA,
        ],
    )
    return deg_call, agg_call



BN = 1000


def _dis_block(d0_ref, d1_ref):
    deg = 1.0 + d0_ref[:, 0:1] + d1_ref[:, 0:1]
    return lax.rsqrt(deg)


def _tc0_body(x_ref, win_ref, bin_ref, w1_ref, d0_ref, d1_ref, g_ref):
    h = jnp.dot(x_ref[:], win_ref[:], preferred_element_type=jnp.float32)
    h = h + bin_ref[:]
    y = jnp.dot(h, w1_ref[:], preferred_element_type=jnp.float32)
    g_ref[:] = y * _dis_block(d0_ref, d1_ref)


def _tc_mid_body(a0_ref, a1_ref, g_ref, d0_ref, d1_ref, b_ref, w_ref, o_ref):
    dis = _dis_block(d0_ref, d1_ref)
    pre = (a0_ref[:] + a1_ref[:] + g_ref[:]) * dis + b_ref[:]
    h = jnp.where(pre >= 0, pre, NEG_SLOPE * pre)
    o_ref[:] = jnp.dot(h, w_ref[:], preferred_element_type=jnp.float32) * dis


def _tc_fin_body(a0_ref, a1_ref, g_ref, d0_ref, d1_ref, b_ref, o_ref):
    dis = _dis_block(d0_ref, d1_ref)
    o_ref[:] = (a0_ref[:] + a1_ref[:] + g_ref[:]) * dis + b_ref[:]


_spec_nd = pl.BlockSpec((BN, D), lambda i: (i, 0))
_spec_w = pl.BlockSpec((D, D), lambda i: (0, 0))
_spec_b = pl.BlockSpec((1, D), lambda i: (0, 0))
_spec_deg = pl.BlockSpec((BN, 16), lambda i: (i, 0))
_out_nd = jax.ShapeDtypeStruct((N, D), jnp.float32)

_tc0 = pl.pallas_call(
    _tc0_body,
    grid=(N // BN,),
    in_specs=[_spec_nd, _spec_w, _spec_b, _spec_w, _spec_deg, _spec_deg],
    out_specs=_spec_nd,
    out_shape=_out_nd,
)

_tc_mid = pl.pallas_call(
    _tc_mid_body,
    grid=(N // BN,),
    in_specs=[_spec_nd, _spec_nd, _spec_nd, _spec_deg, _spec_deg,
              _spec_b, _spec_w],
    out_specs=_spec_nd,
    out_shape=_out_nd,
)

_tc_fin = pl.pallas_call(
    _tc_fin_body,
    grid=(N // BN,),
    in_specs=[_spec_nd, _spec_nd, _spec_nd, _spec_deg, _spec_deg, _spec_b],
    out_specs=_spec_nd,
    out_shape=_out_nd,
)



def kernel(x, edge_index, W_in, b_in, W1, b1, W2, b2, W3, b3):
    src = edge_index[0].astype(jnp.int32)
    dst = edge_index[1].astype(jnp.int32)
    pad = E_PAD - E
    src_r = jnp.concatenate([src, jnp.zeros((pad,), jnp.int32)])
    dst_r = jnp.concatenate([dst, jnp.full((pad,), N, jnp.int32)])
    src_r = src_r.reshape(NW, CPW, CHUNK)
    dst_r = dst_r.reshape(NW, CPW, CHUNK)

    ones_chunk = jnp.ones((CHUNK, D), jnp.float32)
    zD = jnp.zeros((ROWS_PT, D), jnp.float32)

    _deg_call, _agg_call = _sc_calls()
    degs = _deg_call(dst_r, ones_chunk, zD)
    d0, d1 = degs[0, :N, :16], degs[1, :N, :16]

    b_in2, b12, b22, b32 = (b.reshape(1, D) for b in (b_in, b1, b2, b3))

    g1 = _tc0(x, W_in, b_in2, W1, d0, d1)
    a = _agg_call(g1, src_r, dst_r, zD)
    g2 = _tc_mid(a[0, :N], a[1, :N], g1, d0, d1, b12, W2)
    a = _agg_call(g2, src_r, dst_r, zD)
    g3 = _tc_mid(a[0, :N], a[1, :N], g2, d0, d1, b22, W3)
    a = _agg_call(g3, src_r, dst_r, zD)
    return _tc_fin(a[0, :N], a[1, :N], g3, d0, d1, b32)

# --- scband reference (transcript-rebuilt; emitter-appended) ---
"""Pipeline reference for scband-base-gnn-1735166788579 (READ-ONLY COPY).

The authoritative reference and input builder live on the scoring server;
editing this copy changes nothing except your own understanding.
"""

import jax, jax.numpy as jnp
import numpy as np

N_NODES = 10000
D = 128
NEG_SLOPE = 0.01


def _gcn_conv(x, W, b, src, dst, norm, n_nodes):
    # PyG-style GCNConv: h = xW; aggregate norm-weighted messages; add bias
    h = x @ W
    msg = h[src] * norm[:, None]
    out = jax.ops.segment_sum(msg, dst, num_segments=n_nodes)
    return out + b


def setup_inputs(seed: int = 0) -> dict:
    key = jax.random.key(seed)
    ks = jax.random.split(key, 10)
    x = jax.random.normal(ks[0], (N_NODES, D), dtype=jnp.float32)
    edge_index = jax.random.randint(ks[1], (2, 320000), 0, N_NODES, dtype=jnp.int64)
    scale = 1.0 / np.sqrt(D)
    W_in = jax.random.uniform(ks[2], (D, D), jnp.float32, -scale, scale)
    b_in = jax.random.uniform(ks[3], (D,), jnp.float32, -scale, scale)
    W1 = jax.random.uniform(ks[4], (D, D), jnp.float32, -scale, scale)
    b1 = jnp.zeros((D,), jnp.float32)
    W2 = jax.random.uniform(ks[5], (D, D), jnp.float32, -scale, scale)
    b2 = jnp.zeros((D,), jnp.float32)
    W3 = jax.random.uniform(ks[6], (D, D), jnp.float32, -scale, scale)
    b3 = jnp.zeros((D,), jnp.float32)
    return {"x": x, "edge_index": edge_index, "W_in": W_in, "b_in": b_in,
            "W1": W1, "b1": b1, "W2": W2, "b2": b2, "W3": W3, "b3": b3}


def reference(x, edge_index, W_in, b_in, W1, b1, W2, b2, W3, b3):
    n = x.shape[0]
    # add self-loops (GCNConv default)
    loop = jnp.arange(n, dtype=edge_index.dtype)
    src = jnp.concatenate([edge_index[0], loop])
    dst = jnp.concatenate([edge_index[1], loop])
    deg = jax.ops.segment_sum(jnp.ones_like(dst, dtype=jnp.float32), dst, num_segments=n)
    dis = jnp.where(deg > 0, jax.lax.rsqrt(deg), 0.0)
    norm = dis[src] * dis[dst]
    # input projection
    h = x @ W_in + b_in
    # layer 1 (hidden) + LeakyReLU (dropout inactive in eval)
    h = _gcn_conv(h, W1, b1, src, dst, norm, n)
    h = jnp.where(h >= 0, h, NEG_SLOPE * h)
    # layer 2 (hidden) + LeakyReLU
    h = _gcn_conv(h, W2, b2, src, dst, norm, n)
    h = jnp.where(h >= 0, h, NEG_SLOPE * h)
    # layer 3 (output, no activation); JK='last', batch=None -> node embeddings
    h = _gcn_conv(h, W3, b3, src, dst, norm, n)
    return h

if __name__ == "__main__":
    import jax
    _d = setup_inputs()
    print(jax.jit(kernel)(*tuple(_d.values())))

</pallas_src>

<mosaic_0001>
#map = affine_map<(d0, d1) -> (0, 0, 0)>
#map1 = affine_map<(d0, d1) -> (0, 0)>
module attributes {stable_mosaic.version = 14 : i64} {
  func.func @_sc_deg_body(%arg0: i32, %arg1: i32, %arg2: memref<32x80x128xi32, #tpu.memory_space<hbm>>, %arg3: memref<128x128xf32, #tpu.memory_space<hbm>>, %arg4: memref<632x128xf32, #tpu.memory_space<hbm>>, %arg5: memref<2x10112x128xf32, #tpu.memory_space<hbm>>, %arg6: memref<80x128xi32, #tpu.memory_space<vmem>>, %arg7: memref<128x128xf32, #tpu.memory_space<vmem>>, %arg8: memref<10112x128xf32, #tpu.memory_space<vmem_shared>>) attributes {dimension_semantics = [#tpu.dimension_semantics<core_parallel>, #tpu.dimension_semantics<subcore_parallel>], iteration_bounds = array<i64: 2, 16>, scalar_prefetch = 0 : i64, scratch_operands = 3 : i64, tpu.core_type = #tpu.core_type<sc_vector_subcore>, window_params = [{transform_indices = #map}, {transform_indices = #map1}, {transform_indices = #map1}, {transform_indices = #map}]} {
    %mul3A = arith.constant 16 : i32
    %mul3A_0 = arith.muli %arg0, %mul3A : i32
    %add3A = arith.addi %mul3A_0, %arg1 : i32
    "tpu.region"() ({
      %run_scoped3A = tpu.sem_alloc : memref<!tpu.dma_semaphore, #tpu.memory_space<semaphore_mem>>
      %dma_start3A = arith.constant 0 : i32
      %dma_start3A_13 = arith.constant 0 : i32
      %dma_start3A_14 = tpu.memref_slice %arg2[%add3A, %dma_start3A, %dma_start3A_13] : memref<32x80x128xi32, #tpu.memory_space<hbm>> -> memref<1x80x128xi32, #tpu.memory_space<hbm>>
      %dma_start3A_15 = tpu.memref_squeeze %dma_start3A_14 : memref<1x80x128xi32, #tpu.memory_space<hbm>> -> memref<80x128xi32, #tpu.memory_space<hbm>>
      %dma_start3A_16 = arith.constant 0 : i32
      %dma_start3A_17 = arith.constant 0 : i32
      %dma_start3A_18 = tpu.memref_slice %arg2[%add3A, %dma_start3A_16, %dma_start3A_17] : memref<32x80x128xi32, #tpu.memory_space<hbm>> -> memref<1x80x128xi32, #tpu.memory_space<hbm>>
      %dma_start3A_19 = tpu.memref_squeeze %dma_start3A_18 : memref<1x80x128xi32, #tpu.memory_space<hbm>> -> memref<80x128xi32, #tpu.memory_space<hbm>>
      tpu.enqueue_dma source(%dma_start3A_19 : memref<80x128xi32, #tpu.memory_space<hbm>>) target(%arg6 : memref<80x128xi32, #tpu.memory_space<vmem>>) target_semaphore(%run_scoped3A : memref<!tpu.dma_semaphore, #tpu.memory_space<semaphore_mem>>)
      %dma_wait3A = arith.constant 0 : i32
      %dma_wait3A_20 = arith.constant 0 : i32
      %dma_wait3A_21 = tpu.memref_slice %arg2[%add3A, %dma_wait3A, %dma_wait3A_20] : memref<32x80x128xi32, #tpu.memory_space<hbm>> -> memref<1x80x128xi32, #tpu.memory_space<hbm>>
      %dma_wait3A_22 = tpu.memref_squeeze %dma_wait3A_21 : memref<1x80x128xi32, #tpu.memory_space<hbm>> -> memref<80x128xi32, #tpu.memory_space<hbm>>
      %dma_wait3A_23 = arith.constant 0 : i32
      %dma_wait3A_24 = arith.constant 0 : i32
      %dma_wait3A_25 = tpu.memref_slice %arg2[%add3A, %dma_wait3A_23, %dma_wait3A_24] : memref<32x80x128xi32, #tpu.memory_space<hbm>> -> memref<1x80x128xi32, #tpu.memory_space<hbm>>
      %dma_wait3A_26 = tpu.memref_squeeze %dma_wait3A_25 : memref<1x80x128xi32, #tpu.memory_space<hbm>> -> memref<80x128xi32, #tpu.memory_space<hbm>>
      tpu.wait_dma2 semaphore(%run_scoped3A : memref<!tpu.dma_semaphore, #tpu.memory_space<semaphore_mem>>) src(%dma_wait3A_26 : memref<80x128xi32, #tpu.memory_space<hbm>>) dst(%arg6 : memref<80x128xi32, #tpu.memory_space<vmem>>)
      tpu.yield
    }) : () -> ()
    "tpu.region"() ({
      %run_scoped3A = tpu.sem_alloc : memref<!tpu.dma_semaphore, #tpu.memory_space<semaphore_mem>>
      tpu.enqueue_dma source(%arg3 : memref<128x128xf32, #tpu.memory_space<hbm>>) target(%arg7 : memref<128x128xf32, #tpu.memory_space<vmem>>) target_semaphore(%run_scoped3A : memref<!tpu.dma_semaphore, #tpu.memory_space<semaphore_mem>>)
      tpu.wait_dma2 semaphore(%run_scoped3A : memref<!tpu.dma_semaphore, #tpu.memory_space<semaphore_mem>>) src(%arg3 : memref<128x128xf32, #tpu.memory_space<hbm>>) dst(%arg7 : memref<128x128xf32, #tpu.memory_space<vmem>>)
      tpu.yield
    }) : () -> ()
    %mul3A_1 = arith.constant 632 : i32
    %mul3A_2 = arith.muli %arg1, %mul3A_1 : i32
    "tpu.region"() ({
      %run_scoped3A = tpu.sem_alloc : memref<!tpu.dma_semaphore, #tpu.memory_space<semaphore_mem>>
      %dma_start3A = arith.constant 0 : i32
      %dma_start3A_13 = tpu.memref_slice %arg8[%mul3A_2, %dma_start3A] : memref<10112x128xf32, #tpu.memory_space<vmem_shared>> -> memref<632x128xf32, #tpu.memory_space<vmem_shared>>
      tpu.enqueue_dma source(%arg4 : memref<632x128xf32, #tpu.memory_space<hbm>>) target(%dma_start3A_13 : memref<632x128xf32, #tpu.memory_space<vmem_shared>>) target_semaphore(%run_scoped3A : memref<!tpu.dma_semaphore, #tpu.memory_space<semaphore_mem>>)
      %dma_wait3A = arith.constant 0 : i32
      %dma_wait3A_14 = tpu.memref_slice %arg8[%mul3A_2, %dma_wait3A] : memref<10112x128xf32, #tpu.memory_space<vmem_shared>> -> memref<632x128xf32, #tpu.memory_space<vmem_shared>>
      tpu.wait_dma2 semaphore(%run_scoped3A : memref<!tpu.dma_semaphore, #tpu.memory_space<semaphore_mem>>) src(%arg4 : memref<632x128xf32, #tpu.memory_space<hbm>>) dst(%dma_wait3A_14 : memref<632x128xf32, #tpu.memory_space<vmem_shared>>)
      tpu.yield
    }) : () -> ()
    %barrier3A = arith.constant 0 : index
    tpu.barrier barrier_id(%barrier3A)
    %scan3A = arith.constant 0 : i32
    %scan3A_3 = arith.constant 0 : i32
    %scan3A_4 = arith.constant 80 : i32
    %scan3A_5 = arith.addi %scan3A_3, %scan3A_4 : i32
    %scan3A_6 = arith.constant 1 : i32
    scf.for %scan3A_13 = %scan3A_3 to %scan3A_5 step %scan3A_6  : i32 {
      "tpu.region"() ({
        %run_scoped3A = tpu.sem_alloc : memref<!tpu.dma_semaphore, #tpu.memory_space<semaphore_mem>>
        %dma_start3A = arith.constant 0 : i32
        %dma_start3A_14 = tpu.memref_slice %arg6[%scan3A_13, %dma_start3A] : memref<80x128xi32, #tpu.memory_space<vmem>> -> memref<1x128xi32, #tpu.memory_space<vmem>>
        %dma_start3A_15 = tpu.memref_squeeze %dma_start3A_14 : memref<1x128xi32, #tpu.memory_space<vmem>> -> memref<128xi32, #tpu.memory_space<vmem>>
        %dma_start3A_16 = arith.constant 0 : i32
        %dma_start3A_17 = arith.constant 0 : i32
        %dma_start3A_18 = tpu.memref_slice %arg8[%dma_start3A_16, %dma_start3A_17] : memref<10112x128xf32, #tpu.memory_space<vmem_shared>> -> memref<10112x128xf32, #tpu.memory_space<vmem_shared>>
        tpu.enqueue_indirect_dma source(%arg7 : memref<128x128xf32, #tpu.memory_space<vmem>>) target(%dma_start3A_18 : memref<10112x128xf32, #tpu.memory_space<vmem_shared>>) offsets(%dma_start3A_15 : memref<128xi32, #tpu.memory_space<vmem>>) semaphore(%run_scoped3A : memref<!tpu.dma_semaphore, #tpu.memory_space<semaphore_mem>>) {add = true}
        %dma_wait3A = arith.constant 0 : i32
        %dma_wait3A_19 = tpu.memref_slice %arg6[%scan3A_13, %dma_wait3A] : memref<80x128xi32, #tpu.memory_space<vmem>> -> memref<1x128xi32, #tpu.memory_space<vmem>>
        %dma_wait3A_20 = tpu.memref_squeeze %dma_wait3A_19 : memref<1x128xi32, #tpu.memory_space<vmem>> -> memref<128xi32, #tpu.memory_space<vmem>>
        %dma_wait3A_21 = arith.constant 0 : i32
        %dma_wait3A_22 = arith.constant 0 : i32
        %dma_wait3A_23 = tpu.memref_slice %arg8[%dma_wait3A_21, %dma_wait3A_22] : memref<10112x128xf32, #tpu.memory_space<vmem_shared>> -> memref<10112x128xf32, #tpu.memory_space<vmem_shared>>
        tpu.wait_indirect_dma semaphore(%run_scoped3A : memref<!tpu.dma_semaphore, #tpu.memory_space<semaphore_mem>>) src(%arg7 : memref<128x128xf32, #tpu.memory_space<vmem>>) dst(%dma_wait3A_23 : memref<10112x128xf32, #tpu.memory_space<vmem_shared>>)
        tpu.yield
      }) : () -> ()
    }
    %scan3A_7 = arith.constant 80 : i32
    %barrier3A_8 = arith.constant 0 : index
    tpu.barrier barrier_id(%barrier3A_8)
    %mul3A_9 = arith.constant 632 : i32
    %mul3A_10 = arith.muli %arg1, %mul3A_9 : i32
    %mul3A_11 = arith.constant 632 : i32
    %mul3A_12 = arith.muli %arg1, %mul3A_11 : i32
    "tpu.region"() ({
      %run_scoped3A = tpu.sem_alloc : memref<!tpu.dma_semaphore, #tpu.memory_space<semaphore_mem>>
      %dma_start3A = arith.constant 0 : i32
      %dma_start3A_13 = tpu.memref_slice %arg5[%arg0, %mul3A_12, %dma_start3A] : memref<2x10112x128xf32, #tpu.memory_space<hbm>> -> memref<1x632x128xf32, #tpu.memory_space<hbm>>
      %dma_start3A_14 = tpu.memref_squeeze %dma_start3A_13 : memref<1x632x128xf32, #tpu.memory_space<hbm>> -> memref<632x128xf32, #tpu.memory_space<hbm>>
      %dma_start3A_15 = arith.constant 0 : i32
      %dma_start3A_16 = tpu.memref_slice %arg8[%mul3A_10, %dma_start3A_15] : memref<10112x128xf32, #tpu.memory_space<vmem_shared>> -> memref<632x128xf32, #tpu.memory_space<vmem_shared>>
      tpu.enqueue_dma source(%dma_start3A_16 : memref<632x128xf32, #tpu.memory_space<vmem_shared>>) target(%dma_start3A_14 : memref<632x128xf32, #tpu.memory_space<hbm>>) target_semaphore(%run_scoped3A : memref<!tpu.dma_semaphore, #tpu.memory_space<semaphore_mem>>)
      %dma_wait3A = arith.constant 0 : i32
      %dma_wait3A_17 = tpu.memref_slice %arg5[%arg0, %mul3A_12, %dma_wait3A] : memref<2x10112x128xf32, #tpu.memory_space<hbm>> -> memref<1x632x128xf32, #tpu.memory_space<hbm>>
      %dma_wait3A_18 = tpu.memref_squeeze %dma_wait3A_17 : memref<1x632x128xf32, #tpu.memory_space<hbm>> -> memref<632x128xf32, #tpu.memory_space<hbm>>
      %dma_wait3A_19 = arith.constant 0 : i32
      %dma_wait3A_20 = tpu.memref_slice %arg8[%mul3A_10, %dma_wait3A_19] : memref<10112x128xf32, #tpu.memory_space<vmem_shared>> -> memref<632x128xf32, #tpu.memory_space<vmem_shared>>
      tpu.wait_dma2 semaphore(%run_scoped3A : memref<!tpu.dma_semaphore, #tpu.memory_space<semaphore_mem>>) src(%dma_wait3A_20 : memref<632x128xf32, #tpu.memory_space<vmem_shared>>) dst(%dma_wait3A_18 : memref<632x128xf32, #tpu.memory_space<hbm>>)
      tpu.yield
    }) : () -> ()
    return
  }
}

#map = affine_map<(d0, d1) -> (0, 0)>
#map1 = affine_map<(d0, d1) -> (0, 0, 0)>
module attributes {stable_mosaic.version = 14 : i64} {
  func.func @_sc_agg_body(%arg0: i32, %arg1: i32, %arg2: memref<10000x128xf32, #tpu.memory_space<hbm>>, %arg3: memref<32x80x128xi32, #tpu.memory_space<hbm>>, %arg4: memref<32x80x128xi32, #tpu.memory_space<hbm>>, %arg5: memref<632x128xf32, #tpu.memory_space<hbm>>, %arg6: memref<2x10112x128xf32, #tpu.memory_space<hbm>>, %arg7: memref<8x128xi32, #tpu.memory_space<vmem>>, %arg8: memref<8x128xi32, #tpu.memory_space<vmem>>, %arg9: memref<128x128xf32, #tpu.memory_space<vmem>>, %arg10: memref<128x128xf32, #tpu.memory_space<vmem>>, %arg11: memref<10112x128xf32, #tpu.memory_space<vmem_shared>>, %arg12: memref<!tpu.dma_semaphore, #tpu.memory_space<semaphore_mem>>, %arg13: memref<!tpu.dma_semaphore, #tpu.memory_space<semaphore_mem>>) attributes {dimension_semantics = [#tpu.dimension_semantics<core_parallel>, #tpu.dimension_semantics<subcore_parallel>], iteration_bounds = array<i64: 2, 16>, scalar_prefetch = 0 : i64, scratch_operands = 7 : i64, tpu.core_type = #tpu.core_type<sc_vector_subcore>, window_params = [{transform_indices = #map}, {transform_indices = #map1}, {transform_indices = #map1}, {transform_indices = #map}, {transform_indices = #map1}]} {
    %mul3A = arith.constant 16 : i32
    %mul3A_0 = arith.muli %arg0, %mul3A : i32
    %add3A = arith.addi %mul3A_0, %arg1 : i32
    %mul3A_1 = arith.constant 632 : i32
    %mul3A_2 = arith.muli %arg1, %mul3A_1 : i32
    "tpu.region"() ({
      %run_scoped3A = tpu.sem_alloc : memref<!tpu.dma_semaphore, #tpu.memory_space<semaphore_mem>>
      %dma_start3A = arith.constant 0 : i32
      %dma_start3A_13 = tpu.memref_slice %arg11[%mul3A_2, %dma_start3A] : memref<10112x128xf32, #tpu.memory_space<vmem_shared>> -> memref<632x128xf32, #tpu.memory_space<vmem_shared>>
      tpu.enqueue_dma source(%arg5 : memref<632x128xf32, #tpu.memory_space<hbm>>) target(%dma_start3A_13 : memref<632x128xf32, #tpu.memory_space<vmem_shared>>) target_semaphore(%run_scoped3A : memref<!tpu.dma_semaphore, #tpu.memory_space<semaphore_mem>>)
      %dma_wait3A = arith.constant 0 : i32
      %dma_wait3A_14 = tpu.memref_slice %arg11[%mul3A_2, %dma_wait3A] : memref<10112x128xf32, #tpu.memory_space<vmem_shared>> -> memref<632x128xf32, #tpu.memory_space<vmem_shared>>
      tpu.wait_dma2 semaphore(%run_scoped3A : memref<!tpu.dma_semaphore, #tpu.memory_space<semaphore_mem>>) src(%arg5 : memref<632x128xf32, #tpu.memory_space<hbm>>) dst(%dma_wait3A_14 : memref<632x128xf32, #tpu.memory_space<vmem_shared>>)
      tpu.yield
    }) : () -> ()
    %barrier3A = arith.constant 0 : index
    tpu.barrier barrier_id(%barrier3A)
    %scan3A = arith.constant 0 : i32
    %scan3A_3 = arith.constant 0 : i32
    %scan3A_4 = arith.constant 10 : i32
    %scan3A_5 = arith.addi %scan3A_3, %scan3A_4 : i32
    %scan3A_6 = arith.constant 1 : i32
    scf.for %scan3A_13 = %scan3A_3 to %scan3A_5 step %scan3A_6  : i32 {
      %mul3A_14 = arith.constant 8 : i32
      %mul3A_15 = arith.muli %scan3A_13, %mul3A_14 : i32
      "tpu.region"() ({
        %run_scoped3A_135 = tpu.sem_alloc : memref<!tpu.dma_semaphore, #tpu.memory_space<semaphore_mem>>
        %dma_start3A_136 = arith.constant 0 : i32
        %dma_start3A_137 = tpu.memref_slice %arg3[%add3A, %mul3A_15, %dma_start3A_136] : memref<32x80x128xi32, #tpu.memory_space<hbm>> -> memref<1x8x128xi32, #tpu.memory_space<hbm>>
        %dma_start3A_138 = tpu.memref_squeeze %dma_start3A_137 : memref<1x8x128xi32, #tpu.memory_space<hbm>> -> memref<8x128xi32, #tpu.memory_space<hbm>>
        %dma_start3A_139 = arith.constant 0 : i32
        %dma_start3A_140 = tpu.memref_slice %arg3[%add3A, %mul3A_15, %dma_start3A_139] : memref<32x80x128xi32, #tpu.memory_space<hbm>> -> memref<1x8x128xi32, #tpu.memory_space<hbm>>
        %dma_start3A_141 = tpu.memref_squeeze %dma_start3A_140 : memref<1x8x128xi32, #tpu.memory_space<hbm>> -> memref<8x128xi32, #tpu.memory_space<hbm>>
        tpu.enqueue_dma source(%dma_start3A_141 : memref<8x128xi32, #tpu.memory_space<hbm>>) target(%arg7 : memref<8x128xi32, #tpu.memory_space<vmem>>) target_semaphore(%run_scoped3A_135 : memref<!tpu.dma_semaphore, #tpu.memory_space<semaphore_mem>>)
        %dma_wait3A_142 = arith.constant 0 : i32
        %dma_wait3A_143 = tpu.memref_slice %arg3[%add3A, %mul3A_15, %dma_wait3A_142] : memref<32x80x128xi32, #tpu.memory_space<hbm>> -> memref<1x8x128xi32, #tpu.memory_space<hbm>>
        %dma_wait3A_144 = tpu.memref_squeeze %dma_wait3A_143 : memref<1x8x128xi32, #tpu.memory_space<hbm>> -> memref<8x128xi32, #tpu.memory_space<hbm>>
        %dma_wait3A_145 = arith.constant 0 : i32
        %dma_wait3A_146 = tpu.memref_slice %arg3[%add3A, %mul3A_15, %dma_wait3A_145] : memref<32x80x128xi32, #tpu.memory_space<hbm>> -> memref<1x8x128xi32, #tpu.memory_space<hbm>>
        %dma_wait3A_147 = tpu.memref_squeeze %dma_wait3A_146 : memref<1x8x128xi32, #tpu.memory_space<hbm>> -> memref<8x128xi32, #tpu.memory_space<hbm>>
        tpu.wait_dma2 semaphore(%run_scoped3A_135 : memref<!tpu.dma_semaphore, #tpu.memory_space<semaphore_mem>>) src(%dma_wait3A_147 : memref<8x128xi32, #tpu.memory_space<hbm>>) dst(%arg7 : memref<8x128xi32, #tpu.memory_space<vmem>>)
        tpu.yield
      }) : () -> ()
      %mul3A_16 = arith.constant 8 : i32
      %mul3A_17 = arith.muli %scan3A_13, %mul3A_16 : i32
      "tpu.region"() ({
        %run_scoped3A_135 = tpu.sem_alloc : memref<!tpu.dma_semaphore, #tpu.memory_space<semaphore_mem>>
        %dma_start3A_136 = arith.constant 0 : i32
        %dma_start3A_137 = tpu.memref_slice %arg4[%add3A, %mul3A_17, %dma_start3A_136] : memref<32x80x128xi32, #tpu.memory_space<hbm>> -> memref<1x8x128xi32, #tpu.memory_space<hbm>>
        %dma_start3A_138 = tpu.memref_squeeze %dma_start3A_137 : memref<1x8x128xi32, #tpu.memory_space<hbm>> -> memref<8x128xi32, #tpu.memory_space<hbm>>
        %dma_start3A_139 = arith.constant 0 : i32
        %dma_start3A_140 = tpu.memref_slice %arg4[%add3A, %mul3A_17, %dma_start3A_139] : memref<32x80x128xi32, #tpu.memory_space<hbm>> -> memref<1x8x128xi32, #tpu.memory_space<hbm>>
        %dma_start3A_141 = tpu.memref_squeeze %dma_start3A_140 : memref<1x8x128xi32, #tpu.memory_space<hbm>> -> memref<8x128xi32, #tpu.memory_space<hbm>>
        tpu.enqueue_dma source(%dma_start3A_141 : memref<8x128xi32, #tpu.memory_space<hbm>>) target(%arg8 : memref<8x128xi32, #tpu.memory_space<vmem>>) target_semaphore(%run_scoped3A_135 : memref<!tpu.dma_semaphore, #tpu.memory_space<semaphore_mem>>)
        %dma_wait3A_142 = arith.constant 0 : i32
        %dma_wait3A_143 = tpu.memref_slice %arg4[%add3A, %mul3A_17, %dma_wait3A_142] : memref<32x80x128xi32, #tpu.memory_space<hbm>> -> memref<1x8x128xi32, #tpu.memory_space<hbm>>
        %dma_wait3A_144 = tpu.memref_squeeze %dma_wait3A_143 : memref<1x8x128xi32, #tpu.memory_space<hbm>> -> memref<8x128xi32, #tpu.memory_space<hbm>>
        %dma_wait3A_145 = arith.constant 0 : i32
        %dma_wait3A_146 = tpu.memref_slice %arg4[%add3A, %mul3A_17, %dma_wait3A_145] : memref<32x80x128xi32, #tpu.memory_space<hbm>> -> memref<1x8x128xi32, #tpu.memory_space<hbm>>
        %dma_wait3A_147 = tpu.memref_squeeze %dma_wait3A_146 : memref<1x8x128xi32, #tpu.memory_space<hbm>> -> memref<8x128xi32, #tpu.memory_space<hbm>>
        tpu.wait_dma2 semaphore(%run_scoped3A_135 : memref<!tpu.dma_semaphore, #tpu.memory_space<semaphore_mem>>) src(%dma_wait3A_147 : memref<8x128xi32, #tpu.memory_space<hbm>>) dst(%arg8 : memref<8x128xi32, #tpu.memory_space<vmem>>)
        tpu.yield
      }) : () -> ()
      %dma_start3A = arith.constant 0 : i32
      %dma_start3A_18 = arith.constant 0 : i32
      %dma_start3A_19 = tpu.memref_slice %arg7[%dma_start3A, %dma_start3A_18] : memref<8x128xi32, #tpu.memory_space<vmem>> -> memref<1x128xi32, #tpu.memory_space<vmem>>
      %dma_start3A_20 = tpu.memref_squeeze %dma_start3A_19 : memref<1x128xi32, #tpu.memory_space<vmem>> -> memref<128xi32, #tpu.memory_space<vmem>>
      %dma_start3A_21 = arith.constant 0 : i32
      %dma_start3A_22 = arith.constant 0 : i32
      %dma_start3A_23 = tpu.memref_slice %arg2[%dma_start3A_21, %dma_start3A_22] : memref<10000x128xf32, #tpu.memory_space<hbm>> -> memref<10000x128xf32, #tpu.memory_space<hbm>>
      tpu.enqueue_indirect_dma source(%dma_start3A_23 : memref<10000x128xf32, #tpu.memory_space<hbm>>) target(%arg9 : memref<128x128xf32, #tpu.memory_space<vmem>>) offsets(%dma_start3A_20 : memref<128xi32, #tpu.memory_space<vmem>>) semaphore(%arg12 : memref<!tpu.dma_semaphore, #tpu.memory_space<semaphore_mem>>)
      %dma_start3A_24 = arith.constant 1 : i32
      %dma_start3A_25 = arith.constant 0 : i32
      %dma_start3A_26 = tpu.memref_slice %arg7[%dma_start3A_24, %dma_start3A_25] : memref<8x128xi32, #tpu.memory_space<vmem>> -> memref<1x128xi32, #tpu.memory_space<vmem>>
      %dma_start3A_27 = tpu.memref_squeeze %dma_start3A_26 : memref<1x128xi32, #tpu.memory_space<vmem>> -> memref<128xi32, #tpu.memory_space<vmem>>
      %dma_start3A_28 = arith.constant 0 : i32
      %dma_start3A_29 = arith.constant 0 : i32
      %dma_start3A_30 = tpu.memref_slice %arg2[%dma_start3A_28, %dma_start3A_29] : memref<10000x128xf32, #tpu.memory_space<hbm>> -> memref<10000x128xf32, #tpu.memory_space<hbm>>
      tpu.enqueue_indirect_dma source(%dma_start3A_30 : memref<10000x128xf32, #tpu.memory_space<hbm>>) target(%arg10 : memref<128x128xf32, #tpu.memory_space<vmem>>) offsets(%dma_start3A_27 : memref<128xi32, #tpu.memory_space<vmem>>) semaphore(%arg13 : memref<!tpu.dma_semaphore, #tpu.memory_space<semaphore_mem>>)
      %dma_wait3A = arith.constant 0 : i32
      %dma_wait3A_31 = arith.constant 0 : i32
      %dma_wait3A_32 = tpu.memref_slice %arg7[%dma_wait3A, %dma_wait3A_31] : memref<8x128xi32, #tpu.memory_space<vmem>> -> memref<1x128xi32, #tpu.memory_space<vmem>>
      %dma_wait3A_33 = tpu.memref_squeeze %dma_wait3A_32 : memref<1x128xi32, #tpu.memory_space<vmem>> -> memref<128xi32, #tpu.memory_space<vmem>>
      %dma_wait3A_34 = arith.constant 0 : i32
      %dma_wait3A_35 = arith.constant 0 : i32
      %dma_wait3A_36 = tpu.memref_slice %arg2[%dma_wait3A_34, %dma_wait3A_35] : memref<10000x128xf32, #tpu.memory_space<hbm>> -> memref<10000x128xf32, #tpu.memory_space<hbm>>
      tpu.wait_indirect_dma semaphore(%arg12 : memref<!tpu.dma_semaphore, #tpu.memory_space<semaphore_mem>>) src(%dma_wait3A_36 : memref<10000x128xf32, #tpu.memory_space<hbm>>) dst(%arg9 : memref<128x128xf32, #tpu.memory_space<vmem>>)
      %run_scoped3A = arith.constant 0 : i32
      "tpu.region"() ({
        %run_scoped3A_135 = tpu.sem_alloc : memref<!tpu.dma_semaphore, #tpu.memory_space<semaphore_mem>>
        %dma_start3A_136 = arith.constant 0 : i32
        %dma_start3A_137 = tpu.memref_slice %arg8[%run_scoped3A, %dma_start3A_136] : memref<8x128xi32, #tpu.memory_space<vmem>> -> memref<1x128xi32, #tpu.memory_space<vmem>>
        %dma_start3A_138 = tpu.memref_squeeze %dma_start3A_137 : memref<1x128xi32, #tpu.memory_space<vmem>> -> memref<128xi32, #tpu.memory_space<vmem>>
        %dma_start3A_139 = arith.constant 0 : i32
        %dma_start3A_140 = arith.constant 0 : i32
        %dma_start3A_141 = tpu.memref_slice %arg11[%dma_start3A_139, %dma_start3A_140] : memref<10112x128xf32, #tpu.memory_space<vmem_shared>> -> memref<10112x128xf32, #tpu.memory_space<vmem_shared>>
        tpu.enqueue_indirect_dma source(%arg9 : memref<128x128xf32, #tpu.memory_space<vmem>>) target(%dma_start3A_141 : memref<10112x128xf32, #tpu.memory_space<vmem_shared>>) offsets(%dma_start3A_138 : memref<128xi32, #tpu.memory_space<vmem>>) semaphore(%run_scoped3A_135 : memref<!tpu.dma_semaphore, #tpu.memory_space<semaphore_mem>>) {add = true}
        %dma_wait3A_142 = arith.constant 0 : i32
        %dma_wait3A_143 = tpu.memref_slice %arg8[%run_scoped3A, %dma_wait3A_142] : memref<8x128xi32, #tpu.memory_space<vmem>> -> memref<1x128xi32, #tpu.memory_space<vmem>>
        %dma_wait3A_144 = tpu.memref_squeeze %dma_wait3A_143 : memref<1x128xi32, #tpu.memory_space<vmem>> -> memref<128xi32, #tpu.memory_space<vmem>>
        %dma_wait3A_145 = arith.constant 0 : i32
        %dma_wait3A_146 = arith.constant 0 : i32
        %dma_wait3A_147 = tpu.memref_slice %arg11[%dma_wait3A_145, %dma_wait3A_146] : memref<10112x128xf32, #tpu.memory_space<vmem_shared>> -> memref<10112x128xf32, #tpu.memory_space<vmem_shared>>
        tpu.wait_indirect_dma semaphore(%run_scoped3A_135 : memref<!tpu.dma_semaphore, #tpu.memory_space<semaphore_mem>>) src(%arg9 : memref<128x128xf32, #tpu.memory_space<vmem>>) dst(%dma_wait3A_147 : memref<10112x128xf32, #tpu.memory_space<vmem_shared>>)
        tpu.yield
      }) : () -> ()
      %dma_start3A_37 = arith.constant 2 : i32
      %dma_start3A_38 = arith.constant 0 : i32
      %dma_start3A_39 = tpu.memref_slice %arg7[%dma_start3A_37, %dma_start3A_38] : memref<8x128xi32, #tpu.memory_space<vmem>> -> memref<1x128xi32, #tpu.memory_space<vmem>>
      %dma_start3A_40 = tpu.memref_squeeze %dma_start3A_39 : memref<1x128xi32, #tpu.memory_space<vmem>> -> memref<128xi32, #tpu.memory_space<vmem>>
      %dma_start3A_41 = arith.constant 0 : i32
      %dma_start3A_42 = arith.constant 0 : i32
      %dma_start3A_43 = tpu.memref_slice %arg2[%dma_start3A_41, %dma_start3A_42] : memref<10000x128xf32, #tpu.memory_space<hbm>> -> memref<10000x128xf32, #tpu.memory_space<hbm>>
      tpu.enqueue_indirect_dma source(%dma_start3A_43 : memref<10000x128xf32, #tpu.memory_space<hbm>>) target(%arg9 : memref<128x128xf32, #tpu.memory_space<vmem>>) offsets(%dma_start3A_40 : memref<128xi32, #tpu.memory_space<vmem>>) semaphore(%arg12 : memref<!tpu.dma_semaphore, #tpu.memory_space<semaphore_mem>>)
      %dma_wait3A_44 = arith.constant 1 : i32
      %dma_wait3A_45 = arith.constant 0 : i32
      %dma_wait3A_46 = tpu.memref_slice %arg7[%dma_wait3A_44, %dma_wait3A_45] : memref<8x128xi32, #tpu.memory_space<vmem>> -> memref<1x128xi32, #tpu.memory_space<vmem>>
      %dma_wait3A_47 = tpu.memref_squeeze %dma_wait3A_46 : memref<1x128xi32, #tpu.memory_space<vmem>> -> memref<128xi32, #tpu.memory_space<vmem>>
      %dma_wait3A_48 = arith.constant 0 : i32
      %dma_wait3A_49 = arith.constant 0 : i32
      %dma_wait3A_50 = tpu.memref_slice %arg2[%dma_wait3A_48, %dma_wait3A_49] : memref<10000x128xf32, #tpu.memory_space<hbm>> -> memref<10000x128xf32, #tpu.memory_space<hbm>>
      tpu.wait_indirect_dma semaphore(%arg13 : memref<!tpu.dma_semaphore, #tpu.memory_space<semaphore_mem>>) src(%dma_wait3A_50 : memref<10000x128xf32, #tpu.memory_space<hbm>>) dst(%arg10 : memref<128x128xf32, #tpu.memory_space<vmem>>)
      %run_scoped3A_51 = arith.constant 1 : i32
      "tpu.region"() ({
        %run_scoped3A_135 = tpu.sem_alloc : memref<!tpu.dma_semaphore, #tpu.memory_space<semaphore_mem>>
        %dma_start3A_136 = arith.constant 0 : i32
        %dma_start3A_137 = tpu.memref_slice %arg8[%run_scoped3A_51, %dma_start3A_136] : memref<8x128xi32, #tpu.memory_space<vmem>> -> memref<1x128xi32, #tpu.memory_space<vmem>>
        %dma_start3A_138 = tpu.memref_squeeze %dma_start3A_137 : memref<1x128xi32, #tpu.memory_space<vmem>> -> memref<128xi32, #tpu.memory_space<vmem>>
        %dma_start3A_139 = arith.constant 0 : i32
        %dma_start3A_140 = arith.constant 0 : i32
        %dma_start3A_141 = tpu.memref_slice %arg11[%dma_start3A_139, %dma_start3A_140] : memref<10112x128xf32, #tpu.memory_space<vmem_shared>> -> memref<10112x128xf32, #tpu.memory_space<vmem_shared>>
        tpu.enqueue_indirect_dma source(%arg10 : memref<128x128xf32, #tpu.memory_space<vmem>>) target(%dma_start3A_141 : memref<10112x128xf32, #tpu.memory_space<vmem_shared>>) offsets(%dma_start3A_138 : memref<128xi32, #tpu.memory_space<vmem>>) semaphore(%run_scoped3A_135 : memref<!tpu.dma_semaphore, #tpu.memory_space<semaphore_mem>>) {add = true}
        %dma_wait3A_142 = arith.constant 0 : i32
        %dma_wait3A_143 = tpu.memref_slice %arg8[%run_scoped3A_51, %dma_wait3A_142] : memref<8x128xi32, #tpu.memory_space<vmem>> -> memref<1x128xi32, #tpu.memory_space<vmem>>
        %dma_wait3A_144 = tpu.memref_squeeze %dma_wait3A_143 : memref<1x128xi32, #tpu.memory_space<vmem>> -> memref<128xi32, #tpu.memory_space<vmem>>
        %dma_wait3A_145 = arith.constant 0 : i32
        %dma_wait3A_146 = arith.constant 0 : i32
        %dma_wait3A_147 = tpu.memref_slice %arg11[%dma_wait3A_145, %dma_wait3A_146] : memref<10112x128xf32, #tpu.memory_space<vmem_shared>> -> memref<10112x128xf32, #tpu.memory_space<vmem_shared>>
        tpu.wait_indirect_dma semaphore(%run_scoped3A_135 : memref<!tpu.dma_semaphore, #tpu.memory_space<semaphore_mem>>) src(%arg10 : memref<128x128xf32, #tpu.memory_space<vmem>>) dst(%dma_wait3A_147 : memref<10112x128xf32, #tpu.memory_space<vmem_shared>>)
        tpu.yield
      }) : () -> ()
      %dma_start3A_52 = arith.constant 3 : i32
      %dma_start3A_53 = arith.constant 0 : i32
      %dma_start3A_54 = tpu.memref_slice %arg7[%dma_start3A_52, %dma_start3A_53] : memref<8x128xi32, #tpu.memory_space<vmem>> -> memref<1x128xi32, #tpu.memory_space<vmem>>
      %dma_start3A_55 = tpu.memref_squeeze %dma_start3A_54 : memref<1x128xi32, #tpu.memory_space<vmem>> -> memref<128xi32, #tpu.memory_space<vmem>>
      %dma_start3A_56 = arith.constant 0 : i32
      %dma_start3A_57 = arith.constant 0 : i32
      %dma_start3A_58 = tpu.memref_slice %arg2[%dma_start3A_56, %dma_start3A_57] : memref<10000x128xf32, #tpu.memory_space<hbm>> -> memref<10000x128xf32, #tpu.memory_space<hbm>>
      tpu.enqueue_indirect_dma source(%dma_start3A_58 : memref<10000x128xf32, #tpu.memory_space<hbm>>) target(%arg10 : memref<128x128xf32, #tpu.memory_space<vmem>>) offsets(%dma_start3A_55 : memref<128xi32, #tpu.memory_space<vmem>>) semaphore(%arg13 : memref<!tpu.dma_semaphore, #tpu.memory_space<semaphore_mem>>)
      %dma_wait3A_59 = arith.constant 2 : i32
      %dma_wait3A_60 = arith.constant 0 : i32
      %dma_wait3A_61 = tpu.memref_slice %arg7[%dma_wait3A_59, %dma_wait3A_60] : memref<8x128xi32, #tpu.memory_space<vmem>> -> memref<1x128xi32, #tpu.memory_space<vmem>>
      %dma_wait3A_62 = tpu.memref_squeeze %dma_wait3A_61 : memref<1x128xi32, #tpu.memory_space<vmem>> -> memref<128xi32, #tpu.memory_space<vmem>>
      %dma_wait3A_63 = arith.constant 0 : i32
      %dma_wait3A_64 = arith.constant 0 : i32
      %dma_wait3A_65 = tpu.memref_slice %arg2[%dma_wait3A_63, %dma_wait3A_64] : memref<10000x128xf32, #tpu.memory_space<hbm>> -> memref<10000x128xf32, #tpu.memory_space<hbm>>
      tpu.wait_indirect_dma semaphore(%arg12 : memref<!tpu.dma_semaphore, #tpu.memory_space<semaphore_mem>>) src(%dma_wait3A_65 : memref<10000x128xf32, #tpu.memory_space<hbm>>) dst(%arg9 : memref<128x128xf32, #tpu.memory_space<vmem>>)
      %run_scoped3A_66 = arith.constant 2 : i32
      "tpu.region"() ({
        %run_scoped3A_135 = tpu.sem_alloc : memref<!tpu.dma_semaphore, #tpu.memory_space<semaphore_mem>>
        %dma_start3A_136 = arith.constant 0 : i32
        %dma_start3A_137 = tpu.memref_slice %arg8[%run_scoped3A_66, %dma_start3A_136] : memref<8x128xi32, #tpu.memory_space<vmem>> -> memref<1x128xi32, #tpu.memory_space<vmem>>
        %dma_start3A_138 = tpu.memref_squeeze %dma_start3A_137 : memref<1x128xi32, #tpu.memory_space<vmem>> -> memref<128xi32, #tpu.memory_space<vmem>>
        %dma_start3A_139 = arith.constant 0 : i32
        %dma_start3A_140 = arith.constant 0 : i32
        %dma_start3A_141 = tpu.memref_slice %arg11[%dma_start3A_139, %dma_start3A_140] : memref<10112x128xf32, #tpu.memory_space<vmem_shared>> -> memref<10112x128xf32, #tpu.memory_space<vmem_shared>>
        tpu.enqueue_indirect_dma source(%arg9 : memref<128x128xf32, #tpu.memory_space<vmem>>) target(%dma_start3A_141 : memref<10112x128xf32, #tpu.memory_space<vmem_shared>>) offsets(%dma_start3A_138 : memref<128xi32, #tpu.memory_space<vmem>>) semaphore(%run_scoped3A_135 : memref<!tpu.dma_semaphore, #tpu.memory_space<semaphore_mem>>) {add = true}
        %dma_wait3A_142 = arith.constant 0 : i32
        %dma_wait3A_143 = tpu.memref_slice %arg8[%run_scoped3A_66, %dma_wait3A_142] : memref<8x128xi32, #tpu.memory_space<vmem>> -> memref<1x128xi32, #tpu.memory_space<vmem>>
        %dma_wait3A_144 = tpu.memref_squeeze %dma_wait3A_143 : memref<1x128xi32, #tpu.memory_space<vmem>> -> memref<128xi32, #tpu.memory_space<vmem>>
        %dma_wait3A_145 = arith.constant 0 : i32
        %dma_wait3A_146 = arith.constant 0 : i32
        %dma_wait3A_147 = tpu.memref_slice %arg11[%dma_wait3A_145, %dma_wait3A_146] : memref<10112x128xf32, #tpu.memory_space<vmem_shared>> -> memref<10112x128xf32, #tpu.memory_space<vmem_shared>>
        tpu.wait_indirect_dma semaphore(%run_scoped3A_135 : memref<!tpu.dma_semaphore, #tpu.memory_space<semaphore_mem>>) src(%arg9 : memref<128x128xf32, #tpu.memory_space<vmem>>) dst(%dma_wait3A_147 : memref<10112x128xf32, #tpu.memory_space<vmem_shared>>)
        tpu.yield
      }) : () -> ()
      %dma_start3A_67 = arith.constant 4 : i32
      %dma_start3A_68 = arith.constant 0 : i32
      %dma_start3A_69 = tpu.memref_slice %arg7[%dma_start3A_67, %dma_start3A_68] : memref<8x128xi32, #tpu.memory_space<vmem>> -> memref<1x128xi32, #tpu.memory_space<vmem>>
      %dma_start3A_70 = tpu.memref_squeeze %dma_start3A_69 : memref<1x128xi32, #tpu.memory_space<vmem>> -> memref<128xi32, #tpu.memory_space<vmem>>
      %dma_start3A_71 = arith.constant 0 : i32
      %dma_start3A_72 = arith.constant 0 : i32
      %dma_start3A_73 = tpu.memref_slice %arg2[%dma_start3A_71, %dma_start3A_72] : memref<10000x128xf32, #tpu.memory_space<hbm>> -> memref<10000x128xf32, #tpu.memory_space<hbm>>
      tpu.enqueue_indirect_dma source(%dma_start3A_73 : memref<10000x128xf32, #tpu.memory_space<hbm>>) target(%arg9 : memref<128x128xf32, #tpu.memory_space<vmem>>) offsets(%dma_start3A_70 : memref<128xi32, #tpu.memory_space<vmem>>) semaphore(%arg12 : memref<!tpu.dma_semaphore, #tpu.memory_space<semaphore_mem>>)
      %dma_wait3A_74 = arith.constant 3 : i32
      %dma_wait3A_75 = arith.constant 0 : i32
      %dma_wait3A_76 = tpu.memref_slice %arg7[%dma_wait3A_74, %dma_wait3A_75] : memref<8x128xi32, #tpu.memory_space<vmem>> -> memref<1x128xi32, #tpu.memory_space<vmem>>
      %dma_wait3A_77 = tpu.memref_squeeze %dma_wait3A_76 : memref<1x128xi32, #tpu.memory_space<vmem>> -> memref<128xi32, #tpu.memory_space<vmem>>
      %dma_wait3A_78 = arith.constant 0 : i32
      %dma_wait3A_79 = arith.constant 0 : i32
      %dma_wait3A_80 = tpu.memref_slice %arg2[%dma_wait3A_78, %dma_wait3A_79] : memref<10000x128xf32, #tpu.memory_space<hbm>> -> memref<10000x128xf32, #tpu.memory_space<hbm>>
      tpu.wait_indirect_dma semaphore(%arg13 : memref<!tpu.dma_semaphore, #tpu.memory_space<semaphore_mem>>) src(%dma_wait3A_80 : memref<10000x128xf32, #tpu.memory_space<hbm>>) dst(%arg10 : memref<128x128xf32, #tpu.memory_space<vmem>>)
      %run_scoped3A_81 = arith.constant 3 : i32
      "tpu.region"() ({
        %run_scoped3A_135 = tpu.sem_alloc : memref<!tpu.dma_semaphore, #tpu.memory_space<semaphore_mem>>
        %dma_start3A_136 = arith.constant 0 : i32
        %dma_start3A_137 = tpu.memref_slice %arg8[%run_scoped3A_81, %dma_start3A_136] : memref<8x128xi32, #tpu.memory_space<vmem>> -> memref<1x128xi32, #tpu.memory_space<vmem>>
        %dma_start3A_138 = tpu.memref_squeeze %dma_start3A_137 : memref<1x128xi32, #tpu.memory_space<vmem>> -> memref<128xi32, #tpu.memory_space<vmem>>
        %dma_start3A_139 = arith.constant 0 : i32
        %dma_start3A_140 = arith.constant 0 : i32
        %dma_start3A_141 = tpu.memref_slice %arg11[%dma_start3A_139, %dma_start3A_140] : memref<10112x128xf32, #tpu.memory_space<vmem_shared>> -> memref<10112x128xf32, #tpu.memory_space<vmem_shared>>
        tpu.enqueue_indirect_dma source(%arg10 : memref<128x128xf32, #tpu.memory_space<vmem>>) target(%dma_start3A_141 : memref<10112x128xf32, #tpu.memory_space<vmem_shared>>) offsets(%dma_start3A_138 : memref<128xi32, #tpu.memory_space<vmem>>) semaphore(%run_scoped3A_135 : memref<!tpu.dma_semaphore, #tpu.memory_space<semaphore_mem>>) {add = true}
        %dma_wait3A_142 = arith.constant 0 : i32
        %dma_wait3A_143 = tpu.memref_slice %arg8[%run_scoped3A_81, %dma_wait3A_142] : memref<8x128xi32, #tpu.memory_space<vmem>> -> memref<1x128xi32, #tpu.memory_space<vmem>>
        %dma_wait3A_144 = tpu.memref_squeeze %dma_wait3A_143 : memref<1x128xi32, #tpu.memory_space<vmem>> -> memref<128xi32, #tpu.memory_space<vmem>>
        %dma_wait3A_145 = arith.constant 0 : i32
        %dma_wait3A_146 = arith.constant 0 : i32
        %dma_wait3A_147 = tpu.memref_slice %arg11[%dma_wait3A_145, %dma_wait3A_146] : memref<10112x128xf32, #tpu.memory_space<vmem_shared>> -> memref<10112x128xf32, #tpu.memory_space<vmem_shared>>
        tpu.wait_indirect_dma semaphore(%run_scoped3A_135 : memref<!tpu.dma_semaphore, #tpu.memory_space<semaphore_mem>>) src(%arg10 : memref<128x128xf32, #tpu.memory_space<vmem>>) dst(%dma_wait3A_147 : memref<10112x128xf32, #tpu.memory_space<vmem_shared>>)
        tpu.yield
      }) : () -> ()
      %dma_start3A_82 = arith.constant 5 : i32
      %dma_start3A_83 = arith.constant 0 : i32
      %dma_start3A_84 = tpu.memref_slice %arg7[%dma_start3A_82, %dma_start3A_83] : memref<8x128xi32, #tpu.memory_space<vmem>> -> memref<1x128xi32, #tpu.memory_space<vmem>>
      %dma_start3A_85 = tpu.memref_squeeze %dma_start3A_84 : memref<1x128xi32, #tpu.memory_space<vmem>> -> memref<128xi32, #tpu.memory_space<vmem>>
      %dma_start3A_86 = arith.constant 0 : i32
      %dma_start3A_87 = arith.constant 0 : i32
      %dma_start3A_88 = tpu.memref_slice %arg2[%dma_start3A_86, %dma_start3A_87] : memref<10000x128xf32, #tpu.memory_space<hbm>> -> memref<10000x128xf32, #tpu.memory_space<hbm>>
      tpu.enqueue_indirect_dma source(%dma_start3A_88 : memref<10000x128xf32, #tpu.memory_space<hbm>>) target(%arg10 : memref<128x128xf32, #tpu.memory_space<vmem>>) offsets(%dma_start3A_85 : memref<128xi32, #tpu.memory_space<vmem>>) semaphore(%arg13 : memref<!tpu.dma_semaphore, #tpu.memory_space<semaphore_mem>>)
      %dma_wait3A_89 = arith.constant 4 : i32
      %dma_wait3A_90 = arith.constant 0 : i32
      %dma_wait3A_91 = tpu.memref_slice %arg7[%dma_wait3A_89, %dma_wait3A_90] : memref<8x128xi32, #tpu.memory_space<vmem>> -> memref<1x128xi32, #tpu.memory_space<vmem>>
      %dma_wait3A_92 = tpu.memref_squeeze %dma_wait3A_91 : memref<1x128xi32, #tpu.memory_space<vmem>> -> memref<128xi32, #tpu.memory_space<vmem>>
      %dma_wait3A_93 = arith.constant 0 : i32
      %dma_wait3A_94 = arith.constant 0 : i32
      %dma_wait3A_95 = tpu.memref_slice %arg2[%dma_wait3A_93, %dma_wait3A_94] : memref<10000x128xf32, #tpu.memory_space<hbm>> -> memref<10000x128xf32, #tpu.memory_space<hbm>>
      tpu.wait_indirect_dma semaphore(%arg12 : memref<!tpu.dma_semaphore, #tpu.memory_space<semaphore_mem>>) src(%dma_wait3A_95 : memref<10000x128xf32, #tpu.memory_space<hbm>>) dst(%arg9 : memref<128x128xf32, #tpu.memory_space<vmem>>)
      %run_scoped3A_96 = arith.constant 4 : i32
      "tpu.region"() ({
        %run_scoped3A_135 = tpu.sem_alloc : memref<!tpu.dma_semaphore, #tpu.memory_space<semaphore_mem>>
        %dma_start3A_136 = arith.constant 0 : i32
        %dma_start3A_137 = tpu.memref_slice %arg8[%run_scoped3A_96, %dma_start3A_136] : memref<8x128xi32, #tpu.memory_space<vmem>> -> memref<1x128xi32, #tpu.memory_space<vmem>>
        %dma_start3A_138 = tpu.memref_squeeze %dma_start3A_137 : memref<1x128xi32, #tpu.memory_space<vmem>> -> memref<128xi32, #tpu.memory_space<vmem>>
        %dma_start3A_139 = arith.constant 0 : i32
        %dma_start3A_140 = arith.constant 0 : i32
        %dma_start3A_141 = tpu.memref_slice %arg11[%dma_start3A_139, %dma_start3A_140] : memref<10112x128xf32, #tpu.memory_space<vmem_shared>> -> memref<10112x128xf32, #tpu.memory_space<vmem_shared>>
        tpu.enqueue_indirect_dma source(%arg9 : memref<128x128xf32, #tpu.memory_space<vmem>>) target(%dma_start3A_141 : memref<10112x128xf32, #tpu.memory_space<vmem_shared>>) offsets(%dma_start3A_138 : memref<128xi32, #tpu.memory_space<vmem>>) semaphore(%run_scoped3A_135 : memref<!tpu.dma_semaphore, #tpu.memory_space<semaphore_mem>>) {add = true}
        %dma_wait3A_142 = arith.constant 0 : i32
        %dma_wait3A_143 = tpu.memref_slice %arg8[%run_scoped3A_96, %dma_wait3A_142] : memref<8x128xi32, #tpu.memory_space<vmem>> -> memref<1x128xi32, #tpu.memory_space<vmem>>
        %dma_wait3A_144 = tpu.memref_squeeze %dma_wait3A_143 : memref<1x128xi32, #tpu.memory_space<vmem>> -> memref<128xi32, #tpu.memory_space<vmem>>
        %dma_wait3A_145 = arith.constant 0 : i32
        %dma_wait3A_146 = arith.constant 0 : i32
        %dma_wait3A_147 = tpu.memref_slice %arg11[%dma_wait3A_145, %dma_wait3A_146] : memref<10112x128xf32, #tpu.memory_space<vmem_shared>> -> memref<10112x128xf32, #tpu.memory_space<vmem_shared>>
        tpu.wait_indirect_dma semaphore(%run_scoped3A_135 : memref<!tpu.dma_semaphore, #tpu.memory_space<semaphore_mem>>) src(%arg9 : memref<128x128xf32, #tpu.memory_space<vmem>>) dst(%dma_wait3A_147 : memref<10112x128xf32, #tpu.memory_space<vmem_shared>>)
        tpu.yield
      }) : () -> ()
      %dma_start3A_97 = arith.constant 6 : i32
      %dma_start3A_98 = arith.constant 0 : i32
      %dma_start3A_99 = tpu.memref_slice %arg7[%dma_start3A_97, %dma_start3A_98] : memref<8x128xi32, #tpu.memory_space<vmem>> -> memref<1x128xi32, #tpu.memory_space<vmem>>
      %dma_start3A_100 = tpu.memref_squeeze %dma_start3A_99 : memref<1x128xi32, #tpu.memory_space<vmem>> -> memref<128xi32, #tpu.memory_space<vmem>>
      %dma_start3A_101 = arith.constant 0 : i32
      %dma_start3A_102 = arith.constant 0 : i32
      %dma_start3A_103 = tpu.memref_slice %arg2[%dma_start3A_101, %dma_start3A_102] : memref<10000x128xf32, #tpu.memory_space<hbm>> -> memref<10000x128xf32, #tpu.memory_space<hbm>>
      tpu.enqueue_indirect_dma source(%dma_start3A_103 : memref<10000x128xf32, #tpu.memory_space<hbm>>) target(%arg9 : memref<128x128xf32, #tpu.memory_space<vmem>>) offsets(%dma_start3A_100 : memref<128xi32, #tpu.memory_space<vmem>>) semaphore(%arg12 : memref<!tpu.dma_semaphore, #tpu.memory_space<semaphore_mem>>)
      %dma_wait3A_104 = arith.constant 5 : i32
      %dma_wait3A_105 = arith.constant 0 : i32
      %dma_wait3A_106 = tpu.memref_slice %arg7[%dma_wait3A_104, %dma_wait3A_105] : memref<8x128xi32, #tpu.memory_space<vmem>> -> memref<1x128xi32, #tpu.memory_space<vmem>>
      %dma_wait3A_107 = tpu.memref_squeeze %dma_wait3A_106 : memref<1x128xi32, #tpu.memory_space<vmem>> -> memref<128xi32, #tpu.memory_space<vmem>>
      %dma_wait3A_108 = arith.constant 0 : i32
      %dma_wait3A_109 = arith.constant 0 : i32
      %dma_wait3A_110 = tpu.memref_slice %arg2[%dma_wait3A_108, %dma_wait3A_109] : memref<10000x128xf32, #tpu.memory_space<hbm>> -> memref<10000x128xf32, #tpu.memory_space<hbm>>
      tpu.wait_indirect_dma semaphore(%arg13 : memref<!tpu.dma_semaphore, #tpu.memory_space<semaphore_mem>>) src(%dma_wait3A_110 : memref<10000x128xf32, #tpu.memory_space<hbm>>) dst(%arg10 : memref<128x128xf32, #tpu.memory_space<vmem>>)
      %run_scoped3A_111 = arith.constant 5 : i32
      "tpu.region"() ({
        %run_scoped3A_135 = tpu.sem_alloc : memref<!tpu.dma_semaphore, #tpu.memory_space<semaphore_mem>>
        %dma_start3A_136 = arith.constant 0 : i32
        %dma_start3A_137 = tpu.memref_slice %arg8[%run_scoped3A_111, %dma_start3A_136] : memref<8x128xi32, #tpu.memory_space<vmem>> -> memref<1x128xi32, #tpu.memory_space<vmem>>
        %dma_start3A_138 = tpu.memref_squeeze %dma_start3A_137 : memref<1x128xi32, #tpu.memory_space<vmem>> -> memref<128xi32, #tpu.memory_space<vmem>>
        %dma_start3A_139 = arith.constant 0 : i32
        %dma_start3A_140 = arith.constant 0 : i32
        %dma_start3A_141 = tpu.memref_slice %arg11[%dma_start3A_139, %dma_start3A_140] : memref<10112x128xf32, #tpu.memory_space<vmem_shared>> -> memref<10112x128xf32, #tpu.memory_space<vmem_shared>>
        tpu.enqueue_indirect_dma source(%arg10 : memref<128x128xf32, #tpu.memory_space<vmem>>) target(%dma_start3A_141 : memref<10112x128xf32, #tpu.memory_space<vmem_shared>>) offsets(%dma_start3A_138 : memref<128xi32, #tpu.memory_space<vmem>>) semaphore(%run_scoped3A_135 : memref<!tpu.dma_semaphore, #tpu.memory_space<semaphore_mem>>) {add = true}
        %dma_wait3A_142 = arith.constant 0 : i32
        %dma_wait3A_143 = tpu.memref_slice %arg8[%run_scoped3A_111, %dma_wait3A_142] : memref<8x128xi32, #tpu.memory_space<vmem>> -> memref<1x128xi32, #tpu.memory_space<vmem>>
        %dma_wait3A_144 = tpu.memref_squeeze %dma_wait3A_143 : memref<1x128xi32, #tpu.memory_space<vmem>> -> memref<128xi32, #tpu.memory_space<vmem>>
        %dma_wait3A_145 = arith.constant 0 : i32
        %dma_wait3A_146 = arith.constant 0 : i32
        %dma_wait3A_147 = tpu.memref_slice %arg11[%dma_wait3A_145, %dma_wait3A_146] : memref<10112x128xf32, #tpu.memory_space<vmem_shared>> -> memref<10112x128xf32, #tpu.memory_space<vmem_shared>>
        tpu.wait_indirect_dma semaphore(%run_scoped3A_135 : memref<!tpu.dma_semaphore, #tpu.memory_space<semaphore_mem>>) src(%arg10 : memref<128x128xf32, #tpu.memory_space<vmem>>) dst(%dma_wait3A_147 : memref<10112x128xf32, #tpu.memory_space<vmem_shared>>)
        tpu.yield
      }) : () -> ()
      %dma_start3A_112 = arith.constant 7 : i32
      %dma_start3A_113 = arith.constant 0 : i32
      %dma_start3A_114 = tpu.memref_slice %arg7[%dma_start3A_112, %dma_start3A_113] : memref<8x128xi32, #tpu.memory_space<vmem>> -> memref<1x128xi32, #tpu.memory_space<vmem>>
      %dma_start3A_115 = tpu.memref_squeeze %dma_start3A_114 : memref<1x128xi32, #tpu.memory_space<vmem>> -> memref<128xi32, #tpu.memory_space<vmem>>
      %dma_start3A_116 = arith.constant 0 : i32
      %dma_start3A_117 = arith.constant 0 : i32
      %dma_start3A_118 = tpu.memref_slice %arg2[%dma_start3A_116, %dma_start3A_117] : memref<10000x128xf32, #tpu.memory_space<hbm>> -> memref<10000x128xf32, #tpu.memory_space<hbm>>
      tpu.enqueue_indirect_dma source(%dma_start3A_118 : memref<10000x128xf32, #tpu.memory_space<hbm>>) target(%arg10 : memref<128x128xf32, #tpu.memory_space<vmem>>) offsets(%dma_start3A_115 : memref<128xi32, #tpu.memory_space<vmem>>) semaphore(%arg13 : memref<!tpu.dma_semaphore, #tpu.memory_space<semaphore_mem>>)
      %dma_wait3A_119 = arith.constant 6 : i32
      %dma_wait3A_120 = arith.constant 0 : i32
      %dma_wait3A_121 = tpu.memref_slice %arg7[%dma_wait3A_119, %dma_wait3A_120] : memref<8x128xi32, #tpu.memory_space<vmem>> -> memref<1x128xi32, #tpu.memory_space<vmem>>
      %dma_wait3A_122 = tpu.memref_squeeze %dma_wait3A_121 : memref<1x128xi32, #tpu.memory_space<vmem>> -> memref<128xi32, #tpu.memory_space<vmem>>
      %dma_wait3A_123 = arith.constant 0 : i32
      %dma_wait3A_124 = arith.constant 0 : i32
      %dma_wait3A_125 = tpu.memref_slice %arg2[%dma_wait3A_123, %dma_wait3A_124] : memref<10000x128xf32, #tpu.memory_space<hbm>> -> memref<10000x128xf32, #tpu.memory_space<hbm>>
      tpu.wait_indirect_dma semaphore(%arg12 : memref<!tpu.dma_semaphore, #tpu.memory_space<semaphore_mem>>) src(%dma_wait3A_125 : memref<10000x128xf32, #tpu.memory_space<hbm>>) dst(%arg9 : memref<128x128xf32, #tpu.memory_space<vmem>>)
      %run_scoped3A_126 = arith.constant 6 : i32
      "tpu.region"() ({
        %run_scoped3A_135 = tpu.sem_alloc : memref<!tpu.dma_semaphore, #tpu.memory_space<semaphore_mem>>
        %dma_start3A_136 = arith.constant 0 : i32
        %dma_start3A_137 = tpu.memref_slice %arg8[%run_scoped3A_126, %dma_start3A_136] : memref<8x128xi32, #tpu.memory_space<vmem>> -> memref<1x128xi32, #tpu.memory_space<vmem>>
        %dma_start3A_138 = tpu.memref_squeeze %dma_start3A_137 : memref<1x128xi32, #tpu.memory_space<vmem>> -> memref<128xi32, #tpu.memory_space<vmem>>
        %dma_start3A_139 = arith.constant 0 : i32
        %dma_start3A_140 = arith.constant 0 : i32
        %dma_start3A_141 = tpu.memref_slice %arg11[%dma_start3A_139, %dma_start3A_140] : memref<10112x128xf32, #tpu.memory_space<vmem_shared>> -> memref<10112x128xf32, #tpu.memory_space<vmem_shared>>
        tpu.enqueue_indirect_dma source(%arg9 : memref<128x128xf32, #tpu.memory_space<vmem>>) target(%dma_start3A_141 : memref<10112x128xf32, #tpu.memory_space<vmem_shared>>) offsets(%dma_start3A_138 : memref<128xi32, #tpu.memory_space<vmem>>) semaphore(%run_scoped3A_135 : memref<!tpu.dma_semaphore, #tpu.memory_space<semaphore_mem>>) {add = true}
        %dma_wait3A_142 = arith.constant 0 : i32
        %dma_wait3A_143 = tpu.memref_slice %arg8[%run_scoped3A_126, %dma_wait3A_142] : memref<8x128xi32, #tpu.memory_space<vmem>> -> memref<1x128xi32, #tpu.memory_space<vmem>>
        %dma_wait3A_144 = tpu.memref_squeeze %dma_wait3A_143 : memref<1x128xi32, #tpu.memory_space<vmem>> -> memref<128xi32, #tpu.memory_space<vmem>>
        %dma_wait3A_145 = arith.constant 0 : i32
        %dma_wait3A_146 = arith.constant 0 : i32
        %dma_wait3A_147 = tpu.memref_slice %arg11[%dma_wait3A_145, %dma_wait3A_146] : memref<10112x128xf32, #tpu.memory_space<vmem_shared>> -> memref<10112x128xf32, #tpu.memory_space<vmem_shared>>
        tpu.wait_indirect_dma semaphore(%run_scoped3A_135 : memref<!tpu.dma_semaphore, #tpu.memory_space<semaphore_mem>>) src(%arg9 : memref<128x128xf32, #tpu.memory_space<vmem>>) dst(%dma_wait3A_147 : memref<10112x128xf32, #tpu.memory_space<vmem_shared>>)
        tpu.yield
      }) : () -> ()
      %dma_wait3A_127 = arith.constant 7 : i32
      %dma_wait3A_128 = arith.constant 0 : i32
      %dma_wait3A_129 = tpu.memref_slice %arg7[%dma_wait3A_127, %dma_wait3A_128] : memref<8x128xi32, #tpu.memory_space<vmem>> -> memref<1x128xi32, #tpu.memory_space<vmem>>
      %dma_wait3A_130 = tpu.memref_squeeze %dma_wait3A_129 : memref<1x128xi32, #tpu.memory_space<vmem>> -> memref<128xi32, #tpu.memory_space<vmem>>
      %dma_wait3A_131 = arith.constant 0 : i32
      %dma_wait3A_132 = arith.constant 0 : i32
      %dma_wait3A_133 = tpu.memref_slice %arg2[%dma_wait3A_131, %dma_wait3A_132] : memref<10000x128xf32, #tpu.memory_space<hbm>> -> memref<10000x128xf32, #tpu.memory_space<hbm>>
      tpu.wait_indirect_dma semaphore(%arg13 : memref<!tpu.dma_semaphore, #tpu.memory_space<semaphore_mem>>) src(%dma_wait3A_133 : memref<10000x128xf32, #tpu.memory_space<hbm>>) dst(%arg10 : memref<128x128xf32, #tpu.memory_space<vmem>>)
      %run_scoped3A_134 = arith.constant 7 : i32
      "tpu.region"() ({
        %run_scoped3A_135 = tpu.sem_alloc : memref<!tpu.dma_semaphore, #tpu.memory_space<semaphore_mem>>
        %dma_start3A_136 = arith.constant 0 : i32
        %dma_start3A_137 = tpu.memref_slice %arg8[%run_scoped3A_134, %dma_start3A_136] : memref<8x128xi32, #tpu.memory_space<vmem>> -> memref<1x128xi32, #tpu.memory_space<vmem>>
        %dma_start3A_138 = tpu.memref_squeeze %dma_start3A_137 : memref<1x128xi32, #tpu.memory_space<vmem>> -> memref<128xi32, #tpu.memory_space<vmem>>
        %dma_start3A_139 = arith.constant 0 : i32
        %dma_start3A_140 = arith.constant 0 : i32
        %dma_start3A_141 = tpu.memref_slice %arg11[%dma_start3A_139, %dma_start3A_140] : memref<10112x128xf32, #tpu.memory_space<vmem_shared>> -> memref<10112x128xf32, #tpu.memory_space<vmem_shared>>
        tpu.enqueue_indirect_dma source(%arg10 : memref<128x128xf32, #tpu.memory_space<vmem>>) target(%dma_start3A_141 : memref<10112x128xf32, #tpu.memory_space<vmem_shared>>) offsets(%dma_start3A_138 : memref<128xi32, #tpu.memory_space<vmem>>) semaphore(%run_scoped3A_135 : memref<!tpu.dma_semaphore, #tpu.memory_space<semaphore_mem>>) {add = true}
        %dma_wait3A_142 = arith.constant 0 : i32
        %dma_wait3A_143 = tpu.memref_slice %arg8[%run_scoped3A_134, %dma_wait3A_142] : memref<8x128xi32, #tpu.memory_space<vmem>> -> memref<1x128xi32, #tpu.memory_space<vmem>>
        %dma_wait3A_144 = tpu.memref_squeeze %dma_wait3A_143 : memref<1x128xi32, #tpu.memory_space<vmem>> -> memref<128xi32, #tpu.memory_space<vmem>>
        %dma_wait3A_145 = arith.constant 0 : i32
        %dma_wait3A_146 = arith.constant 0 : i32
        %dma_wait3A_147 = tpu.memref_slice %arg11[%dma_wait3A_145, %dma_wait3A_146] : memref<10112x128xf32, #tpu.memory_space<vmem_shared>> -> memref<10112x128xf32, #tpu.memory_space<vmem_shared>>
        tpu.wait_indirect_dma semaphore(%run_scoped3A_135 : memref<!tpu.dma_semaphore, #tpu.memory_space<semaphore_mem>>) src(%arg10 : memref<128x128xf32, #tpu.memory_space<vmem>>) dst(%dma_wait3A_147 : memref<10112x128xf32, #tpu.memory_space<vmem_shared>>)
        tpu.yield
      }) : () -> ()
    }
    %scan3A_7 = arith.constant 10 : i32
    %barrier3A_8 = arith.constant 0 : index
    tpu.barrier barrier_id(%barrier3A_8)
    %mul3A_9 = arith.constant 632 : i32
    %mul3A_10 = arith.muli %arg1, %mul3A_9 : i32
    %mul3A_11 = arith.constant 632 : i32
    %mul3A_12 = arith.muli %arg1, %mul3A_11 : i32
    "tpu.region"() ({
      %run_scoped3A = tpu.sem_alloc : memref<!tpu.dma_semaphore, #tpu.memory_space<semaphore_mem>>
      %dma_start3A = arith.constant 0 : i32
      %dma_start3A_13 = tpu.memref_slice %arg6[%arg0, %mul3A_12, %dma_start3A] : memref<2x10112x128xf32, #tpu.memory_space<hbm>> -> memref<1x632x128xf32, #tpu.memory_space<hbm>>
      %dma_start3A_14 = tpu.memref_squeeze %dma_start3A_13 : memref<1x632x128xf32, #tpu.memory_space<hbm>> -> memref<632x128xf32, #tpu.memory_space<hbm>>
      %dma_start3A_15 = arith.constant 0 : i32
      %dma_start3A_16 = tpu.memref_slice %arg11[%mul3A_10, %dma_start3A_15] : memref<10112x128xf32, #tpu.memory_space<vmem_shared>> -> memref<632x128xf32, #tpu.memory_space<vmem_shared>>
      tpu.enqueue_dma source(%dma_start3A_16 : memref<632x128xf32, #tpu.memory_space<vmem_shared>>) target(%dma_start3A_14 : memref<632x128xf32, #tpu.memory_space<hbm>>) target_semaphore(%run_scoped3A : memref<!tpu.dma_semaphore, #tpu.memory_space<semaphore_mem>>)
      %dma_wait3A = arith.constant 0 : i32
      %dma_wait3A_17 = tpu.memref_slice %arg6[%arg0, %mul3A_12, %dma_wait3A] : memref<2x10112x128xf32, #tpu.memory_space<hbm>> -> memref<1x632x128xf32, #tpu.memory_space<hbm>>
      %dma_wait3A_18 = tpu.memref_squeeze %dma_wait3A_17 : memref<1x632x128xf32, #tpu.memory_space<hbm>> -> memref<632x128xf32, #tpu.memory_space<hbm>>
      %dma_wait3A_19 = arith.constant 0 : i32
      %dma_wait3A_20 = tpu.memref_slice %arg11[%mul3A_10, %dma_wait3A_19] : memref<10112x128xf32, #tpu.memory_space<vmem_shared>> -> memref<632x128xf32, #tpu.memory_space<vmem_shared>>
      tpu.wait_dma2 semaphore(%run_scoped3A : memref<!tpu.dma_semaphore, #tpu.memory_space<semaphore_mem>>) src(%dma_wait3A_20 : memref<632x128xf32, #tpu.memory_space<vmem_shared>>) dst(%dma_wait3A_18 : memref<632x128xf32, #tpu.memory_space<hbm>>)
      tpu.yield
    }) : () -> ()
    return
  }
}

#map = affine_map<(d0, d1) -> (0, 0)>
#map1 = affine_map<(d0, d1) -> (0, 0, 0)>
module attributes {stable_mosaic.version = 14 : i64} {
  func.func @_sc_agg_body(%arg0: i32, %arg1: i32, %arg2: memref<10000x128xf32, #tpu.memory_space<hbm>>, %arg3: memref<32x80x128xi32, #tpu.memory_space<hbm>>, %arg4: memref<32x80x128xi32, #tpu.memory_space<hbm>>, %arg5: memref<632x128xf32, #tpu.memory_space<hbm>>, %arg6: memref<2x10112x128xf32, #tpu.memory_space<hbm>>, %arg7: memref<8x128xi32, #tpu.memory_space<vmem>>, %arg8: memref<8x128xi32, #tpu.memory_space<vmem>>, %arg9: memref<128x128xf32, #tpu.memory_space<vmem>>, %arg10: memref<128x128xf32, #tpu.memory_space<vmem>>, %arg11: memref<10112x128xf32, #tpu.memory_space<vmem_shared>>, %arg12: memref<!tpu.dma_semaphore, #tpu.memory_space<semaphore_mem>>, %arg13: memref<!tpu.dma_semaphore, #tpu.memory_space<semaphore_mem>>) attributes {dimension_semantics = [#tpu.dimension_semantics<core_parallel>, #tpu.dimension_semantics<subcore_parallel>], iteration_bounds = array<i64: 2, 16>, scalar_prefetch = 0 : i64, scratch_operands = 7 : i64, tpu.core_type = #tpu.core_type<sc_vector_subcore>, window_params = [{transform_indices = #map}, {transform_indices = #map1}, {transform_indices = #map1}, {transform_indices = #map}, {transform_indices = #map1}]} {
    %mul3A = arith.constant 16 : i32
    %mul3A_0 = arith.muli %arg0, %mul3A : i32
    %add3A = arith.addi %mul3A_0, %arg1 : i32
    %mul3A_1 = arith.constant 632 : i32
    %mul3A_2 = arith.muli %arg1, %mul3A_1 : i32
    "tpu.region"() ({
      %run_scoped3A = tpu.sem_alloc : memref<!tpu.dma_semaphore, #tpu.memory_space<semaphore_mem>>
      %dma_start3A = arith.constant 0 : i32
      %dma_start3A_13 = tpu.memref_slice %arg11[%mul3A_2, %dma_start3A] : memref<10112x128xf32, #tpu.memory_space<vmem_shared>> -> memref<632x128xf32, #tpu.memory_space<vmem_shared>>
      tpu.enqueue_dma source(%arg5 : memref<632x128xf32, #tpu.memory_space<hbm>>) target(%dma_start3A_13 : memref<632x128xf32, #tpu.memory_space<vmem_shared>>) target_semaphore(%run_scoped3A : memref<!tpu.dma_semaphore, #tpu.memory_space<semaphore_mem>>)
      %dma_wait3A = arith.constant 0 : i32
      %dma_wait3A_14 = tpu.memref_slice %arg11[%mul3A_2, %dma_wait3A] : memref<10112x128xf32, #tpu.memory_space<vmem_shared>> -> memref<632x128xf32, #tpu.memory_space<vmem_shared>>
      tpu.wait_dma2 semaphore(%run_scoped3A : memref<!tpu.dma_semaphore, #tpu.memory_space<semaphore_mem>>) src(%arg5 : memref<632x128xf32, #tpu.memory_space<hbm>>) dst(%dma_wait3A_14 : memref<632x128xf32, #tpu.memory_space<vmem_shared>>)
      tpu.yield
    }) : () -> ()
    %barrier3A = arith.constant 0 : index
    tpu.barrier barrier_id(%barrier3A)
    %scan3A = arith.constant 0 : i32
    %scan3A_3 = arith.constant 0 : i32
    %scan3A_4 = arith.constant 10 : i32
    %scan3A_5 = arith.addi %scan3A_3, %scan3A_4 : i32
    %scan3A_6 = arith.constant 1 : i32
    scf.for %scan3A_13 = %scan3A_3 to %scan3A_5 step %scan3A_6  : i32 {
      %mul3A_14 = arith.constant 8 : i32
      %mul3A_15 = arith.muli %scan3A_13, %mul3A_14 : i32
      "tpu.region"() ({
        %run_scoped3A_135 = tpu.sem_alloc : memref<!tpu.dma_semaphore, #tpu.memory_space<semaphore_mem>>
        %dma_start3A_136 = arith.constant 0 : i32
        %dma_start3A_137 = tpu.memref_slice %arg3[%add3A, %mul3A_15, %dma_start3A_136] : memref<32x80x128xi32, #tpu.memory_space<hbm>> -> memref<1x8x128xi32, #tpu.memory_space<hbm>>
        %dma_start3A_138 = tpu.memref_squeeze %dma_start3A_137 : memref<1x8x128xi32, #tpu.memory_space<hbm>> -> memref<8x128xi32, #tpu.memory_space<hbm>>
        %dma_start3A_139 = arith.constant 0 : i32
        %dma_start3A_140 = tpu.memref_slice %arg3[%add3A, %mul3A_15, %dma_start3A_139] : memref<32x80x128xi32, #tpu.memory_space<hbm>> -> memref<1x8x128xi32, #tpu.memory_space<hbm>>
        %dma_start3A_141 = tpu.memref_squeeze %dma_start3A_140 : memref<1x8x128xi32, #tpu.memory_space<hbm>> -> memref<8x128xi32, #tpu.memory_space<hbm>>
        tpu.enqueue_dma source(%dma_start3A_141 : memref<8x128xi32, #tpu.memory_space<hbm>>) target(%arg7 : memref<8x128xi32, #tpu.memory_space<vmem>>) target_semaphore(%run_scoped3A_135 : memref<!tpu.dma_semaphore, #tpu.memory_space<semaphore_mem>>)
        %dma_wait3A_142 = arith.constant 0 : i32
        %dma_wait3A_143 = tpu.memref_slice %arg3[%add3A, %mul3A_15, %dma_wait3A_142] : memref<32x80x128xi32, #tpu.memory_space<hbm>> -> memref<1x8x128xi32, #tpu.memory_space<hbm>>
        %dma_wait3A_144 = tpu.memref_squeeze %dma_wait3A_143 : memref<1x8x128xi32, #tpu.memory_space<hbm>> -> memref<8x128xi32, #tpu.memory_space<hbm>>
        %dma_wait3A_145 = arith.constant 0 : i32
        %dma_wait3A_146 = tpu.memref_slice %arg3[%add3A, %mul3A_15, %dma_wait3A_145] : memref<32x80x128xi32, #tpu.memory_space<hbm>> -> memref<1x8x128xi32, #tpu.memory_space<hbm>>
        %dma_wait3A_147 = tpu.memref_squeeze %dma_wait3A_146 : memref<1x8x128xi32, #tpu.memory_space<hbm>> -> memref<8x128xi32, #tpu.memory_space<hbm>>
        tpu.wait_dma2 semaphore(%run_scoped3A_135 : memref<!tpu.dma_semaphore, #tpu.memory_space<semaphore_mem>>) src(%dma_wait3A_147 : memref<8x128xi32, #tpu.memory_space<hbm>>) dst(%arg7 : memref<8x128xi32, #tpu.memory_space<vmem>>)
        tpu.yield
      }) : () -> ()
      %mul3A_16 = arith.constant 8 : i32
      %mul3A_17 = arith.muli %scan3A_13, %mul3A_16 : i32
      "tpu.region"() ({
        %run_scoped3A_135 = tpu.sem_alloc : memref<!tpu.dma_semaphore, #tpu.memory_space<semaphore_mem>>
        %dma_start3A_136 = arith.constant 0 : i32
        %dma_start3A_137 = tpu.memref_slice %arg4[%add3A, %mul3A_17, %dma_start3A_136] : memref<32x80x128xi32, #tpu.memory_space<hbm>> -> memref<1x8x128xi32, #tpu.memory_space<hbm>>
        %dma_start3A_138 = tpu.memref_squeeze %dma_start3A_137 : memref<1x8x128xi32, #tpu.memory_space<hbm>> -> memref<8x128xi32, #tpu.memory_space<hbm>>
        %dma_start3A_139 = arith.constant 0 : i32
        %dma_start3A_140 = tpu.memref_slice %arg4[%add3A, %mul3A_17, %dma_start3A_139] : memref<32x80x128xi32, #tpu.memory_space<hbm>> -> memref<1x8x128xi32, #tpu.memory_space<hbm>>
        %dma_start3A_141 = tpu.memref_squeeze %dma_start3A_140 : memref<1x8x128xi32, #tpu.memory_space<hbm>> -> memref<8x128xi32, #tpu.memory_space<hbm>>
        tpu.enqueue_dma source(%dma_start3A_141 : memref<8x128xi32, #tpu.memory_space<hbm>>) target(%arg8 : memref<8x128xi32, #tpu.memory_space<vmem>>) target_semaphore(%run_scoped3A_135 : memref<!tpu.dma_semaphore, #tpu.memory_space<semaphore_mem>>)
        %dma_wait3A_142 = arith.constant 0 : i32
        %dma_wait3A_143 = tpu.memref_slice %arg4[%add3A, %mul3A_17, %dma_wait3A_142] : memref<32x80x128xi32, #tpu.memory_space<hbm>> -> memref<1x8x128xi32, #tpu.memory_space<hbm>>
        %dma_wait3A_144 = tpu.memref_squeeze %dma_wait3A_143 : memref<1x8x128xi32, #tpu.memory_space<hbm>> -> memref<8x128xi32, #tpu.memory_space<hbm>>
        %dma_wait3A_145 = arith.constant 0 : i32
        %dma_wait3A_146 = tpu.memref_slice %arg4[%add3A, %mul3A_17, %dma_wait3A_145] : memref<32x80x128xi32, #tpu.memory_space<hbm>> -> memref<1x8x128xi32, #tpu.memory_space<hbm>>
        %dma_wait3A_147 = tpu.memref_squeeze %dma_wait3A_146 : memref<1x8x128xi32, #tpu.memory_space<hbm>> -> memref<8x128xi32, #tpu.memory_space<hbm>>
        tpu.wait_dma2 semaphore(%run_scoped3A_135 : memref<!tpu.dma_semaphore, #tpu.memory_space<semaphore_mem>>) src(%dma_wait3A_147 : memref<8x128xi32, #tpu.memory_space<hbm>>) dst(%arg8 : memref<8x128xi32, #tpu.memory_space<vmem>>)
        tpu.yield
      }) : () -> ()
      %dma_start3A = arith.constant 0 : i32
      %dma_start3A_18 = arith.constant 0 : i32
      %dma_start3A_19 = tpu.memref_slice %arg7[%dma_start3A, %dma_start3A_18] : memref<8x128xi32, #tpu.memory_space<vmem>> -> memref<1x128xi32, #tpu.memory_space<vmem>>
      %dma_start3A_20 = tpu.memref_squeeze %dma_start3A_19 : memref<1x128xi32, #tpu.memory_space<vmem>> -> memref<128xi32, #tpu.memory_space<vmem>>
      %dma_start3A_21 = arith.constant 0 : i32
      %dma_start3A_22 = arith.constant 0 : i32
      %dma_start3A_23 = tpu.memref_slice %arg2[%dma_start3A_21, %dma_start3A_22] : memref<10000x128xf32, #tpu.memory_space<hbm>> -> memref<10000x128xf32, #tpu.memory_space<hbm>>
      tpu.enqueue_indirect_dma source(%dma_start3A_23 : memref<10000x128xf32, #tpu.memory_space<hbm>>) target(%arg9 : memref<128x128xf32, #tpu.memory_space<vmem>>) offsets(%dma_start3A_20 : memref<128xi32, #tpu.memory_space<vmem>>) semaphore(%arg12 : memref<!tpu.dma_semaphore, #tpu.memory_space<semaphore_mem>>)
      %dma_start3A_24 = arith.constant 1 : i32
      %dma_start3A_25 = arith.constant 0 : i32
      %dma_start3A_26 = tpu.memref_slice %arg7[%dma_start3A_24, %dma_start3A_25] : memref<8x128xi32, #tpu.memory_space<vmem>> -> memref<1x128xi32, #tpu.memory_space<vmem>>
      %dma_start3A_27 = tpu.memref_squeeze %dma_start3A_26 : memref<1x128xi32, #tpu.memory_space<vmem>> -> memref<128xi32, #tpu.memory_space<vmem>>
      %dma_start3A_28 = arith.constant 0 : i32
      %dma_start3A_29 = arith.constant 0 : i32
      %dma_start3A_30 = tpu.memref_slice %arg2[%dma_start3A_28, %dma_start3A_29] : memref<10000x128xf32, #tpu.memory_space<hbm>> -> memref<10000x128xf32, #tpu.memory_space<hbm>>
      tpu.enqueue_indirect_dma source(%dma_start3A_30 : memref<10000x128xf32, #tpu.memory_space<hbm>>) target(%arg10 : memref<128x128xf32, #tpu.memory_space<vmem>>) offsets(%dma_start3A_27 : memref<128xi32, #tpu.memory_space<vmem>>) semaphore(%arg13 : memref<!tpu.dma_semaphore, #tpu.memory_space<semaphore_mem>>)
      %dma_wait3A = arith.constant 0 : i32
      %dma_wait3A_31 = arith.constant 0 : i32
      %dma_wait3A_32 = tpu.memref_slice %arg7[%dma_wait3A, %dma_wait3A_31] : memref<8x128xi32, #tpu.memory_space<vmem>> -> memref<1x128xi32, #tpu.memory_space<vmem>>
      %dma_wait3A_33 = tpu.memref_squeeze %dma_wait3A_32 : memref<1x128xi32, #tpu.memory_space<vmem>> -> memref<128xi32, #tpu.memory_space<vmem>>
      %dma_wait3A_34 = arith.constant 0 : i32
      %dma_wait3A_35 = arith.constant 0 : i32
      %dma_wait3A_36 = tpu.memref_slice %arg2[%dma_wait3A_34, %dma_wait3A_35] : memref<10000x128xf32, #tpu.memory_space<hbm>> -> memref<10000x128xf32, #tpu.memory_space<hbm>>
      tpu.wait_indirect_dma semaphore(%arg12 : memref<!tpu.dma_semaphore, #tpu.memory_space<semaphore_mem>>) src(%dma_wait3A_36 : memref<10000x128xf32, #tpu.memory_space<hbm>>) dst(%arg9 : memref<128x128xf32, #tpu.memory_space<vmem>>)
      %run_scoped3A = arith.constant 0 : i32
      "tpu.region"() ({
        %run_scoped3A_135 = tpu.sem_alloc : memref<!tpu.dma_semaphore, #tpu.memory_space<semaphore_mem>>
        %dma_start3A_136 = arith.constant 0 : i32
        %dma_start3A_137 = tpu.memref_slice %arg8[%run_scoped3A, %dma_start3A_136] : memref<8x128xi32, #tpu.memory_space<vmem>> -> memref<1x128xi32, #tpu.memory_space<vmem>>
        %dma_start3A_138 = tpu.memref_squeeze %dma_start3A_137 : memref<1x128xi32, #tpu.memory_space<vmem>> -> memref<128xi32, #tpu.memory_space<vmem>>
        %dma_start3A_139 = arith.constant 0 : i32
        %dma_start3A_140 = arith.constant 0 : i32
        %dma_start3A_141 = tpu.memref_slice %arg11[%dma_start3A_139, %dma_start3A_140] : memref<10112x128xf32, #tpu.memory_space<vmem_shared>> -> memref<10112x128xf32, #tpu.memory_space<vmem_shared>>
        tpu.enqueue_indirect_dma source(%arg9 : memref<128x128xf32, #tpu.memory_space<vmem>>) target(%dma_start3A_141 : memref<10112x128xf32, #tpu.memory_space<vmem_shared>>) offsets(%dma_start3A_138 : memref<128xi32, #tpu.memory_space<vmem>>) semaphore(%run_scoped3A_135 : memref<!tpu.dma_semaphore, #tpu.memory_space<semaphore_mem>>) {add = true}
        %dma_wait3A_142 = arith.constant 0 : i32
        %dma_wait3A_143 = tpu.memref_slice %arg8[%run_scoped3A, %dma_wait3A_142] : memref<8x128xi32, #tpu.memory_space<vmem>> -> memref<1x128xi32, #tpu.memory_space<vmem>>
        %dma_wait3A_144 = tpu.memref_squeeze %dma_wait3A_143 : memref<1x128xi32, #tpu.memory_space<vmem>> -> memref<128xi32, #tpu.memory_space<vmem>>
        %dma_wait3A_145 = arith.constant 0 : i32
        %dma_wait3A_146 = arith.constant 0 : i32
        %dma_wait3A_147 = tpu.memref_slice %arg11[%dma_wait3A_145, %dma_wait3A_146] : memref<10112x128xf32, #tpu.memory_space<vmem_shared>> -> memref<10112x128xf32, #tpu.memory_space<vmem_shared>>
        tpu.wait_indirect_dma semaphore(%run_scoped3A_135 : memref<!tpu.dma_semaphore, #tpu.memory_space<semaphore_mem>>) src(%arg9 : memref<128x128xf32, #tpu.memory_space<vmem>>) dst(%dma_wait3A_147 : memref<10112x128xf32, #tpu.memory_space<vmem_shared>>)
        tpu.yield
      }) : () -> ()
      %dma_start3A_37 = arith.constant 2 : i32
      %dma_start3A_38 = arith.constant 0 : i32
      %dma_start3A_39 = tpu.memref_slice %arg7[%dma_start3A_37, %dma_start3A_38] : memref<8x128xi32, #tpu.memory_space<vmem>> -> memref<1x128xi32, #tpu.memory_space<vmem>>
      %dma_start3A_40 = tpu.memref_squeeze %dma_start3A_39 : memref<1x128xi32, #tpu.memory_space<vmem>> -> memref<128xi32, #tpu.memory_space<vmem>>
      %dma_start3A_41 = arith.constant 0 : i32
      %dma_start3A_42 = arith.constant 0 : i32
      %dma_start3A_43 = tpu.memref_slice %arg2[%dma_start3A_41, %dma_start3A_42] : memref<10000x128xf32, #tpu.memory_space<hbm>> -> memref<10000x128xf32, #tpu.memory_space<hbm>>
      tpu.enqueue_indirect_dma source(%dma_start3A_43 : memref<10000x128xf32, #tpu.memory_space<hbm>>) target(%arg9 : memref<128x128xf32, #tpu.memory_space<vmem>>) offsets(%dma_start3A_40 : memref<128xi32, #tpu.memory_space<vmem>>) semaphore(%arg12 : memref<!tpu.dma_semaphore, #tpu.memory_space<semaphore_mem>>)
      %dma_wait3A_44 = arith.constant 1 : i32
      %dma_wait3A_45 = arith.constant 0 : i32
      %dma_wait3A_46 = tpu.memref_slice %arg7[%dma_wait3A_44, %dma_wait3A_45] : memref<8x128xi32, #tpu.memory_space<vmem>> -> memref<1x128xi32, #tpu.memory_space<vmem>>
      %dma_wait3A_47 = tpu.memref_squeeze %dma_wait3A_46 : memref<1x128xi32, #tpu.memory_space<vmem>> -> memref<128xi32, #tpu.memory_space<vmem>>
      %dma_wait3A_48 = arith.constant 0 : i32
      %dma_wait3A_49 = arith.constant 0 : i32
      %dma_wait3A_50 = tpu.memref_slice %arg2[%dma_wait3A_48, %dma_wait3A_49] : memref<10000x128xf32, #tpu.memory_space<hbm>> -> memref<10000x128xf32, #tpu.memory_space<hbm>>
      tpu.wait_indirect_dma semaphore(%arg13 : memref<!tpu.dma_semaphore, #tpu.memory_space<semaphore_mem>>) src(%dma_wait3A_50 : memref<10000x128xf32, #tpu.memory_space<hbm>>) dst(%arg10 : memref<128x128xf32, #tpu.memory_space<vmem>>)
      %run_scoped3A_51 = arith.constant 1 : i32
      "tpu.region"() ({
        %run_scoped3A_135 = tpu.sem_alloc : memref<!tpu.dma_semaphore, #tpu.memory_space<semaphore_mem>>
        %dma_start3A_136 = arith.constant 0 : i32
        %dma_start3A_137 = tpu.memref_slice %arg8[%run_scoped3A_51, %dma_start3A_136] : memref<8x128xi32, #tpu.memory_space<vmem>> -> memref<1x128xi32, #tpu.memory_space<vmem>>
        %dma_start3A_138 = tpu.memref_squeeze %dma_start3A_137 : memref<1x128xi32, #tpu.memory_space<vmem>> -> memref<128xi32, #tpu.memory_space<vmem>>
        %dma_start3A_139 = arith.constant 0 : i32
        %dma_start3A_140 = arith.constant 0 : i32
        %dma_start3A_141 = tpu.memref_slice %arg11[%dma_start3A_139, %dma_start3A_140] : memref<10112x128xf32, #tpu.memory_space<vmem_shared>> -> memref<10112x128xf32, #tpu.memory_space<vmem_shared>>
        tpu.enqueue_indirect_dma source(%arg10 : memref<128x128xf32, #tpu.memory_space<vmem>>) target(%dma_start3A_141 : memref<10112x128xf32, #tpu.memory_space<vmem_shared>>) offsets(%dma_start3A_138 : memref<128xi32, #tpu.memory_space<vmem>>) semaphore(%run_scoped3A_135 : memref<!tpu.dma_semaphore, #tpu.memory_space<semaphore_mem>>) {add = true}
        %dma_wait3A_142 = arith.constant 0 : i32
        %dma_wait3A_143 = tpu.memref_slice %arg8[%run_scoped3A_51, %dma_wait3A_142] : memref<8x128xi32, #tpu.memory_space<vmem>> -> memref<1x128xi32, #tpu.memory_space<vmem>>
        %dma_wait3A_144 = tpu.memref_squeeze %dma_wait3A_143 : memref<1x128xi32, #tpu.memory_space<vmem>> -> memref<128xi32, #tpu.memory_space<vmem>>
        %dma_wait3A_145 = arith.constant 0 : i32
        %dma_wait3A_146 = arith.constant 0 : i32
        %dma_wait3A_147 = tpu.memref_slice %arg11[%dma_wait3A_145, %dma_wait3A_146] : memref<10112x128xf32, #tpu.memory_space<vmem_shared>> -> memref<10112x128xf32, #tpu.memory_space<vmem_shared>>
        tpu.wait_indirect_dma semaphore(%run_scoped3A_135 : memref<!tpu.dma_semaphore, #tpu.memory_space<semaphore_mem>>) src(%arg10 : memref<128x128xf32, #tpu.memory_space<vmem>>) dst(%dma_wait3A_147 : memref<10112x128xf32, #tpu.memory_space<vmem_shared>>)
        tpu.yield
      }) : () -> ()
      %dma_start3A_52 = arith.constant 3 : i32
      %dma_start3A_53 = arith.constant 0 : i32
      %dma_start3A_54 = tpu.memref_slice %arg7[%dma_start3A_52, %dma_start3A_53] : memref<8x128xi32, #tpu.memory_space<vmem>> -> memref<1x128xi32, #tpu.memory_space<vmem>>
      %dma_start3A_55 = tpu.memref_squeeze %dma_start3A_54 : memref<1x128xi32, #tpu.memory_space<vmem>> -> memref<128xi32, #tpu.memory_space<vmem>>
      %dma_start3A_56 = arith.constant 0 : i32
      %dma_start3A_57 = arith.constant 0 : i32
      %dma_start3A_58 = tpu.memref_slice %arg2[%dma_start3A_56, %dma_start3A_57] : memref<10000x128xf32, #tpu.memory_space<hbm>> -> memref<10000x128xf32, #tpu.memory_space<hbm>>
      tpu.enqueue_indirect_dma source(%dma_start3A_58 : memref<10000x128xf32, #tpu.memory_space<hbm>>) target(%arg10 : memref<128x128xf32, #tpu.memory_space<vmem>>) offsets(%dma_start3A_55 : memref<128xi32, #tpu.memory_space<vmem>>) semaphore(%arg13 : memref<!tpu.dma_semaphore, #tpu.memory_space<semaphore_mem>>)
      %dma_wait3A_59 = arith.constant 2 : i32
      %dma_wait3A_60 = arith.constant 0 : i32
      %dma_wait3A_61 = tpu.memref_slice %arg7[%dma_wait3A_59, %dma_wait3A_60] : memref<8x128xi32, #tpu.memory_space<vmem>> -> memref<1x128xi32, #tpu.memory_space<vmem>>
      %dma_wait3A_62 = tpu.memref_squeeze %dma_wait3A_61 : memref<1x128xi32, #tpu.memory_space<vmem>> -> memref<128xi32, #tpu.memory_space<vmem>>
      %dma_wait3A_63 = arith.constant 0 : i32
      %dma_wait3A_64 = arith.constant 0 : i32
      %dma_wait3A_65 = tpu.memref_slice %arg2[%dma_wait3A_63, %dma_wait3A_64] : memref<10000x128xf32, #tpu.memory_space<hbm>> -> memref<10000x128xf32, #tpu.memory_space<hbm>>
      tpu.wait_indirect_dma semaphore(%arg12 : memref<!tpu.dma_semaphore, #tpu.memory_space<semaphore_mem>>) src(%dma_wait3A_65 : memref<10000x128xf32, #tpu.memory_space<hbm>>) dst(%arg9 : memref<128x128xf32, #tpu.memory_space<vmem>>)
      %run_scoped3A_66 = arith.constant 2 : i32
      "tpu.region"() ({
        %run_scoped3A_135 = tpu.sem_alloc : memref<!tpu.dma_semaphore, #tpu.memory_space<semaphore_mem>>
        %dma_start3A_136 = arith.constant 0 : i32
        %dma_start3A_137 = tpu.memref_slice %arg8[%run_scoped3A_66, %dma_start3A_136] : memref<8x128xi32, #tpu.memory_space<vmem>> -> memref<1x128xi32, #tpu.memory_space<vmem>>
        %dma_start3A_138 = tpu.memref_squeeze %dma_start3A_137 : memref<1x128xi32, #tpu.memory_space<vmem>> -> memref<128xi32, #tpu.memory_space<vmem>>
        %dma_start3A_139 = arith.constant 0 : i32
        %dma_start3A_140 = arith.constant 0 : i32
        %dma_start3A_141 = tpu.memref_slice %arg11[%dma_start3A_139, %dma_start3A_140] : memref<10112x128xf32, #tpu.memory_space<vmem_shared>> -> memref<10112x128xf32, #tpu.memory_space<vmem_shared>>
        tpu.enqueue_indirect_dma source(%arg9 : memref<128x128xf32, #tpu.memory_space<vmem>>) target(%dma_start3A_141 : memref<10112x128xf32, #tpu.memory_space<vmem_shared>>) offsets(%dma_start3A_138 : memref<128xi32, #tpu.memory_space<vmem>>) semaphore(%run_scoped3A_135 : memref<!tpu.dma_semaphore, #tpu.memory_space<semaphore_mem>>) {add = true}
        %dma_wait3A_142 = arith.constant 0 : i32
        %dma_wait3A_143 = tpu.memref_slice %arg8[%run_scoped3A_66, %dma_wait3A_142] : memref<8x128xi32, #tpu.memory_space<vmem>> -> memref<1x128xi32, #tpu.memory_space<vmem>>
        %dma_wait3A_144 = tpu.memref_squeeze %dma_wait3A_143 : memref<1x128xi32, #tpu.memory_space<vmem>> -> memref<128xi32, #tpu.memory_space<vmem>>
        %dma_wait3A_145 = arith.constant 0 : i32
        %dma_wait3A_146 = arith.constant 0 : i32
        %dma_wait3A_147 = tpu.memref_slice %arg11[%dma_wait3A_145, %dma_wait3A_146] : memref<10112x128xf32, #tpu.memory_space<vmem_shared>> -> memref<10112x128xf32, #tpu.memory_space<vmem_shared>>
        tpu.wait_indirect_dma semaphore(%run_scoped3A_135 : memref<!tpu.dma_semaphore, #tpu.memory_space<semaphore_mem>>) src(%arg9 : memref<128x128xf32, #tpu.memory_space<vmem>>) dst(%dma_wait3A_147 : memref<10112x128xf32, #tpu.memory_space<vmem_shared>>)
        tpu.yield
      }) : () -> ()
      %dma_start3A_67 = arith.constant 4 : i32
      %dma_start3A_68 = arith.constant 0 : i32
      %dma_start3A_69 = tpu.memref_slice %arg7[%dma_start3A_67, %dma_start3A_68] : memref<8x128xi32, #tpu.memory_space<vmem>> -> memref<1x128xi32, #tpu.memory_space<vmem>>
      %dma_start3A_70 = tpu.memref_squeeze %dma_start3A_69 : memref<1x128xi32, #tpu.memory_space<vmem>> -> memref<128xi32, #tpu.memory_space<vmem>>
      %dma_start3A_71 = arith.constant 0 : i32
      %dma_start3A_72 = arith.constant 0 : i32
      %dma_start3A_73 = tpu.memref_slice %arg2[%dma_start3A_71, %dma_start3A_72] : memref<10000x128xf32, #tpu.memory_space<hbm>> -> memref<10000x128xf32, #tpu.memory_space<hbm>>
      tpu.enqueue_indirect_dma source(%dma_start3A_73 : memref<10000x128xf32, #tpu.memory_space<hbm>>) target(%arg9 : memref<128x128xf32, #tpu.memory_space<vmem>>) offsets(%dma_start3A_70 : memref<128xi32, #tpu.memory_space<vmem>>) semaphore(%arg12 : memref<!tpu.dma_semaphore, #tpu.memory_space<semaphore_mem>>)
      %dma_wait3A_74 = arith.constant 3 : i32
      %dma_wait3A_75 = arith.constant 0 : i32
      %dma_wait3A_76 = tpu.memref_slice %arg7[%dma_wait3A_74, %dma_wait3A_75] : memref<8x128xi32, #tpu.memory_space<vmem>> -> memref<1x128xi32, #tpu.memory_space<vmem>>
      %dma_wait3A_77 = tpu.memref_squeeze %dma_wait3A_76 : memref<1x128xi32, #tpu.memory_space<vmem>> -> memref<128xi32, #tpu.memory_space<vmem>>
      %dma_wait3A_78 = arith.constant 0 : i32
      %dma_wait3A_79 = arith.constant 0 : i32
      %dma_wait3A_80 = tpu.memref_slice %arg2[%dma_wait3A_78, %dma_wait3A_79] : memref<10000x128xf32, #tpu.memory_space<hbm>> -> memref<10000x128xf32, #tpu.memory_space<hbm>>
      tpu.wait_indirect_dma semaphore(%arg13 : memref<!tpu.dma_semaphore, #tpu.memory_space<semaphore_mem>>) src(%dma_wait3A_80 : memref<10000x128xf32, #tpu.memory_space<hbm>>) dst(%arg10 : memref<128x128xf32, #tpu.memory_space<vmem>>)
      %run_scoped3A_81 = arith.constant 3 : i32
      "tpu.region"() ({
        %run_scoped3A_135 = tpu.sem_alloc : memref<!tpu.dma_semaphore, #tpu.memory_space<semaphore_mem>>
        %dma_start3A_136 = arith.constant 0 : i32
        %dma_start3A_137 = tpu.memref_slice %arg8[%run_scoped3A_81, %dma_start3A_136] : memref<8x128xi32, #tpu.memory_space<vmem>> -> memref<1x128xi32, #tpu.memory_space<vmem>>
        %dma_start3A_138 = tpu.memref_squeeze %dma_start3A_137 : memref<1x128xi32, #tpu.memory_space<vmem>> -> memref<128xi32, #tpu.memory_space<vmem>>
        %dma_start3A_139 = arith.constant 0 : i32
        %dma_start3A_140 = arith.constant 0 : i32
        %dma_start3A_141 = tpu.memref_slice %arg11[%dma_start3A_139, %dma_start3A_140] : memref<10112x128xf32, #tpu.memory_space<vmem_shared>> -> memref<10112x128xf32, #tpu.memory_space<vmem_shared>>
        tpu.enqueue_indirect_dma source(%arg10 : memref<128x128xf32, #tpu.memory_space<vmem>>) target(%dma_start3A_141 : memref<10112x128xf32, #tpu.memory_space<vmem_shared>>) offsets(%dma_start3A_138 : memref<128xi32, #tpu.memory_space<vmem>>) semaphore(%run_scoped3A_135 : memref<!tpu.dma_semaphore, #tpu.memory_space<semaphore_mem>>) {add = true}
        %dma_wait3A_142 = arith.constant 0 : i32
        %dma_wait3A_143 = tpu.memref_slice %arg8[%run_scoped3A_81, %dma_wait3A_142] : memref<8x128xi32, #tpu.memory_space<vmem>> -> memref<1x128xi32, #tpu.memory_space<vmem>>
        %dma_wait3A_144 = tpu.memref_squeeze %dma_wait3A_143 : memref<1x128xi32, #tpu.memory_space<vmem>> -> memref<128xi32, #tpu.memory_space<vmem>>
        %dma_wait3A_145 = arith.constant 0 : i32
        %dma_wait3A_146 = arith.constant 0 : i32
        %dma_wait3A_147 = tpu.memref_slice %arg11[%dma_wait3A_145, %dma_wait3A_146] : memref<10112x128xf32, #tpu.memory_space<vmem_shared>> -> memref<10112x128xf32, #tpu.memory_space<vmem_shared>>
        tpu.wait_indirect_dma semaphore(%run_scoped3A_135 : memref<!tpu.dma_semaphore, #tpu.memory_space<semaphore_mem>>) src(%arg10 : memref<128x128xf32, #tpu.memory_space<vmem>>) dst(%dma_wait3A_147 : memref<10112x128xf32, #tpu.memory_space<vmem_shared>>)
        tpu.yield
      }) : () -> ()
      %dma_start3A_82 = arith.constant 5 : i32
      %dma_start3A_83 = arith.constant 0 : i32
      %dma_start3A_84 = tpu.memref_slice %arg7[%dma_start3A_82, %dma_start3A_83] : memref<8x128xi32, #tpu.memory_space<vmem>> -> memref<1x128xi32, #tpu.memory_space<vmem>>
      %dma_start3A_85 = tpu.memref_squeeze %dma_start3A_84 : memref<1x128xi32, #tpu.memory_space<vmem>> -> memref<128xi32, #tpu.memory_space<vmem>>
      %dma_start3A_86 = arith.constant 0 : i32
      %dma_start3A_87 = arith.constant 0 : i32
      %dma_start3A_88 = tpu.memref_slice %arg2[%dma_start3A_86, %dma_start3A_87] : memref<10000x128xf32, #tpu.memory_space<hbm>> -> memref<10000x128xf32, #tpu.memory_space<hbm>>
      tpu.enqueue_indirect_dma source(%dma_start3A_88 : memref<10000x128xf32, #tpu.memory_space<hbm>>) target(%arg10 : memref<128x128xf32, #tpu.memory_space<vmem>>) offsets(%dma_start3A_85 : memref<128xi32, #tpu.memory_space<vmem>>) semaphore(%arg13 : memref<!tpu.dma_semaphore, #tpu.memory_space<semaphore_mem>>)
      %dma_wait3A_89 = arith.constant 4 : i32
      %dma_wait3A_90 = arith.constant 0 : i32
      %dma_wait3A_91 = tpu.memref_slice %arg7[%dma_wait3A_89, %dma_wait3A_90] : memref<8x128xi32, #tpu.memory_space<vmem>> -> memref<1x128xi32, #tpu.memory_space<vmem>>
      %dma_wait3A_92 = tpu.memref_squeeze %dma_wait3A_91 : memref<1x128xi32, #tpu.memory_space<vmem>> -> memref<128xi32, #tpu.memory_space<vmem>>
      %dma_wait3A_93 = arith.constant 0 : i32
      %dma_wait3A_94 = arith.constant 0 : i32
      %dma_wait3A_95 = tpu.memref_slice %arg2[%dma_wait3A_93, %dma_wait3A_94] : memref<10000x128xf32, #tpu.memory_space<hbm>> -> memref<10000x128xf32, #tpu.memory_space<hbm>>
      tpu.wait_indirect_dma semaphore(%arg12 : memref<!tpu.dma_semaphore, #tpu.memory_space<semaphore_mem>>) src(%dma_wait3A_95 : memref<10000x128xf32, #tpu.memory_space<hbm>>) dst(%arg9 : memref<128x128xf32, #tpu.memory_space<vmem>>)
      %run_scoped3A_96 = arith.constant 4 : i32
      "tpu.region"() ({
        %run_scoped3A_135 = tpu.sem_alloc : memref<!tpu.dma_semaphore, #tpu.memory_space<semaphore_mem>>
        %dma_start3A_136 = arith.constant 0 : i32
        %dma_start3A_137 = tpu.memref_slice %arg8[%run_scoped3A_96, %dma_start3A_136] : memref<8x128xi32, #tpu.memory_space<vmem>> -> memref<1x128xi32, #tpu.memory_space<vmem>>
        %dma_start3A_138 = tpu.memref_squeeze %dma_start3A_137 : memref<1x128xi32, #tpu.memory_space<vmem>> -> memref<128xi32, #tpu.memory_space<vmem>>
        %dma_start3A_139 = arith.constant 0 : i32
        %dma_start3A_140 = arith.constant 0 : i32
        %dma_start3A_141 = tpu.memref_slice %arg11[%dma_start3A_139, %dma_start3A_140] : memref<10112x128xf32, #tpu.memory_space<vmem_shared>> -> memref<10112x128xf32, #tpu.memory_space<vmem_shared>>
        tpu.enqueue_indirect_dma source(%arg9 : memref<128x128xf32, #tpu.memory_space<vmem>>) target(%dma_start3A_141 : memref<10112x128xf32, #tpu.memory_space<vmem_shared>>) offsets(%dma_start3A_138 : memref<128xi32, #tpu.memory_space<vmem>>) semaphore(%run_scoped3A_135 : memref<!tpu.dma_semaphore, #tpu.memory_space<semaphore_mem>>) {add = true}
        %dma_wait3A_142 = arith.constant 0 : i32
        %dma_wait3A_143 = tpu.memref_slice %arg8[%run_scoped3A_96, %dma_wait3A_142] : memref<8x128xi32, #tpu.memory_space<vmem>> -> memref<1x128xi32, #tpu.memory_space<vmem>>
        %dma_wait3A_144 = tpu.memref_squeeze %dma_wait3A_143 : memref<1x128xi32, #tpu.memory_space<vmem>> -> memref<128xi32, #tpu.memory_space<vmem>>
        %dma_wait3A_145 = arith.constant 0 : i32
        %dma_wait3A_146 = arith.constant 0 : i32
        %dma_wait3A_147 = tpu.memref_slice %arg11[%dma_wait3A_145, %dma_wait3A_146] : memref<10112x128xf32, #tpu.memory_space<vmem_shared>> -> memref<10112x128xf32, #tpu.memory_space<vmem_shared>>
        tpu.wait_indirect_dma semaphore(%run_scoped3A_135 : memref<!tpu.dma_semaphore, #tpu.memory_space<semaphore_mem>>) src(%arg9 : memref<128x128xf32, #tpu.memory_space<vmem>>) dst(%dma_wait3A_147 : memref<10112x128xf32, #tpu.memory_space<vmem_shared>>)
        tpu.yield
      }) : () -> ()
      %dma_start3A_97 = arith.constant 6 : i32
      %dma_start3A_98 = arith.constant 0 : i32
      %dma_start3A_99 = tpu.memref_slice %arg7[%dma_start3A_97, %dma_start3A_98] : memref<8x128xi32, #tpu.memory_space<vmem>> -> memref<1x128xi32, #tpu.memory_space<vmem>>
      %dma_start3A_100 = tpu.memref_squeeze %dma_start3A_99 : memref<1x128xi32, #tpu.memory_space<vmem>> -> memref<128xi32, #tpu.memory_space<vmem>>
      %dma_start3A_101 = arith.constant 0 : i32
      %dma_start3A_102 = arith.constant 0 : i32
      %dma_start3A_103 = tpu.memref_slice %arg2[%dma_start3A_101, %dma_start3A_102] : memref<10000x128xf32, #tpu.memory_space<hbm>> -> memref<10000x128xf32, #tpu.memory_space<hbm>>
      tpu.enqueue_indirect_dma source(%dma_start3A_103 : memref<10000x128xf32, #tpu.memory_space<hbm>>) target(%arg9 : memref<128x128xf32, #tpu.memory_space<vmem>>) offsets(%dma_start3A_100 : memref<128xi32, #tpu.memory_space<vmem>>) semaphore(%arg12 : memref<!tpu.dma_semaphore, #tpu.memory_space<semaphore_mem>>)
      %dma_wait3A_104 = arith.constant 5 : i32
      %dma_wait3A_105 = arith.constant 0 : i32
      %dma_wait3A_106 = tpu.memref_slice %arg7[%dma_wait3A_104, %dma_wait3A_105] : memref<8x128xi32, #tpu.memory_space<vmem>> -> memref<1x128xi32, #tpu.memory_space<vmem>>
      %dma_wait3A_107 = tpu.memref_squeeze %dma_wait3A_106 : memref<1x128xi32, #tpu.memory_space<vmem>> -> memref<128xi32, #tpu.memory_space<vmem>>
      %dma_wait3A_108 = arith.constant 0 : i32
      %dma_wait3A_109 = arith.constant 0 : i32
      %dma_wait3A_110 = tpu.memref_slice %arg2[%dma_wait3A_108, %dma_wait3A_109] : memref<10000x128xf32, #tpu.memory_space<hbm>> -> memref<10000x128xf32, #tpu.memory_space<hbm>>
      tpu.wait_indirect_dma semaphore(%arg13 : memref<!tpu.dma_semaphore, #tpu.memory_space<semaphore_mem>>) src(%dma_wait3A_110 : memref<10000x128xf32, #tpu.memory_space<hbm>>) dst(%arg10 : memref<128x128xf32, #tpu.memory_space<vmem>>)
      %run_scoped3A_111 = arith.constant 5 : i32
      "tpu.region"() ({
        %run_scoped3A_135 = tpu.sem_alloc : memref<!tpu.dma_semaphore, #tpu.memory_space<semaphore_mem>>
        %dma_start3A_136 = arith.constant 0 : i32
        %dma_start3A_137 = tpu.memref_slice %arg8[%run_scoped3A_111, %dma_start3A_136] : memref<8x128xi32, #tpu.memory_space<vmem>> -> memref<1x128xi32, #tpu.memory_space<vmem>>
        %dma_start3A_138 = tpu.memref_squeeze %dma_start3A_137 : memref<1x128xi32, #tpu.memory_space<vmem>> -> memref<128xi32, #tpu.memory_space<vmem>>
        %dma_start3A_139 = arith.constant 0 : i32
        %dma_start3A_140 = arith.constant 0 : i32
        %dma_start3A_141 = tpu.memref_slice %arg11[%dma_start3A_139, %dma_start3A_140] : memref<10112x128xf32, #tpu.memory_space<vmem_shared>> -> memref<10112x128xf32, #tpu.memory_space<vmem_shared>>
        tpu.enqueue_indirect_dma source(%arg10 : memref<128x128xf32, #tpu.memory_space<vmem>>) target(%dma_start3A_141 : memref<10112x128xf32, #tpu.memory_space<vmem_shared>>) offsets(%dma_start3A_138 : memref<128xi32, #tpu.memory_space<vmem>>) semaphore(%run_scoped3A_135 : memref<!tpu.dma_semaphore, #tpu.memory_space<semaphore_mem>>) {add = true}
        %dma_wait3A_142 = arith.constant 0 : i32
        %dma_wait3A_143 = tpu.memref_slice %arg8[%run_scoped3A_111, %dma_wait3A_142] : memref<8x128xi32, #tpu.memory_space<vmem>> -> memref<1x128xi32, #tpu.memory_space<vmem>>
        %dma_wait3A_144 = tpu.memref_squeeze %dma_wait3A_143 : memref<1x128xi32, #tpu.memory_space<vmem>> -> memref<128xi32, #tpu.memory_space<vmem>>
        %dma_wait3A_145 = arith.constant 0 : i32
        %dma_wait3A_146 = arith.constant 0 : i32
        %dma_wait3A_147 = tpu.memref_slice %arg11[%dma_wait3A_145, %dma_wait3A_146] : memref<10112x128xf32, #tpu.memory_space<vmem_shared>> -> memref<10112x128xf32, #tpu.memory_space<vmem_shared>>
        tpu.wait_indirect_dma semaphore(%run_scoped3A_135 : memref<!tpu.dma_semaphore, #tpu.memory_space<semaphore_mem>>) src(%arg10 : memref<128x128xf32, #tpu.memory_space<vmem>>) dst(%dma_wait3A_147 : memref<10112x128xf32, #tpu.memory_space<vmem_shared>>)
        tpu.yield
      }) : () -> ()
      %dma_start3A_112 = arith.constant 7 : i32
      %dma_start3A_113 = arith.constant 0 : i32
      %dma_start3A_114 = tpu.memref_slice %arg7[%dma_start3A_112, %dma_start3A_113] : memref<8x128xi32, #tpu.memory_space<vmem>> -> memref<1x128xi32, #tpu.memory_space<vmem>>
      %dma_start3A_115 = tpu.memref_squeeze %dma_start3A_114 : memref<1x128xi32, #tpu.memory_space<vmem>> -> memref<128xi32, #tpu.memory_space<vmem>>
      %dma_start3A_116 = arith.constant 0 : i32
      %dma_start3A_117 = arith.constant 0 : i32
      %dma_start3A_118 = tpu.memref_slice %arg2[%dma_start3A_116, %dma_start3A_117] : memref<10000x128xf32, #tpu.memory_space<hbm>> -> memref<10000x128xf32, #tpu.memory_space<hbm>>
      tpu.enqueue_indirect_dma source(%dma_start3A_118 : memref<10000x128xf32, #tpu.memory_space<hbm>>) target(%arg10 : memref<128x128xf32, #tpu.memory_space<vmem>>) offsets(%dma_start3A_115 : memref<128xi32, #tpu.memory_space<vmem>>) semaphore(%arg13 : memref<!tpu.dma_semaphore, #tpu.memory_space<semaphore_mem>>)
      %dma_wait3A_119 = arith.constant 6 : i32
      %dma_wait3A_120 = arith.constant 0 : i32
      %dma_wait3A_121 = tpu.memref_slice %arg7[%dma_wait3A_119, %dma_wait3A_120] : memref<8x128xi32, #tpu.memory_space<vmem>> -> memref<1x128xi32, #tpu.memory_space<vmem>>
      %dma_wait3A_122 = tpu.memref_squeeze %dma_wait3A_121 : memref<1x128xi32, #tpu.memory_space<vmem>> -> memref<128xi32, #tpu.memory_space<vmem>>
      %dma_wait3A_123 = arith.constant 0 : i32
      %dma_wait3A_124 = arith.constant 0 : i32
      %dma_wait3A_125 = tpu.memref_slice %arg2[%dma_wait3A_123, %dma_wait3A_124] : memref<10000x128xf32, #tpu.memory_space<hbm>> -> memref<10000x128xf32, #tpu.memory_space<hbm>>
      tpu.wait_indirect_dma semaphore(%arg12 : memref<!tpu.dma_semaphore, #tpu.memory_space<semaphore_mem>>) src(%dma_wait3A_125 : memref<10000x128xf32, #tpu.memory_space<hbm>>) dst(%arg9 : memref<128x128xf32, #tpu.memory_space<vmem>>)
      %run_scoped3A_126 = arith.constant 6 : i32
      "tpu.region"() ({
        %run_scoped3A_135 = tpu.sem_alloc : memref<!tpu.dma_semaphore, #tpu.memory_space<semaphore_mem>>
        %dma_start3A_136 = arith.constant 0 : i32
        %dma_start3A_137 = tpu.memref_slice %arg8[%run_scoped3A_126, %dma_start3A_136] : memref<8x128xi32, #tpu.memory_space<vmem>> -> memref<1x128xi32, #tpu.memory_space<vmem>>
        %dma_start3A_138 = tpu.memref_squeeze %dma_start3A_137 : memref<1x128xi32, #tpu.memory_space<vmem>> -> memref<128xi32, #tpu.memory_space<vmem>>
        %dma_start3A_139 = arith.constant 0 : i32
        %dma_start3A_140 = arith.constant 0 : i32
        %dma_start3A_141 = tpu.memref_slice %arg11[%dma_start3A_139, %dma_start3A_140] : memref<10112x128xf32, #tpu.memory_space<vmem_shared>> -> memref<10112x128xf32, #tpu.memory_space<vmem_shared>>
        tpu.enqueue_indirect_dma source(%arg9 : memref<128x128xf32, #tpu.memory_space<vmem>>) target(%dma_start3A_141 : memref<10112x128xf32, #tpu.memory_space<vmem_shared>>) offsets(%dma_start3A_138 : memref<128xi32, #tpu.memory_space<vmem>>) semaphore(%run_scoped3A_135 : memref<!tpu.dma_semaphore, #tpu.memory_space<semaphore_mem>>) {add = true}
        %dma_wait3A_142 = arith.constant 0 : i32
        %dma_wait3A_143 = tpu.memref_slice %arg8[%run_scoped3A_126, %dma_wait3A_142] : memref<8x128xi32, #tpu.memory_space<vmem>> -> memref<1x128xi32, #tpu.memory_space<vmem>>
        %dma_wait3A_144 = tpu.memref_squeeze %dma_wait3A_143 : memref<1x128xi32, #tpu.memory_space<vmem>> -> memref<128xi32, #tpu.memory_space<vmem>>
        %dma_wait3A_145 = arith.constant 0 : i32
        %dma_wait3A_146 = arith.constant 0 : i32
        %dma_wait3A_147 = tpu.memref_slice %arg11[%dma_wait3A_145, %dma_wait3A_146] : memref<10112x128xf32, #tpu.memory_space<vmem_shared>> -> memref<10112x128xf32, #tpu.memory_space<vmem_shared>>
        tpu.wait_indirect_dma semaphore(%run_scoped3A_135 : memref<!tpu.dma_semaphore, #tpu.memory_space<semaphore_mem>>) src(%arg9 : memref<128x128xf32, #tpu.memory_space<vmem>>) dst(%dma_wait3A_147 : memref<10112x128xf32, #tpu.memory_space<vmem_shared>>)
        tpu.yield
      }) : () -> ()
      %dma_wait3A_127 = arith.constant 7 : i32
      %dma_wait3A_128 = arith.constant 0 : i32
      %dma_wait3A_129 = tpu.memref_slice %arg7[%dma_wait3A_127, %dma_wait3A_128] : memref<8x128xi32, #tpu.memory_space<vmem>> -> memref<1x128xi32, #tpu.memory_space<vmem>>
      %dma_wait3A_130 = tpu.memref_squeeze %dma_wait3A_129 : memref<1x128xi32, #tpu.memory_space<vmem>> -> memref<128xi32, #tpu.memory_space<vmem>>
      %dma_wait3A_131 = arith.constant 0 : i32
      %dma_wait3A_132 = arith.constant 0 : i32
      %dma_wait3A_133 = tpu.memref_slice %arg2[%dma_wait3A_131, %dma_wait3A_132] : memref<10000x128xf32, #tpu.memory_space<hbm>> -> memref<10000x128xf32, #tpu.memory_space<hbm>>
      tpu.wait_indirect_dma semaphore(%arg13 : memref<!tpu.dma_semaphore, #tpu.memory_space<semaphore_mem>>) src(%dma_wait3A_133 : memref<10000x128xf32, #tpu.memory_space<hbm>>) dst(%arg10 : memref<128x128xf32, #tpu.memory_space<vmem>>)
      %run_scoped3A_134 = arith.constant 7 : i32
      "tpu.region"() ({
        %run_scoped3A_135 = tpu.sem_alloc : memref<!tpu.dma_semaphore, #tpu.memory_space<semaphore_mem>>
        %dma_start3A_136 = arith.constant 0 : i32
        %dma_start3A_137 = tpu.memref_slice %arg8[%run_scoped3A_134, %dma_start3A_136] : memref<8x128xi32, #tpu.memory_space<vmem>> -> memref<1x128xi32, #tpu.memory_space<vmem>>
        %dma_start3A_138 = tpu.memref_squeeze %dma_start3A_137 : memref<1x128xi32, #tpu.memory_space<vmem>> -> memref<128xi32, #tpu.memory_space<vmem>>
        %dma_start3A_139 = arith.constant 0 : i32
        %dma_start3A_140 = arith.constant 0 : i32
        %dma_start3A_141 = tpu.memref_slice %arg11[%dma_start3A_139, %dma_start3A_140] : memref<10112x128xf32, #tpu.memory_space<vmem_shared>> -> memref<10112x128xf32, #tpu.memory_space<vmem_shared>>
        tpu.enqueue_indirect_dma source(%arg10 : memref<128x128xf32, #tpu.memory_space<vmem>>) target(%dma_start3A_141 : memref<10112x128xf32, #tpu.memory_space<vmem_shared>>) offsets(%dma_start3A_138 : memref<128xi32, #tpu.memory_space<vmem>>) semaphore(%run_scoped3A_135 : memref<!tpu.dma_semaphore, #tpu.memory_space<semaphore_mem>>) {add = true}
        %dma_wait3A_142 = arith.constant 0 : i32
        %dma_wait3A_143 = tpu.memref_slice %arg8[%run_scoped3A_134, %dma_wait3A_142] : memref<8x128xi32, #tpu.memory_space<vmem>> -> memref<1x128xi32, #tpu.memory_space<vmem>>
        %dma_wait3A_144 = tpu.memref_squeeze %dma_wait3A_143 : memref<1x128xi32, #tpu.memory_space<vmem>> -> memref<128xi32, #tpu.memory_space<vmem>>
        %dma_wait3A_145 = arith.constant 0 : i32
        %dma_wait3A_146 = arith.constant 0 : i32
        %dma_wait3A_147 = tpu.memref_slice %arg11[%dma_wait3A_145, %dma_wait3A_146] : memref<10112x128xf32, #tpu.memory_space<vmem_shared>> -> memref<10112x128xf32, #tpu.memory_space<vmem_shared>>
        tpu.wait_indirect_dma semaphore(%run_scoped3A_135 : memref<!tpu.dma_semaphore, #tpu.memory_space<semaphore_mem>>) src(%arg10 : memref<128x128xf32, #tpu.memory_space<vmem>>) dst(%dma_wait3A_147 : memref<10112x128xf32, #tpu.memory_space<vmem_shared>>)
        tpu.yield
      }) : () -> ()
    }
    %scan3A_7 = arith.constant 10 : i32
    %barrier3A_8 = arith.constant 0 : index
    tpu.barrier barrier_id(%barrier3A_8)
    %mul3A_9 = arith.constant 632 : i32
    %mul3A_10 = arith.muli %arg1, %mul3A_9 : i32
    %mul3A_11 = arith.constant 632 : i32
    %mul3A_12 = arith.muli %arg1, %mul3A_11 : i32
    "tpu.region"() ({
      %run_scoped3A = tpu.sem_alloc : memref<!tpu.dma_semaphore, #tpu.memory_space<semaphore_mem>>
      %dma_start3A = arith.constant 0 : i32
      %dma_start3A_13 = tpu.memref_slice %arg6[%arg0, %mul3A_12, %dma_start3A] : memref<2x10112x128xf32, #tpu.memory_space<hbm>> -> memref<1x632x128xf32, #tpu.memory_space<hbm>>
      %dma_start3A_14 = tpu.memref_squeeze %dma_start3A_13 : memref<1x632x128xf32, #tpu.memory_space<hbm>> -> memref<632x128xf32, #tpu.memory_space<hbm>>
      %dma_start3A_15 = arith.constant 0 : i32
      %dma_start3A_16 = tpu.memref_slice %arg11[%mul3A_10, %dma_start3A_15] : memref<10112x128xf32, #tpu.memory_space<vmem_shared>> -> memref<632x128xf32, #tpu.memory_space<vmem_shared>>
      tpu.enqueue_dma source(%dma_start3A_16 : memref<632x128xf32, #tpu.memory_space<vmem_shared>>) target(%dma_start3A_14 : memref<632x128xf32, #tpu.memory_space<hbm>>) target_semaphore(%run_scoped3A : memref<!tpu.dma_semaphore, #tpu.memory_space<semaphore_mem>>)
      %dma_wait3A = arith.constant 0 : i32
      %dma_wait3A_17 = tpu.memref_slice %arg6[%arg0, %mul3A_12, %dma_wait3A] : memref<2x10112x128xf32, #tpu.memory_space<hbm>> -> memref<1x632x128xf32, #tpu.memory_space<hbm>>
      %dma_wait3A_18 = tpu.memref_squeeze %dma_wait3A_17 : memref<1x632x128xf32, #tpu.memory_space<hbm>> -> memref<632x128xf32, #tpu.memory_space<hbm>>
      %dma_wait3A_19 = arith.constant 0 : i32
      %dma_wait3A_20 = tpu.memref_slice %arg11[%mul3A_10, %dma_wait3A_19] : memref<10112x128xf32, #tpu.memory_space<vmem_shared>> -> memref<632x128xf32, #tpu.memory_space<vmem_shared>>
      tpu.wait_dma2 semaphore(%run_scoped3A : memref<!tpu.dma_semaphore, #tpu.memory_space<semaphore_mem>>) src(%dma_wait3A_20 : memref<632x128xf32, #tpu.memory_space<vmem_shared>>) dst(%dma_wait3A_18 : memref<632x128xf32, #tpu.memory_space<hbm>>)
      tpu.yield
    }) : () -> ()
    return
  }
}

#map = affine_map<(d0, d1) -> (0, 0)>
#map1 = affine_map<(d0, d1) -> (0, 0, 0)>
module attributes {stable_mosaic.version = 14 : i64} {
  func.func @_sc_agg_body(%arg0: i32, %arg1: i32, %arg2: memref<10000x128xf32, #tpu.memory_space<hbm>>, %arg3: memref<32x80x128xi32, #tpu.memory_space<hbm>>, %arg4: memref<32x80x128xi32, #tpu.memory_space<hbm>>, %arg5: memref<632x128xf32, #tpu.memory_space<hbm>>, %arg6: memref<2x10112x128xf32, #tpu.memory_space<hbm>>, %arg7: memref<8x128xi32, #tpu.memory_space<vmem>>, %arg8: memref<8x128xi32, #tpu.memory_space<vmem>>, %arg9: memref<128x128xf32, #tpu.memory_space<vmem>>, %arg10: memref<128x128xf32, #tpu.memory_space<vmem>>, %arg11: memref<10112x128xf32, #tpu.memory_space<vmem_shared>>, %arg12: memref<!tpu.dma_semaphore, #tpu.memory_space<semaphore_mem>>, %arg13: memref<!tpu.dma_semaphore, #tpu.memory_space<semaphore_mem>>) attributes {dimension_semantics = [#tpu.dimension_semantics<core_parallel>, #tpu.dimension_semantics<subcore_parallel>], iteration_bounds = array<i64: 2, 16>, scalar_prefetch = 0 : i64, scratch_operands = 7 : i64, tpu.core_type = #tpu.core_type<sc_vector_subcore>, window_params = [{transform_indices = #map}, {transform_indices = #map1}, {transform_indices = #map1}, {transform_indices = #map}, {transform_indices = #map1}]} {
    %mul3A = arith.constant 16 : i32
    %mul3A_0 = arith.muli %arg0, %mul3A : i32
    %add3A = arith.addi %mul3A_0, %arg1 : i32
    %mul3A_1 = arith.constant 632 : i32
    %mul3A_2 = arith.muli %arg1, %mul3A_1 : i32
    "tpu.region"() ({
      %run_scoped3A = tpu.sem_alloc : memref<!tpu.dma_semaphore, #tpu.memory_space<semaphore_mem>>
      %dma_start3A = arith.constant 0 : i32
      %dma_start3A_13 = tpu.memref_slice %arg11[%mul3A_2, %dma_start3A] : memref<10112x128xf32, #tpu.memory_space<vmem_shared>> -> memref<632x128xf32, #tpu.memory_space<vmem_shared>>
      tpu.enqueue_dma source(%arg5 : memref<632x128xf32, #tpu.memory_space<hbm>>) target(%dma_start3A_13 : memref<632x128xf32, #tpu.memory_space<vmem_shared>>) target_semaphore(%run_scoped3A : memref<!tpu.dma_semaphore, #tpu.memory_space<semaphore_mem>>)
      %dma_wait3A = arith.constant 0 : i32
      %dma_wait3A_14 = tpu.memref_slice %arg11[%mul3A_2, %dma_wait3A] : memref<10112x128xf32, #tpu.memory_space<vmem_shared>> -> memref<632x128xf32, #tpu.memory_space<vmem_shared>>
      tpu.wait_dma2 semaphore(%run_scoped3A : memref<!tpu.dma_semaphore, #tpu.memory_space<semaphore_mem>>) src(%arg5 : memref<632x128xf32, #tpu.memory_space<hbm>>) dst(%dma_wait3A_14 : memref<632x128xf32, #tpu.memory_space<vmem_shared>>)
      tpu.yield
    }) : () -> ()
    %barrier3A = arith.constant 0 : index
    tpu.barrier barrier_id(%barrier3A)
    %scan3A = arith.constant 0 : i32
    %scan3A_3 = arith.constant 0 : i32
    %scan3A_4 = arith.constant 10 : i32
    %scan3A_5 = arith.addi %scan3A_3, %scan3A_4 : i32
    %scan3A_6 = arith.constant 1 : i32
    scf.for %scan3A_13 = %scan3A_3 to %scan3A_5 step %scan3A_6  : i32 {
      %mul3A_14 = arith.constant 8 : i32
      %mul3A_15 = arith.muli %scan3A_13, %mul3A_14 : i32
      "tpu.region"() ({
        %run_scoped3A_135 = tpu.sem_alloc : memref<!tpu.dma_semaphore, #tpu.memory_space<semaphore_mem>>
        %dma_start3A_136 = arith.constant 0 : i32
        %dma_start3A_137 = tpu.memref_slice %arg3[%add3A, %mul3A_15, %dma_start3A_136] : memref<32x80x128xi32, #tpu.memory_space<hbm>> -> memref<1x8x128xi32, #tpu.memory_space<hbm>>
        %dma_start3A_138 = tpu.memref_squeeze %dma_start3A_137 : memref<1x8x128xi32, #tpu.memory_space<hbm>> -> memref<8x128xi32, #tpu.memory_space<hbm>>
        %dma_start3A_139 = arith.constant 0 : i32
        %dma_start3A_140 = tpu.memref_slice %arg3[%add3A, %mul3A_15, %dma_start3A_139] : memref<32x80x128xi32, #tpu.memory_space<hbm>> -> memref<1x8x128xi32, #tpu.memory_space<hbm>>
        %dma_start3A_141 = tpu.memref_squeeze %dma_start3A_140 : memref<1x8x128xi32, #tpu.memory_space<hbm>> -> memref<8x128xi32, #tpu.memory_space<hbm>>
        tpu.enqueue_dma source(%dma_start3A_141 : memref<8x128xi32, #tpu.memory_space<hbm>>) target(%arg7 : memref<8x128xi32, #tpu.memory_space<vmem>>) target_semaphore(%run_scoped3A_135 : memref<!tpu.dma_semaphore, #tpu.memory_space<semaphore_mem>>)
        %dma_wait3A_142 = arith.constant 0 : i32
        %dma_wait3A_143 = tpu.memref_slice %arg3[%add3A, %mul3A_15, %dma_wait3A_142] : memref<32x80x128xi32, #tpu.memory_space<hbm>> -> memref<1x8x128xi32, #tpu.memory_space<hbm>>
        %dma_wait3A_144 = tpu.memref_squeeze %dma_wait3A_143 : memref<1x8x128xi32, #tpu.memory_space<hbm>> -> memref<8x128xi32, #tpu.memory_space<hbm>>
        %dma_wait3A_145 = arith.constant 0 : i32
        %dma_wait3A_146 = tpu.memref_slice %arg3[%add3A, %mul3A_15, %dma_wait3A_145] : memref<32x80x128xi32, #tpu.memory_space<hbm>> -> memref<1x8x128xi32, #tpu.memory_space<hbm>>
        %dma_wait3A_147 = tpu.memref_squeeze %dma_wait3A_146 : memref<1x8x128xi32, #tpu.memory_space<hbm>> -> memref<8x128xi32, #tpu.memory_space<hbm>>
        tpu.wait_dma2 semaphore(%run_scoped3A_135 : memref<!tpu.dma_semaphore, #tpu.memory_space<semaphore_mem>>) src(%dma_wait3A_147 : memref<8x128xi32, #tpu.memory_space<hbm>>) dst(%arg7 : memref<8x128xi32, #tpu.memory_space<vmem>>)
        tpu.yield
      }) : () -> ()
      %mul3A_16 = arith.constant 8 : i32
      %mul3A_17 = arith.muli %scan3A_13, %mul3A_16 : i32
      "tpu.region"() ({
        %run_scoped3A_135 = tpu.sem_alloc : memref<!tpu.dma_semaphore, #tpu.memory_space<semaphore_mem>>
        %dma_start3A_136 = arith.constant 0 : i32
        %dma_start3A_137 = tpu.memref_slice %arg4[%add3A, %mul3A_17, %dma_start3A_136] : memref<32x80x128xi32, #tpu.memory_space<hbm>> -> memref<1x8x128xi32, #tpu.memory_space<hbm>>
        %dma_start3A_138 = tpu.memref_squeeze %dma_start3A_137 : memref<1x8x128xi32, #tpu.memory_space<hbm>> -> memref<8x128xi32, #tpu.memory_space<hbm>>
        %dma_start3A_139 = arith.constant 0 : i32
        %dma_start3A_140 = tpu.memref_slice %arg4[%add3A, %mul3A_17, %dma_start3A_139] : memref<32x80x128xi32, #tpu.memory_space<hbm>> -> memref<1x8x128xi32, #tpu.memory_space<hbm>>
        %dma_start3A_141 = tpu.memref_squeeze %dma_start3A_140 : memref<1x8x128xi32, #tpu.memory_space<hbm>> -> memref<8x128xi32, #tpu.memory_space<hbm>>
        tpu.enqueue_dma source(%dma_start3A_141 : memref<8x128xi32, #tpu.memory_space<hbm>>) target(%arg8 : memref<8x128xi32, #tpu.memory_space<vmem>>) target_semaphore(%run_scoped3A_135 : memref<!tpu.dma_semaphore, #tpu.memory_space<semaphore_mem>>)
        %dma_wait3A_142 = arith.constant 0 : i32
        %dma_wait3A_143 = tpu.memref_slice %arg4[%add3A, %mul3A_17, %dma_wait3A_142] : memref<32x80x128xi32, #tpu.memory_space<hbm>> -> memref<1x8x128xi32, #tpu.memory_space<hbm>>
        %dma_wait3A_144 = tpu.memref_squeeze %dma_wait3A_143 : memref<1x8x128xi32, #tpu.memory_space<hbm>> -> memref<8x128xi32, #tpu.memory_space<hbm>>
        %dma_wait3A_145 = arith.constant 0 : i32
        %dma_wait3A_146 = tpu.memref_slice %arg4[%add3A, %mul3A_17, %dma_wait3A_145] : memref<32x80x128xi32, #tpu.memory_space<hbm>> -> memref<1x8x128xi32, #tpu.memory_space<hbm>>
        %dma_wait3A_147 = tpu.memref_squeeze %dma_wait3A_146 : memref<1x8x128xi32, #tpu.memory_space<hbm>> -> memref<8x128xi32, #tpu.memory_space<hbm>>
        tpu.wait_dma2 semaphore(%run_scoped3A_135 : memref<!tpu.dma_semaphore, #tpu.memory_space<semaphore_mem>>) src(%dma_wait3A_147 : memref<8x128xi32, #tpu.memory_space<hbm>>) dst(%arg8 : memref<8x128xi32, #tpu.memory_space<vmem>>)
        tpu.yield
      }) : () -> ()
      %dma_start3A = arith.constant 0 : i32
      %dma_start3A_18 = arith.constant 0 : i32
      %dma_start3A_19 = tpu.memref_slice %arg7[%dma_start3A, %dma_start3A_18] : memref<8x128xi32, #tpu.memory_space<vmem>> -> memref<1x128xi32, #tpu.memory_space<vmem>>
      %dma_start3A_20 = tpu.memref_squeeze %dma_start3A_19 : memref<1x128xi32, #tpu.memory_space<vmem>> -> memref<128xi32, #tpu.memory_space<vmem>>
      %dma_start3A_21 = arith.constant 0 : i32
      %dma_start3A_22 = arith.constant 0 : i32
      %dma_start3A_23 = tpu.memref_slice %arg2[%dma_start3A_21, %dma_start3A_22] : memref<10000x128xf32, #tpu.memory_space<hbm>> -> memref<10000x128xf32, #tpu.memory_space<hbm>>
      tpu.enqueue_indirect_dma source(%dma_start3A_23 : memref<10000x128xf32, #tpu.memory_space<hbm>>) target(%arg9 : memref<128x128xf32, #tpu.memory_space<vmem>>) offsets(%dma_start3A_20 : memref<128xi32, #tpu.memory_space<vmem>>) semaphore(%arg12 : memref<!tpu.dma_semaphore, #tpu.memory_space<semaphore_mem>>)
      %dma_start3A_24 = arith.constant 1 : i32
      %dma_start3A_25 = arith.constant 0 : i32
      %dma_start3A_26 = tpu.memref_slice %arg7[%dma_start3A_24, %dma_start3A_25] : memref<8x128xi32, #tpu.memory_space<vmem>> -> memref<1x128xi32, #tpu.memory_space<vmem>>
      %dma_start3A_27 = tpu.memref_squeeze %dma_start3A_26 : memref<1x128xi32, #tpu.memory_space<vmem>> -> memref<128xi32, #tpu.memory_space<vmem>>
      %dma_start3A_28 = arith.constant 0 : i32
      %dma_start3A_29 = arith.constant 0 : i32
      %dma_start3A_30 = tpu.memref_slice %arg2[%dma_start3A_28, %dma_start3A_29] : memref<10000x128xf32, #tpu.memory_space<hbm>> -> memref<10000x128xf32, #tpu.memory_space<hbm>>
      tpu.enqueue_indirect_dma source(%dma_start3A_30 : memref<10000x128xf32, #tpu.memory_space<hbm>>) target(%arg10 : memref<128x128xf32, #tpu.memory_space<vmem>>) offsets(%dma_start3A_27 : memref<128xi32, #tpu.memory_space<vmem>>) semaphore(%arg13 : memref<!tpu.dma_semaphore, #tpu.memory_space<semaphore_mem>>)
      %dma_wait3A = arith.constant 0 : i32
      %dma_wait3A_31 = arith.constant 0 : i32
      %dma_wait3A_32 = tpu.memref_slice %arg7[%dma_wait3A, %dma_wait3A_31] : memref<8x128xi32, #tpu.memory_space<vmem>> -> memref<1x128xi32, #tpu.memory_space<vmem>>
      %dma_wait3A_33 = tpu.memref_squeeze %dma_wait3A_32 : memref<1x128xi32, #tpu.memory_space<vmem>> -> memref<128xi32, #tpu.memory_space<vmem>>
      %dma_wait3A_34 = arith.constant 0 : i32
      %dma_wait3A_35 = arith.constant 0 : i32
      %dma_wait3A_36 = tpu.memref_slice %arg2[%dma_wait3A_34, %dma_wait3A_35] : memref<10000x128xf32, #tpu.memory_space<hbm>> -> memref<10000x128xf32, #tpu.memory_space<hbm>>
      tpu.wait_indirect_dma semaphore(%arg12 : memref<!tpu.dma_semaphore, #tpu.memory_space<semaphore_mem>>) src(%dma_wait3A_36 : memref<10000x128xf32, #tpu.memory_space<hbm>>) dst(%arg9 : memref<128x128xf32, #tpu.memory_space<vmem>>)
      %run_scoped3A = arith.constant 0 : i32
      "tpu.region"() ({
        %run_scoped3A_135 = tpu.sem_alloc : memref<!tpu.dma_semaphore, #tpu.memory_space<semaphore_mem>>
        %dma_start3A_136 = arith.constant 0 : i32
        %dma_start3A_137 = tpu.memref_slice %arg8[%run_scoped3A, %dma_start3A_136] : memref<8x128xi32, #tpu.memory_space<vmem>> -> memref<1x128xi32, #tpu.memory_space<vmem>>
        %dma_start3A_138 = tpu.memref_squeeze %dma_start3A_137 : memref<1x128xi32, #tpu.memory_space<vmem>> -> memref<128xi32, #tpu.memory_space<vmem>>
        %dma_start3A_139 = arith.constant 0 : i32
        %dma_start3A_140 = arith.constant 0 : i32
        %dma_start3A_141 = tpu.memref_slice %arg11[%dma_start3A_139, %dma_start3A_140] : memref<10112x128xf32, #tpu.memory_space<vmem_shared>> -> memref<10112x128xf32, #tpu.memory_space<vmem_shared>>
        tpu.enqueue_indirect_dma source(%arg9 : memref<128x128xf32, #tpu.memory_space<vmem>>) target(%dma_start3A_141 : memref<10112x128xf32, #tpu.memory_space<vmem_shared>>) offsets(%dma_start3A_138 : memref<128xi32, #tpu.memory_space<vmem>>) semaphore(%run_scoped3A_135 : memref<!tpu.dma_semaphore, #tpu.memory_space<semaphore_mem>>) {add = true}
        %dma_wait3A_142 = arith.constant 0 : i32
        %dma_wait3A_143 = tpu.memref_slice %arg8[%run_scoped3A, %dma_wait3A_142] : memref<8x128xi32, #tpu.memory_space<vmem>> -> memref<1x128xi32, #tpu.memory_space<vmem>>
        %dma_wait3A_144 = tpu.memref_squeeze %dma_wait3A_143 : memref<1x128xi32, #tpu.memory_space<vmem>> -> memref<128xi32, #tpu.memory_space<vmem>>
        %dma_wait3A_145 = arith.constant 0 : i32
        %dma_wait3A_146 = arith.constant 0 : i32
        %dma_wait3A_147 = tpu.memref_slice %arg11[%dma_wait3A_145, %dma_wait3A_146] : memref<10112x128xf32, #tpu.memory_space<vmem_shared>> -> memref<10112x128xf32, #tpu.memory_space<vmem_shared>>
        tpu.wait_indirect_dma semaphore(%run_scoped3A_135 : memref<!tpu.dma_semaphore, #tpu.memory_space<semaphore_mem>>) src(%arg9 : memref<128x128xf32, #tpu.memory_space<vmem>>) dst(%dma_wait3A_147 : memref<10112x128xf32, #tpu.memory_space<vmem_shared>>)
        tpu.yield
      }) : () -> ()
      %dma_start3A_37 = arith.constant 2 : i32
      %dma_start3A_38 = arith.constant 0 : i32
      %dma_start3A_39 = tpu.memref_slice %arg7[%dma_start3A_37, %dma_start3A_38] : memref<8x128xi32, #tpu.memory_space<vmem>> -> memref<1x128xi32, #tpu.memory_space<vmem>>
      %dma_start3A_40 = tpu.memref_squeeze %dma_start3A_39 : memref<1x128xi32, #tpu.memory_space<vmem>> -> memref<128xi32, #tpu.memory_space<vmem>>
      %dma_start3A_41 = arith.constant 0 : i32
      %dma_start3A_42 = arith.constant 0 : i32
      %dma_start3A_43 = tpu.memref_slice %arg2[%dma_start3A_41, %dma_start3A_42] : memref<10000x128xf32, #tpu.memory_space<hbm>> -> memref<10000x128xf32, #tpu.memory_space<hbm>>
      tpu.enqueue_indirect_dma source(%dma_start3A_43 : memref<10000x128xf32, #tpu.memory_space<hbm>>) target(%arg9 : memref<128x128xf32, #tpu.memory_space<vmem>>) offsets(%dma_start3A_40 : memref<128xi32, #tpu.memory_space<vmem>>) semaphore(%arg12 : memref<!tpu.dma_semaphore, #tpu.memory_space<semaphore_mem>>)
      %dma_wait3A_44 = arith.constant 1 : i32
      %dma_wait3A_45 = arith.constant 0 : i32
      %dma_wait3A_46 = tpu.memref_slice %arg7[%dma_wait3A_44, %dma_wait3A_45] : memref<8x128xi32, #tpu.memory_space<vmem>> -> memref<1x128xi32, #tpu.memory_space<vmem>>
      %dma_wait3A_47 = tpu.memref_squeeze %dma_wait3A_46 : memref<1x128xi32, #tpu.memory_space<vmem>> -> memref<128xi32, #tpu.memory_space<vmem>>
      %dma_wait3A_48 = arith.constant 0 : i32
      %dma_wait3A_49 = arith.constant 0 : i32
      %dma_wait3A_50 = tpu.memref_slice %arg2[%dma_wait3A_48, %dma_wait3A_49] : memref<10000x128xf32, #tpu.memory_space<hbm>> -> memref<10000x128xf32, #tpu.memory_space<hbm>>
      tpu.wait_indirect_dma semaphore(%arg13 : memref<!tpu.dma_semaphore, #tpu.memory_space<semaphore_mem>>) src(%dma_wait3A_50 : memref<10000x128xf32, #tpu.memory_space<hbm>>) dst(%arg10 : memref<128x128xf32, #tpu.memory_space<vmem>>)
      %run_scoped3A_51 = arith.constant 1 : i32
      "tpu.region"() ({
        %run_scoped3A_135 = tpu.sem_alloc : memref<!tpu.dma_semaphore, #tpu.memory_space<semaphore_mem>>
        %dma_start3A_136 = arith.constant 0 : i32
        %dma_start3A_137 = tpu.memref_slice %arg8[%run_scoped3A_51, %dma_start3A_136] : memref<8x128xi32, #tpu.memory_space<vmem>> -> memref<1x128xi32, #tpu.memory_space<vmem>>
        %dma_start3A_138 = tpu.memref_squeeze %dma_start3A_137 : memref<1x128xi32, #tpu.memory_space<vmem>> -> memref<128xi32, #tpu.memory_space<vmem>>
        %dma_start3A_139 = arith.constant 0 : i32
        %dma_start3A_140 = arith.constant 0 : i32
        %dma_start3A_141 = tpu.memref_slice %arg11[%dma_start3A_139, %dma_start3A_140] : memref<10112x128xf32, #tpu.memory_space<vmem_shared>> -> memref<10112x128xf32, #tpu.memory_space<vmem_shared>>
        tpu.enqueue_indirect_dma source(%arg10 : memref<128x128xf32, #tpu.memory_space<vmem>>) target(%dma_start3A_141 : memref<10112x128xf32, #tpu.memory_space<vmem_shared>>) offsets(%dma_start3A_138 : memref<128xi32, #tpu.memory_space<vmem>>) semaphore(%run_scoped3A_135 : memref<!tpu.dma_semaphore, #tpu.memory_space<semaphore_mem>>) {add = true}
        %dma_wait3A_142 = arith.constant 0 : i32
        %dma_wait3A_143 = tpu.memref_slice %arg8[%run_scoped3A_51, %dma_wait3A_142] : memref<8x128xi32, #tpu.memory_space<vmem>> -> memref<1x128xi32, #tpu.memory_space<vmem>>
        %dma_wait3A_144 = tpu.memref_squeeze %dma_wait3A_143 : memref<1x128xi32, #tpu.memory_space<vmem>> -> memref<128xi32, #tpu.memory_space<vmem>>
        %dma_wait3A_145 = arith.constant 0 : i32
        %dma_wait3A_146 = arith.constant 0 : i32
        %dma_wait3A_147 = tpu.memref_slice %arg11[%dma_wait3A_145, %dma_wait3A_146] : memref<10112x128xf32, #tpu.memory_space<vmem_shared>> -> memref<10112x128xf32, #tpu.memory_space<vmem_shared>>
        tpu.wait_indirect_dma semaphore(%run_scoped3A_135 : memref<!tpu.dma_semaphore, #tpu.memory_space<semaphore_mem>>) src(%arg10 : memref<128x128xf32, #tpu.memory_space<vmem>>) dst(%dma_wait3A_147 : memref<10112x128xf32, #tpu.memory_space<vmem_shared>>)
        tpu.yield
      }) : () -> ()
      %dma_start3A_52 = arith.constant 3 : i32
      %dma_start3A_53 = arith.constant 0 : i32
      %dma_start3A_54 = tpu.memref_slice %arg7[%dma_start3A_52, %dma_start3A_53] : memref<8x128xi32, #tpu.memory_space<vmem>> -> memref<1x128xi32, #tpu.memory_space<vmem>>
      %dma_start3A_55 = tpu.memref_squeeze %dma_start3A_54 : memref<1x128xi32, #tpu.memory_space<vmem>> -> memref<128xi32, #tpu.memory_space<vmem>>
      %dma_start3A_56 = arith.constant 0 : i32
      %dma_start3A_57 = arith.constant 0 : i32
      %dma_start3A_58 = tpu.memref_slice %arg2[%dma_start3A_56, %dma_start3A_57] : memref<10000x128xf32, #tpu.memory_space<hbm>> -> memref<10000x128xf32, #tpu.memory_space<hbm>>
      tpu.enqueue_indirect_dma source(%dma_start3A_58 : memref<10000x128xf32, #tpu.memory_space<hbm>>) target(%arg10 : memref<128x128xf32, #tpu.memory_space<vmem>>) offsets(%dma_start3A_55 : memref<128xi32, #tpu.memory_space<vmem>>) semaphore(%arg13 : memref<!tpu.dma_semaphore, #tpu.memory_space<semaphore_mem>>)
      %dma_wait3A_59 = arith.constant 2 : i32
      %dma_wait3A_60 = arith.constant 0 : i32
      %dma_wait3A_61 = tpu.memref_slice %arg7[%dma_wait3A_59, %dma_wait3A_60] : memref<8x128xi32, #tpu.memory_space<vmem>> -> memref<1x128xi32, #tpu.memory_space<vmem>>
      %dma_wait3A_62 = tpu.memref_squeeze %dma_wait3A_61 : memref<1x128xi32, #tpu.memory_space<vmem>> -> memref<128xi32, #tpu.memory_space<vmem>>
      %dma_wait3A_63 = arith.constant 0 : i32
      %dma_wait3A_64 = arith.constant 0 : i32
      %dma_wait3A_65 = tpu.memref_slice %arg2[%dma_wait3A_63, %dma_wait3A_64] : memref<10000x128xf32, #tpu.memory_space<hbm>> -> memref<10000x128xf32, #tpu.memory_space<hbm>>
      tpu.wait_indirect_dma semaphore(%arg12 : memref<!tpu.dma_semaphore, #tpu.memory_space<semaphore_mem>>) src(%dma_wait3A_65 : memref<10000x128xf32, #tpu.memory_space<hbm>>) dst(%arg9 : memref<128x128xf32, #tpu.memory_space<vmem>>)
      %run_scoped3A_66 = arith.constant 2 : i32
      "tpu.region"() ({
        %run_scoped3A_135 = tpu.sem_alloc : memref<!tpu.dma_semaphore, #tpu.memory_space<semaphore_mem>>
        %dma_start3A_136 = arith.constant 0 : i32
        %dma_start3A_137 = tpu.memref_slice %arg8[%run_scoped3A_66, %dma_start3A_136] : memref<8x128xi32, #tpu.memory_space<vmem>> -> memref<1x128xi32, #tpu.memory_space<vmem>>
        %dma_start3A_138 = tpu.memref_squeeze %dma_start3A_137 : memref<1x128xi32, #tpu.memory_space<vmem>> -> memref<128xi32, #tpu.memory_space<vmem>>
        %dma_start3A_139 = arith.constant 0 : i32
        %dma_start3A_140 = arith.constant 0 : i32
        %dma_start3A_141 = tpu.memref_slice %arg11[%dma_start3A_139, %dma_start3A_140] : memref<10112x128xf32, #tpu.memory_space<vmem_shared>> -> memref<10112x128xf32, #tpu.memory_space<vmem_shared>>
        tpu.enqueue_indirect_dma source(%arg9 : memref<128x128xf32, #tpu.memory_space<vmem>>) target(%dma_start3A_141 : memref<10112x128xf32, #tpu.memory_space<vmem_shared>>) offsets(%dma_start3A_138 : memref<128xi32, #tpu.memory_space<vmem>>) semaphore(%run_scoped3A_135 : memref<!tpu.dma_semaphore, #tpu.memory_space<semaphore_mem>>) {add = true}
        %dma_wait3A_142 = arith.constant 0 : i32
        %dma_wait3A_143 = tpu.memref_slice %arg8[%run_scoped3A_66, %dma_wait3A_142] : memref<8x128xi32, #tpu.memory_space<vmem>> -> memref<1x128xi32, #tpu.memory_space<vmem>>
        %dma_wait3A_144 = tpu.memref_squeeze %dma_wait3A_143 : memref<1x128xi32, #tpu.memory_space<vmem>> -> memref<128xi32, #tpu.memory_space<vmem>>
        %dma_wait3A_145 = arith.constant 0 : i32
        %dma_wait3A_146 = arith.constant 0 : i32
        %dma_wait3A_147 = tpu.memref_slice %arg11[%dma_wait3A_145, %dma_wait3A_146] : memref<10112x128xf32, #tpu.memory_space<vmem_shared>> -> memref<10112x128xf32, #tpu.memory_space<vmem_shared>>
        tpu.wait_indirect_dma semaphore(%run_scoped3A_135 : memref<!tpu.dma_semaphore, #tpu.memory_space<semaphore_mem>>) src(%arg9 : memref<128x128xf32, #tpu.memory_space<vmem>>) dst(%dma_wait3A_147 : memref<10112x128xf32, #tpu.memory_space<vmem_shared>>)
        tpu.yield
      }) : () -> ()
      %dma_start3A_67 = arith.constant 4 : i32
      %dma_start3A_68 = arith.constant 0 : i32
      %dma_start3A_69 = tpu.memref_slice %arg7[%dma_start3A_67, %dma_start3A_68] : memref<8x128xi32, #tpu.memory_space<vmem>> -> memref<1x128xi32, #tpu.memory_space<vmem>>
      %dma_start3A_70 = tpu.memref_squeeze %dma_start3A_69 : memref<1x128xi32, #tpu.memory_space<vmem>> -> memref<128xi32, #tpu.memory_space<vmem>>
      %dma_start3A_71 = arith.constant 0 : i32
      %dma_start3A_72 = arith.constant 0 : i32
      %dma_start3A_73 = tpu.memref_slice %arg2[%dma_start3A_71, %dma_start3A_72] : memref<10000x128xf32, #tpu.memory_space<hbm>> -> memref<10000x128xf32, #tpu.memory_space<hbm>>
      tpu.enqueue_indirect_dma source(%dma_start3A_73 : memref<10000x128xf32, #tpu.memory_space<hbm>>) target(%arg9 : memref<128x128xf32, #tpu.memory_space<vmem>>) offsets(%dma_start3A_70 : memref<128xi32, #tpu.memory_space<vmem>>) semaphore(%arg12 : memref<!tpu.dma_semaphore, #tpu.memory_space<semaphore_mem>>)
      %dma_wait3A_74 = arith.constant 3 : i32
      %dma_wait3A_75 = arith.constant 0 : i32
      %dma_wait3A_76 = tpu.memref_slice %arg7[%dma_wait3A_74, %dma_wait3A_75] : memref<8x128xi32, #tpu.memory_space<vmem>> -> memref<1x128xi32, #tpu.memory_space<vmem>>
      %dma_wait3A_77 = tpu.memref_squeeze %dma_wait3A_76 : memref<1x128xi32, #tpu.memory_space<vmem>> -> memref<128xi32, #tpu.memory_space<vmem>>
      %dma_wait3A_78 = arith.constant 0 : i32
      %dma_wait3A_79 = arith.constant 0 : i32
      %dma_wait3A_80 = tpu.memref_slice %arg2[%dma_wait3A_78, %dma_wait3A_79] : memref<10000x128xf32, #tpu.memory_space<hbm>> -> memref<10000x128xf32, #tpu.memory_space<hbm>>
      tpu.wait_indirect_dma semaphore(%arg13 : memref<!tpu.dma_semaphore, #tpu.memory_space<semaphore_mem>>) src(%dma_wait3A_80 : memref<10000x128xf32, #tpu.memory_space<hbm>>) dst(%arg10 : memref<128x128xf32, #tpu.memory_space<vmem>>)
      %run_scoped3A_81 = arith.constant 3 : i32
      "tpu.region"() ({
        %run_scoped3A_135 = tpu.sem_alloc : memref<!tpu.dma_semaphore, #tpu.memory_space<semaphore_mem>>
        %dma_start3A_136 = arith.constant 0 : i32
        %dma_start3A_137 = tpu.memref_slice %arg8[%run_scoped3A_81, %dma_start3A_136] : memref<8x128xi32, #tpu.memory_space<vmem>> -> memref<1x128xi32, #tpu.memory_space<vmem>>
        %dma_start3A_138 = tpu.memref_squeeze %dma_start3A_137 : memref<1x128xi32, #tpu.memory_space<vmem>> -> memref<128xi32, #tpu.memory_space<vmem>>
        %dma_start3A_139 = arith.constant 0 : i32
        %dma_start3A_140 = arith.constant 0 : i32
        %dma_start3A_141 = tpu.memref_slice %arg11[%dma_start3A_139, %dma_start3A_140] : memref<10112x128xf32, #tpu.memory_space<vmem_shared>> -> memref<10112x128xf32, #tpu.memory_space<vmem_shared>>
        tpu.enqueue_indirect_dma source(%arg10 : memref<128x128xf32, #tpu.memory_space<vmem>>) target(%dma_start3A_141 : memref<10112x128xf32, #tpu.memory_space<vmem_shared>>) offsets(%dma_start3A_138 : memref<128xi32, #tpu.memory_space<vmem>>) semaphore(%run_scoped3A_135 : memref<!tpu.dma_semaphore, #tpu.memory_space<semaphore_mem>>) {add = true}
        %dma_wait3A_142 = arith.constant 0 : i32
        %dma_wait3A_143 = tpu.memref_slice %arg8[%run_scoped3A_81, %dma_wait3A_142] : memref<8x128xi32, #tpu.memory_space<vmem>> -> memref<1x128xi32, #tpu.memory_space<vmem>>
        %dma_wait3A_144 = tpu.memref_squeeze %dma_wait3A_143 : memref<1x128xi32, #tpu.memory_space<vmem>> -> memref<128xi32, #tpu.memory_space<vmem>>
        %dma_wait3A_145 = arith.constant 0 : i32
        %dma_wait3A_146 = arith.constant 0 : i32
        %dma_wait3A_147 = tpu.memref_slice %arg11[%dma_wait3A_145, %dma_wait3A_146] : memref<10112x128xf32, #tpu.memory_space<vmem_shared>> -> memref<10112x128xf32, #tpu.memory_space<vmem_shared>>
        tpu.wait_indirect_dma semaphore(%run_scoped3A_135 : memref<!tpu.dma_semaphore, #tpu.memory_space<semaphore_mem>>) src(%arg10 : memref<128x128xf32, #tpu.memory_space<vmem>>) dst(%dma_wait3A_147 : memref<10112x128xf32, #tpu.memory_space<vmem_shared>>)
        tpu.yield
      }) : () -> ()
      %dma_start3A_82 = arith.constant 5 : i32
      %dma_start3A_83 = arith.constant 0 : i32
      %dma_start3A_84 = tpu.memref_slice %arg7[%dma_start3A_82, %dma_start3A_83] : memref<8x128xi32, #tpu.memory_space<vmem>> -> memref<1x128xi32, #tpu.memory_space<vmem>>
      %dma_start3A_85 = tpu.memref_squeeze %dma_start3A_84 : memref<1x128xi32, #tpu.memory_space<vmem>> -> memref<128xi32, #tpu.memory_space<vmem>>
      %dma_start3A_86 = arith.constant 0 : i32
      %dma_start3A_87 = arith.constant 0 : i32
      %dma_start3A_88 = tpu.memref_slice %arg2[%dma_start3A_86, %dma_start3A_87] : memref<10000x128xf32, #tpu.memory_space<hbm>> -> memref<10000x128xf32, #tpu.memory_space<hbm>>
      tpu.enqueue_indirect_dma source(%dma_start3A_88 : memref<10000x128xf32, #tpu.memory_space<hbm>>) target(%arg10 : memref<128x128xf32, #tpu.memory_space<vmem>>) offsets(%dma_start3A_85 : memref<128xi32, #tpu.memory_space<vmem>>) semaphore(%arg13 : memref<!tpu.dma_semaphore, #tpu.memory_space<semaphore_mem>>)
      %dma_wait3A_89 = arith.constant 4 : i32
      %dma_wait3A_90 = arith.constant 0 : i32
      %dma_wait3A_91 = tpu.memref_slice %arg7[%dma_wait3A_89, %dma_wait3A_90] : memref<8x128xi32, #tpu.memory_space<vmem>> -> memref<1x128xi32, #tpu.memory_space<vmem>>
      %dma_wait3A_92 = tpu.memref_squeeze %dma_wait3A_91 : memref<1x128xi32, #tpu.memory_space<vmem>> -> memref<128xi32, #tpu.memory_space<vmem>>
      %dma_wait3A_93 = arith.constant 0 : i32
      %dma_wait3A_94 = arith.constant 0 : i32
      %dma_wait3A_95 = tpu.memref_slice %arg2[%dma_wait3A_93, %dma_wait3A_94] : memref<10000x128xf32, #tpu.memory_space<hbm>> -> memref<10000x128xf32, #tpu.memory_space<hbm>>
      tpu.wait_indirect_dma semaphore(%arg12 : memref<!tpu.dma_semaphore, #tpu.memory_space<semaphore_mem>>) src(%dma_wait3A_95 : memref<10000x128xf32, #tpu.memory_space<hbm>>) dst(%arg9 : memref<128x128xf32, #tpu.memory_space<vmem>>)
      %run_scoped3A_96 = arith.constant 4 : i32
      "tpu.region"() ({
        %run_scoped3A_135 = tpu.sem_alloc : memref<!tpu.dma_semaphore, #tpu.memory_space<semaphore_mem>>
        %dma_start3A_136 = arith.constant 0 : i32
        %dma_start3A_137 = tpu.memref_slice %arg8[%run_scoped3A_96, %dma_start3A_136] : memref<8x128xi32, #tpu.memory_space<vmem>> -> memref<1x128xi32, #tpu.memory_space<vmem>>
        %dma_start3A_138 = tpu.memref_squeeze %dma_start3A_137 : memref<1x128xi32, #tpu.memory_space<vmem>> -> memref<128xi32, #tpu.memory_space<vmem>>
        %dma_start3A_139 = arith.constant 0 : i32
        %dma_start3A_140 = arith.constant 0 : i32
        %dma_start3A_141 = tpu.memref_slice %arg11[%dma_start3A_139, %dma_start3A_140] : memref<10112x128xf32, #tpu.memory_space<vmem_shared>> -> memref<10112x128xf32, #tpu.memory_space<vmem_shared>>
        tpu.enqueue_indirect_dma source(%arg9 : memref<128x128xf32, #tpu.memory_space<vmem>>) target(%dma_start3A_141 : memref<10112x128xf32, #tpu.memory_space<vmem_shared>>) offsets(%dma_start3A_138 : memref<128xi32, #tpu.memory_space<vmem>>) semaphore(%run_scoped3A_135 : memref<!tpu.dma_semaphore, #tpu.memory_space<semaphore_mem>>) {add = true}
        %dma_wait3A_142 = arith.constant 0 : i32
        %dma_wait3A_143 = tpu.memref_slice %arg8[%run_scoped3A_96, %dma_wait3A_142] : memref<8x128xi32, #tpu.memory_space<vmem>> -> memref<1x128xi32, #tpu.memory_space<vmem>>
        %dma_wait3A_144 = tpu.memref_squeeze %dma_wait3A_143 : memref<1x128xi32, #tpu.memory_space<vmem>> -> memref<128xi32, #tpu.memory_space<vmem>>
        %dma_wait3A_145 = arith.constant 0 : i32
        %dma_wait3A_146 = arith.constant 0 : i32
        %dma_wait3A_147 = tpu.memref_slice %arg11[%dma_wait3A_145, %dma_wait3A_146] : memref<10112x128xf32, #tpu.memory_space<vmem_shared>> -> memref<10112x128xf32, #tpu.memory_space<vmem_shared>>
        tpu.wait_indirect_dma semaphore(%run_scoped3A_135 : memref<!tpu.dma_semaphore, #tpu.memory_space<semaphore_mem>>) src(%arg9 : memref<128x128xf32, #tpu.memory_space<vmem>>) dst(%dma_wait3A_147 : memref<10112x128xf32, #tpu.memory_space<vmem_shared>>)
        tpu.yield
      }) : () -> ()
      %dma_start3A_97 = arith.constant 6 : i32
      %dma_start3A_98 = arith.constant 0 : i32
      %dma_start3A_99 = tpu.memref_slice %arg7[%dma_start3A_97, %dma_start3A_98] : memref<8x128xi32, #tpu.memory_space<vmem>> -> memref<1x128xi32, #tpu.memory_space<vmem>>
      %dma_start3A_100 = tpu.memref_squeeze %dma_start3A_99 : memref<1x128xi32, #tpu.memory_space<vmem>> -> memref<128xi32, #tpu.memory_space<vmem>>
      %dma_start3A_101 = arith.constant 0 : i32
      %dma_start3A_102 = arith.constant 0 : i32
      %dma_start3A_103 = tpu.memref_slice %arg2[%dma_start3A_101, %dma_start3A_102] : memref<10000x128xf32, #tpu.memory_space<hbm>> -> memref<10000x128xf32, #tpu.memory_space<hbm>>
      tpu.enqueue_indirect_dma source(%dma_start3A_103 : memref<10000x128xf32, #tpu.memory_space<hbm>>) target(%arg9 : memref<128x128xf32, #tpu.memory_space<vmem>>) offsets(%dma_start3A_100 : memref<128xi32, #tpu.memory_space<vmem>>) semaphore(%arg12 : memref<!tpu.dma_semaphore, #tpu.memory_space<semaphore_mem>>)
      %dma_wait3A_104 = arith.constant 5 : i32
      %dma_wait3A_105 = arith.constant 0 : i32
      %dma_wait3A_106 = tpu.memref_slice %arg7[%dma_wait3A_104, %dma_wait3A_105] : memref<8x128xi32, #tpu.memory_space<vmem>> -> memref<1x128xi32, #tpu.memory_space<vmem>>
      %dma_wait3A_107 = tpu.memref_squeeze %dma_wait3A_106 : memref<1x128xi32, #tpu.memory_space<vmem>> -> memref<128xi32, #tpu.memory_space<vmem>>
      %dma_wait3A_108 = arith.constant 0 : i32
      %dma_wait3A_109 = arith.constant 0 : i32
      %dma_wait3A_110 = tpu.memref_slice %arg2[%dma_wait3A_108, %dma_wait3A_109] : memref<10000x128xf32, #tpu.memory_space<hbm>> -> memref<10000x128xf32, #tpu.memory_space<hbm>>
      tpu.wait_indirect_dma semaphore(%arg13 : memref<!tpu.dma_semaphore, #tpu.memory_space<semaphore_mem>>) src(%dma_wait3A_110 : memref<10000x128xf32, #tpu.memory_space<hbm>>) dst(%arg10 : memref<128x128xf32, #tpu.memory_space<vmem>>)
      %run_scoped3A_111 = arith.constant 5 : i32
      "tpu.region"() ({
        %run_scoped3A_135 = tpu.sem_alloc : memref<!tpu.dma_semaphore, #tpu.memory_space<semaphore_mem>>
        %dma_start3A_136 = arith.constant 0 : i32
        %dma_start3A_137 = tpu.memref_slice %arg8[%run_scoped3A_111, %dma_start3A_136] : memref<8x128xi32, #tpu.memory_space<vmem>> -> memref<1x128xi32, #tpu.memory_space<vmem>>
        %dma_start3A_138 = tpu.memref_squeeze %dma_start3A_137 : memref<1x128xi32, #tpu.memory_space<vmem>> -> memref<128xi32, #tpu.memory_space<vmem>>
        %dma_start3A_139 = arith.constant 0 : i32
        %dma_start3A_140 = arith.constant 0 : i32
        %dma_start3A_141 = tpu.memref_slice %arg11[%dma_start3A_139, %dma_start3A_140] : memref<10112x128xf32, #tpu.memory_space<vmem_shared>> -> memref<10112x128xf32, #tpu.memory_space<vmem_shared>>
        tpu.enqueue_indirect_dma source(%arg10 : memref<128x128xf32, #tpu.memory_space<vmem>>) target(%dma_start3A_141 : memref<10112x128xf32, #tpu.memory_space<vmem_shared>>) offsets(%dma_start3A_138 : memref<128xi32, #tpu.memory_space<vmem>>) semaphore(%run_scoped3A_135 : memref<!tpu.dma_semaphore, #tpu.memory_space<semaphore_mem>>) {add = true}
        %dma_wait3A_142 = arith.constant 0 : i32
        %dma_wait3A_143 = tpu.memref_slice %arg8[%run_scoped3A_111, %dma_wait3A_142] : memref<8x128xi32, #tpu.memory_space<vmem>> -> memref<1x128xi32, #tpu.memory_space<vmem>>
        %dma_wait3A_144 = tpu.memref_squeeze %dma_wait3A_143 : memref<1x128xi32, #tpu.memory_space<vmem>> -> memref<128xi32, #tpu.memory_space<vmem>>
        %dma_wait3A_145 = arith.constant 0 : i32
        %dma_wait3A_146 = arith.constant 0 : i32
        %dma_wait3A_147 = tpu.memref_slice %arg11[%dma_wait3A_145, %dma_wait3A_146] : memref<10112x128xf32, #tpu.memory_space<vmem_shared>> -> memref<10112x128xf32, #tpu.memory_space<vmem_shared>>
        tpu.wait_indirect_dma semaphore(%run_scoped3A_135 : memref<!tpu.dma_semaphore, #tpu.memory_space<semaphore_mem>>) src(%arg10 : memref<128x128xf32, #tpu.memory_space<vmem>>) dst(%dma_wait3A_147 : memref<10112x128xf32, #tpu.memory_space<vmem_shared>>)
        tpu.yield
      }) : () -> ()
      %dma_start3A_112 = arith.constant 7 : i32
      %dma_start3A_113 = arith.constant 0 : i32
      %dma_start3A_114 = tpu.memref_slice %arg7[%dma_start3A_112, %dma_start3A_113] : memref<8x128xi32, #tpu.memory_space<vmem>> -> memref<1x128xi32, #tpu.memory_space<vmem>>
      %dma_start3A_115 = tpu.memref_squeeze %dma_start3A_114 : memref<1x128xi32, #tpu.memory_space<vmem>> -> memref<128xi32, #tpu.memory_space<vmem>>
      %dma_start3A_116 = arith.constant 0 : i32
      %dma_start3A_117 = arith.constant 0 : i32
      %dma_start3A_118 = tpu.memref_slice %arg2[%dma_start3A_116, %dma_start3A_117] : memref<10000x128xf32, #tpu.memory_space<hbm>> -> memref<10000x128xf32, #tpu.memory_space<hbm>>
      tpu.enqueue_indirect_dma source(%dma_start3A_118 : memref<10000x128xf32, #tpu.memory_space<hbm>>) target(%arg10 : memref<128x128xf32, #tpu.memory_space<vmem>>) offsets(%dma_start3A_115 : memref<128xi32, #tpu.memory_space<vmem>>) semaphore(%arg13 : memref<!tpu.dma_semaphore, #tpu.memory_space<semaphore_mem>>)
      %dma_wait3A_119 = arith.constant 6 : i32
      %dma_wait3A_120 = arith.constant 0 : i32
      %dma_wait3A_121 = tpu.memref_slice %arg7[%dma_wait3A_119, %dma_wait3A_120] : memref<8x128xi32, #tpu.memory_space<vmem>> -> memref<1x128xi32, #tpu.memory_space<vmem>>
      %dma_wait3A_122 = tpu.memref_squeeze %dma_wait3A_121 : memref<1x128xi32, #tpu.memory_space<vmem>> -> memref<128xi32, #tpu.memory_space<vmem>>
      %dma_wait3A_123 = arith.constant 0 : i32
      %dma_wait3A_124 = arith.constant 0 : i32
      %dma_wait3A_125 = tpu.memref_slice %arg2[%dma_wait3A_123, %dma_wait3A_124] : memref<10000x128xf32, #tpu.memory_space<hbm>> -> memref<10000x128xf32, #tpu.memory_space<hbm>>
      tpu.wait_indirect_dma semaphore(%arg12 : memref<!tpu.dma_semaphore, #tpu.memory_space<semaphore_mem>>) src(%dma_wait3A_125 : memref<10000x128xf32, #tpu.memory_space<hbm>>) dst(%arg9 : memref<128x128xf32, #tpu.memory_space<vmem>>)
      %run_scoped3A_126 = arith.constant 6 : i32
      "tpu.region"() ({
        %run_scoped3A_135 = tpu.sem_alloc : memref<!tpu.dma_semaphore, #tpu.memory_space<semaphore_mem>>
        %dma_start3A_136 = arith.constant 0 : i32
        %dma_start3A_137 = tpu.memref_slice %arg8[%run_scoped3A_126, %dma_start3A_136] : memref<8x128xi32, #tpu.memory_space<vmem>> -> memref<1x128xi32, #tpu.memory_space<vmem>>
        %dma_start3A_138 = tpu.memref_squeeze %dma_start3A_137 : memref<1x128xi32, #tpu.memory_space<vmem>> -> memref<128xi32, #tpu.memory_space<vmem>>
        %dma_start3A_139 = arith.constant 0 : i32
        %dma_start3A_140 = arith.constant 0 : i32
        %dma_start3A_141 = tpu.memref_slice %arg11[%dma_start3A_139, %dma_start3A_140] : memref<10112x128xf32, #tpu.memory_space<vmem_shared>> -> memref<10112x128xf32, #tpu.memory_space<vmem_shared>>
        tpu.enqueue_indirect_dma source(%arg9 : memref<128x128xf32, #tpu.memory_space<vmem>>) target(%dma_start3A_141 : memref<10112x128xf32, #tpu.memory_space<vmem_shared>>) offsets(%dma_start3A_138 : memref<128xi32, #tpu.memory_space<vmem>>) semaphore(%run_scoped3A_135 : memref<!tpu.dma_semaphore, #tpu.memory_space<semaphore_mem>>) {add = true}
        %dma_wait3A_142 = arith.constant 0 : i32
        %dma_wait3A_143 = tpu.memref_slice %arg8[%run_scoped3A_126, %dma_wait3A_142] : memref<8x128xi32, #tpu.memory_space<vmem>> -> memref<1x128xi32, #tpu.memory_space<vmem>>
        %dma_wait3A_144 = tpu.memref_squeeze %dma_wait3A_143 : memref<1x128xi32, #tpu.memory_space<vmem>> -> memref<128xi32, #tpu.memory_space<vmem>>
        %dma_wait3A_145 = arith.constant 0 : i32
        %dma_wait3A_146 = arith.constant 0 : i32
        %dma_wait3A_147 = tpu.memref_slice %arg11[%dma_wait3A_145, %dma_wait3A_146] : memref<10112x128xf32, #tpu.memory_space<vmem_shared>> -> memref<10112x128xf32, #tpu.memory_space<vmem_shared>>
        tpu.wait_indirect_dma semaphore(%run_scoped3A_135 : memref<!tpu.dma_semaphore, #tpu.memory_space<semaphore_mem>>) src(%arg9 : memref<128x128xf32, #tpu.memory_space<vmem>>) dst(%dma_wait3A_147 : memref<10112x128xf32, #tpu.memory_space<vmem_shared>>)
        tpu.yield
      }) : () -> ()
      %dma_wait3A_127 = arith.constant 7 : i32
      %dma_wait3A_128 = arith.constant 0 : i32
      %dma_wait3A_129 = tpu.memref_slice %arg7[%dma_wait3A_127, %dma_wait3A_128] : memref<8x128xi32, #tpu.memory_space<vmem>> -> memref<1x128xi32, #tpu.memory_space<vmem>>
      %dma_wait3A_130 = tpu.memref_squeeze %dma_wait3A_129 : memref<1x128xi32, #tpu.memory_space<vmem>> -> memref<128xi32, #tpu.memory_space<vmem>>
      %dma_wait3A_131 = arith.constant 0 : i32
      %dma_wait3A_132 = arith.constant 0 : i32
      %dma_wait3A_133 = tpu.memref_slice %arg2[%dma_wait3A_131, %dma_wait3A_132] : memref<10000x128xf32, #tpu.memory_space<hbm>> -> memref<10000x128xf32, #tpu.memory_space<hbm>>
      tpu.wait_indirect_dma semaphore(%arg13 : memref<!tpu.dma_semaphore, #tpu.memory_space<semaphore_mem>>) src(%dma_wait3A_133 : memref<10000x128xf32, #tpu.memory_space<hbm>>) dst(%arg10 : memref<128x128xf32, #tpu.memory_space<vmem>>)
      %run_scoped3A_134 = arith.constant 7 : i32
      "tpu.region"() ({
        %run_scoped3A_135 = tpu.sem_alloc : memref<!tpu.dma_semaphore, #tpu.memory_space<semaphore_mem>>
        %dma_start3A_136 = arith.constant 0 : i32
        %dma_start3A_137 = tpu.memref_slice %arg8[%run_scoped3A_134, %dma_start3A_136] : memref<8x128xi32, #tpu.memory_space<vmem>> -> memref<1x128xi32, #tpu.memory_space<vmem>>
        %dma_start3A_138 = tpu.memref_squeeze %dma_start3A_137 : memref<1x128xi32, #tpu.memory_space<vmem>> -> memref<128xi32, #tpu.memory_space<vmem>>
        %dma_start3A_139 = arith.constant 0 : i32
        %dma_start3A_140 = arith.constant 0 : i32
        %dma_start3A_141 = tpu.memref_slice %arg11[%dma_start3A_139, %dma_start3A_140] : memref<10112x128xf32, #tpu.memory_space<vmem_shared>> -> memref<10112x128xf32, #tpu.memory_space<vmem_shared>>
        tpu.enqueue_indirect_dma source(%arg10 : memref<128x128xf32, #tpu.memory_space<vmem>>) target(%dma_start3A_141 : memref<10112x128xf32, #tpu.memory_space<vmem_shared>>) offsets(%dma_start3A_138 : memref<128xi32, #tpu.memory_space<vmem>>) semaphore(%run_scoped3A_135 : memref<!tpu.dma_semaphore, #tpu.memory_space<semaphore_mem>>) {add = true}
        %dma_wait3A_142 = arith.constant 0 : i32
        %dma_wait3A_143 = tpu.memref_slice %arg8[%run_scoped3A_134, %dma_wait3A_142] : memref<8x128xi32, #tpu.memory_space<vmem>> -> memref<1x128xi32, #tpu.memory_space<vmem>>
        %dma_wait3A_144 = tpu.memref_squeeze %dma_wait3A_143 : memref<1x128xi32, #tpu.memory_space<vmem>> -> memref<128xi32, #tpu.memory_space<vmem>>
        %dma_wait3A_145 = arith.constant 0 : i32
        %dma_wait3A_146 = arith.constant 0 : i32
        %dma_wait3A_147 = tpu.memref_slice %arg11[%dma_wait3A_145, %dma_wait3A_146] : memref<10112x128xf32, #tpu.memory_space<vmem_shared>> -> memref<10112x128xf32, #tpu.memory_space<vmem_shared>>
        tpu.wait_indirect_dma semaphore(%run_scoped3A_135 : memref<!tpu.dma_semaphore, #tpu.memory_space<semaphore_mem>>) src(%arg10 : memref<128x128xf32, #tpu.memory_space<vmem>>) dst(%dma_wait3A_147 : memref<10112x128xf32, #tpu.memory_space<vmem_shared>>)
        tpu.yield
      }) : () -> ()
    }
    %scan3A_7 = arith.constant 10 : i32
    %barrier3A_8 = arith.constant 0 : index
    tpu.barrier barrier_id(%barrier3A_8)
    %mul3A_9 = arith.constant 632 : i32
    %mul3A_10 = arith.muli %arg1, %mul3A_9 : i32
    %mul3A_11 = arith.constant 632 : i32
    %mul3A_12 = arith.muli %arg1, %mul3A_11 : i32
    "tpu.region"() ({
      %run_scoped3A = tpu.sem_alloc : memref<!tpu.dma_semaphore, #tpu.memory_space<semaphore_mem>>
      %dma_start3A = arith.constant 0 : i32
      %dma_start3A_13 = tpu.memref_slice %arg6[%arg0, %mul3A_12, %dma_start3A] : memref<2x10112x128xf32, #tpu.memory_space<hbm>> -> memref<1x632x128xf32, #tpu.memory_space<hbm>>
      %dma_start3A_14 = tpu.memref_squeeze %dma_start3A_13 : memref<1x632x128xf32, #tpu.memory_space<hbm>> -> memref<632x128xf32, #tpu.memory_space<hbm>>
      %dma_start3A_15 = arith.constant 0 : i32
      %dma_start3A_16 = tpu.memref_slice %arg11[%mul3A_10, %dma_start3A_15] : memref<10112x128xf32, #tpu.memory_space<vmem_shared>> -> memref<632x128xf32, #tpu.memory_space<vmem_shared>>
      tpu.enqueue_dma source(%dma_start3A_16 : memref<632x128xf32, #tpu.memory_space<vmem_shared>>) target(%dma_start3A_14 : memref<632x128xf32, #tpu.memory_space<hbm>>) target_semaphore(%run_scoped3A : memref<!tpu.dma_semaphore, #tpu.memory_space<semaphore_mem>>)
      %dma_wait3A = arith.constant 0 : i32
      %dma_wait3A_17 = tpu.memref_slice %arg6[%arg0, %mul3A_12, %dma_wait3A] : memref<2x10112x128xf32, #tpu.memory_space<hbm>> -> memref<1x632x128xf32, #tpu.memory_space<hbm>>
      %dma_wait3A_18 = tpu.memref_squeeze %dma_wait3A_17 : memref<1x632x128xf32, #tpu.memory_space<hbm>> -> memref<632x128xf32, #tpu.memory_space<hbm>>
      %dma_wait3A_19 = arith.constant 0 : i32
      %dma_wait3A_20 = tpu.memref_slice %arg11[%mul3A_10, %dma_wait3A_19] : memref<10112x128xf32, #tpu.memory_space<vmem_shared>> -> memref<632x128xf32, #tpu.memory_space<vmem_shared>>
      tpu.wait_dma2 semaphore(%run_scoped3A : memref<!tpu.dma_semaphore, #tpu.memory_space<semaphore_mem>>) src(%dma_wait3A_20 : memref<632x128xf32, #tpu.memory_space<vmem_shared>>) dst(%dma_wait3A_18 : memref<632x128xf32, #tpu.memory_space<hbm>>)
      tpu.yield
    }) : () -> ()
    return
  }
}

module attributes {stable_mosaic.version = 14 : i64} {
  func.func @_tc0_body(%arg0: i32, %arg1: memref<1000x128xf32, #tpu.memory_space<vmem>>, %arg2: memref<128x128xf32, #tpu.memory_space<vmem>>, %arg3: memref<1x128xf32, #tpu.memory_space<vmem>>, %arg4: memref<128x128xf32, #tpu.memory_space<vmem>>, %arg5: memref<1000x16xf32, #tpu.memory_space<vmem>>, %arg6: memref<1000x16xf32, #tpu.memory_space<vmem>>, %arg7: memref<1000x128xf32, #tpu.memory_space<vmem>>) attributes {dimension_semantics = [#tpu.dimension_semantics<arbitrary>], iteration_bounds = array<i64: 10>, scalar_prefetch = 0 : i64, scratch_operands = 0 : i64, tpu.core_type = #tpu.core_type<tc>, window_params = [{transform_indices = @transform_0, window_bounds = array<i64: 1000, 128>}, {pipeline_mode = #tpu.pipeline_mode<synchronous>, transform_indices = @transform_1, window_bounds = array<i64: 128, 128>}, {pipeline_mode = #tpu.pipeline_mode<synchronous>, transform_indices = @transform_2, window_bounds = array<i64: 1, 128>}, {pipeline_mode = #tpu.pipeline_mode<synchronous>, transform_indices = @transform_3, window_bounds = array<i64: 128, 128>}, {transform_indices = @transform_4, window_bounds = array<i64: 1000, 16>}, {transform_indices = @transform_5, window_bounds = array<i64: 1000, 16>}, {transform_indices = @transform_6, window_bounds = array<i64: 1000, 128>}]} {
    %get3A = arith.constant 0 : index
    %get3A_0 = arith.constant 0 : index
    %get3A_1 = vector.load %arg1[%get3A, %get3A_0] : memref<1000x128xf32, #tpu.memory_space<vmem>>, vector<1000x128xf32>
    %get3A_2 = arith.constant 0 : index
    %get3A_3 = arith.constant 0 : index
    %get3A_4 = vector.load %arg2[%get3A_2, %get3A_3] : memref<128x128xf32, #tpu.memory_space<vmem>>, vector<128x128xf32>
    %dot_general3A = arith.constant dense<0.000000e+00> : vector<1000x128xf32>
    %dot_general3A_5 = tpu.matmul %get3A_1, %get3A_4, %dot_general3A {dimension_numbers = #tpu.dot_dimension_numbers<[1], [0], [0], [1], [0, 0, 1, 1], [], []>, transpose_lhs_hint = false} : vector<1000x128xf32>, vector<128x128xf32>, vector<1000x128xf32> -> vector<1000x128xf32>
    %get3A_6 = arith.constant 0 : index
    %get3A_7 = arith.constant 0 : index
    %get3A_8 = vector.load %arg3[%get3A_6, %get3A_7] : memref<1x128xf32, #tpu.memory_space<vmem>>, vector<1x128xf32>
    %add3A = vector.broadcast %get3A_8 : vector<1x128xf32> to vector<1000x128xf32>
    %add3A_9 = arith.addf %dot_general3A_5, %add3A : vector<1000x128xf32>
    %get3A_10 = arith.constant 0 : index
    %get3A_11 = arith.constant 0 : index
    %get3A_12 = vector.load %arg4[%get3A_10, %get3A_11] : memref<128x128xf32, #tpu.memory_space<vmem>>, vector<128x128xf32>
    %dot_general3A_13 = arith.constant dense<0.000000e+00> : vector<1000x128xf32>
    %dot_general3A_14 = tpu.matmul %add3A_9, %get3A_12, %dot_general3A_13 {dimension_numbers = #tpu.dot_dimension_numbers<[1], [0], [0], [1], [0, 0, 1, 1], [], []>, transpose_lhs_hint = false} : vector<1000x128xf32>, vector<128x128xf32>, vector<1000x128xf32> -> vector<1000x128xf32>
    %get3A_15 = arith.constant 0 : index
    %get3A_16 = arith.constant 0 : index
    %get3A_17 = vector.load %arg5[%get3A_15, %get3A_16] : memref<1000x16xf32, #tpu.memory_space<vmem>>, vector<1000x1xf32>
    %add3A_18 = arith.constant 1.000000e+00 : f32
    %add3A_19 = vector.broadcast %add3A_18 : f32 to vector<1000x1xf32>
    %add3A_20 = arith.addf %add3A_19, %get3A_17 : vector<1000x1xf32>
    %get3A_21 = arith.constant 0 : index
    %get3A_22 = arith.constant 0 : index
    %get3A_23 = vector.load %arg6[%get3A_21, %get3A_22] : memref<1000x16xf32, #tpu.memory_space<vmem>>, vector<1000x1xf32>
    %add3A_24 = arith.addf %add3A_20, %get3A_23 : vector<1000x1xf32>
    %rsqrt3A = math.rsqrt %add3A_24 : vector<1000x1xf32>
    %mul3A = vector.broadcast %rsqrt3A : vector<1000x1xf32> to vector<1000x128xf32>
    %mul3A_25 = arith.mulf %dot_general3A_14, %mul3A : vector<1000x128xf32>
    %swap3A = arith.constant 0 : index
    %swap3A_26 = arith.constant 0 : index
    %swap3A_27 = vector.load %arg7[%swap3A, %swap3A_26] : memref<1000x128xf32, #tpu.memory_space<vmem>>, vector<1000x128xf32>
    tpu.vector_store %arg7[%swap3A, %swap3A_26], %mul3A_25 {strides = array<i32>} : memref<1000x128xf32, #tpu.memory_space<vmem>>, vector<1000x128xf32>,
    return
  }
  func.func @transform_0(%arg0: i32) -> (i32, i32) {
    %c0_i32 = arith.constant 0 : i32
    %c0_i32_0 = arith.constant 0 : i32
    return %arg0, %c0_i32 : i32, i32
  }
  func.func @transform_1(%arg0: i32) -> (i32, i32) {
    %c0_i32 = arith.constant 0 : i32
    %c0_i32_0 = arith.constant 0 : i32
    %c0_i32_1 = arith.constant 0 : i32
    return %c0_i32, %c0_i32_0 : i32, i32
  }
  func.func @transform_2(%arg0: i32) -> (i32, i32) {
    %c0_i32 = arith.constant 0 : i32
    %c0_i32_0 = arith.constant 0 : i32
    %c0_i32_1 = arith.constant 0 : i32
    return %c0_i32, %c0_i32_0 : i32, i32
  }
  func.func @transform_3(%arg0: i32) -> (i32, i32) {
    %c0_i32 = arith.constant 0 : i32
    %c0_i32_0 = arith.constant 0 : i32
    %c0_i32_1 = arith.constant 0 : i32
    return %c0_i32, %c0_i32_0 : i32, i32
  }
  func.func @transform_4(%arg0: i32) -> (i32, i32) {
    %c0_i32 = arith.constant 0 : i32
    %c0_i32_0 = arith.constant 0 : i32
    return %arg0, %c0_i32 : i32, i32
  }
  func.func @transform_5(%arg0: i32) -> (i32, i32) {
    %c0_i32 = arith.constant 0 : i32
    %c0_i32_0 = arith.constant 0 : i32
    return %arg0, %c0_i32 : i32, i32
  }
  func.func @transform_6(%arg0: i32) -> (i32, i32) {
    %c0_i32 = arith.constant 0 : i32
    %c0_i32_0 = arith.constant 0 : i32
    return %arg0, %c0_i32 : i32, i32
  }
}

module attributes {stable_mosaic.version = 14 : i64} {
  func.func @_tc_mid_body(%arg0: i32, %arg1: memref<1000x128xf32, #tpu.memory_space<vmem>>, %arg2: memref<1000x128xf32, #tpu.memory_space<vmem>>, %arg3: memref<1000x128xf32, #tpu.memory_space<vmem>>, %arg4: memref<1000x16xf32, #tpu.memory_space<vmem>>, %arg5: memref<1000x16xf32, #tpu.memory_space<vmem>>, %arg6: memref<1x128xf32, #tpu.memory_space<vmem>>, %arg7: memref<128x128xf32, #tpu.memory_space<vmem>>, %arg8: memref<1000x128xf32, #tpu.memory_space<vmem>>) attributes {dimension_semantics = [#tpu.dimension_semantics<arbitrary>], iteration_bounds = array<i64: 10>, scalar_prefetch = 0 : i64, scratch_operands = 0 : i64, tpu.core_type = #tpu.core_type<tc>, window_params = [{transform_indices = @transform_0, window_bounds = array<i64: 1000, 128>}, {transform_indices = @transform_1, window_bounds = array<i64: 1000, 128>}, {transform_indices = @transform_2, window_bounds = array<i64: 1000, 128>}, {transform_indices = @transform_3, window_bounds = array<i64: 1000, 16>}, {transform_indices = @transform_4, window_bounds = array<i64: 1000, 16>}, {pipeline_mode = #tpu.pipeline_mode<synchronous>, transform_indices = @transform_5, window_bounds = array<i64: 1, 128>}, {pipeline_mode = #tpu.pipeline_mode<synchronous>, transform_indices = @transform_6, window_bounds = array<i64: 128, 128>}, {transform_indices = @transform_7, window_bounds = array<i64: 1000, 128>}]} {
    %get3A = arith.constant 0 : index
    %get3A_0 = arith.constant 0 : index
    %get3A_1 = vector.load %arg4[%get3A, %get3A_0] : memref<1000x16xf32, #tpu.memory_space<vmem>>, vector<1000x1xf32>
    %add3A = arith.constant 1.000000e+00 : f32
    %add3A_2 = vector.broadcast %add3A : f32 to vector<1000x1xf32>
    %add3A_3 = arith.addf %add3A_2, %get3A_1 : vector<1000x1xf32>
    %get3A_4 = arith.constant 0 : index
    %get3A_5 = arith.constant 0 : index
    %get3A_6 = vector.load %arg5[%get3A_4, %get3A_5] : memref<1000x16xf32, #tpu.memory_space<vmem>>, vector<1000x1xf32>
    %add3A_7 = arith.addf %add3A_3, %get3A_6 : vector<1000x1xf32>
    %rsqrt3A = math.rsqrt %add3A_7 : vector<1000x1xf32>
    %get3A_8 = arith.constant 0 : index
    %get3A_9 = arith.constant 0 : index
    %get3A_10 = vector.load %arg1[%get3A_8, %get3A_9] : memref<1000x128xf32, #tpu.memory_space<vmem>>, vector<1000x128xf32>
    %get3A_11 = arith.constant 0 : index
    %get3A_12 = arith.constant 0 : index
    %get3A_13 = vector.load %arg2[%get3A_11, %get3A_12] : memref<1000x128xf32, #tpu.memory_space<vmem>>, vector<1000x128xf32>
    %add3A_14 = arith.addf %get3A_10, %get3A_13 : vector<1000x128xf32>
    %get3A_15 = arith.constant 0 : index
    %get3A_16 = arith.constant 0 : index
    %get3A_17 = vector.load %arg3[%get3A_15, %get3A_16] : memref<1000x128xf32, #tpu.memory_space<vmem>>, vector<1000x128xf32>
    %add3A_18 = arith.addf %add3A_14, %get3A_17 : vector<1000x128xf32>
    %mul3A = vector.broadcast %rsqrt3A : vector<1000x1xf32> to vector<1000x128xf32>
    %mul3A_19 = arith.mulf %add3A_18, %mul3A : vector<1000x128xf32>
    %get3A_20 = arith.constant 0 : index
    %get3A_21 = arith.constant 0 : index
    %get3A_22 = vector.load %arg6[%get3A_20, %get3A_21] : memref<1x128xf32, #tpu.memory_space<vmem>>, vector<1x128xf32>
    %add3A_23 = vector.broadcast %get3A_22 : vector<1x128xf32> to vector<1000x128xf32>
    %add3A_24 = arith.addf %mul3A_19, %add3A_23 : vector<1000x128xf32>
    %ge3A = arith.constant 0.000000e+00 : f32
    %ge3A_25 = vector.broadcast %ge3A : f32 to vector<1000x128xf32>
    %ge3A_26 = arith.cmpf oge, %add3A_24, %ge3A_25 : vector<1000x128xf32>
    %mul3A_27 = arith.constant 0.00999999977 : f32
    %mul3A_28 = vector.broadcast %mul3A_27 : f32 to vector<1000x128xf32>
    %mul3A_29 = arith.mulf %mul3A_28, %add3A_24 : vector<1000x128xf32>
    %select_n3A = arith.select %ge3A_26, %add3A_24, %mul3A_29 : vector<1000x128xi1>, vector<1000x128xf32>
    %get3A_30 = arith.constant 0 : index
    %get3A_31 = arith.constant 0 : index
    %get3A_32 = vector.load %arg7[%get3A_30, %get3A_31] : memref<128x128xf32, #tpu.memory_space<vmem>>, vector<128x128xf32>
    %dot_general3A = arith.constant dense<0.000000e+00> : vector<1000x128xf32>
    %dot_general3A_33 = tpu.matmul %select_n3A, %get3A_32, %dot_general3A {dimension_numbers = #tpu.dot_dimension_numbers<[1], [0], [0], [1], [0, 0, 1, 1], [], []>, transpose_lhs_hint = false} : vector<1000x128xf32>, vector<128x128xf32>, vector<1000x128xf32> -> vector<1000x128xf32>
    %mul3A_34 = vector.broadcast %rsqrt3A : vector<1000x1xf32> to vector<1000x128xf32>
    %mul3A_35 = arith.mulf %dot_general3A_33, %mul3A_34 : vector<1000x128xf32>
    %swap3A = arith.constant 0 : index
    %swap3A_36 = arith.constant 0 : index
    %swap3A_37 = vector.load %arg8[%swap3A, %swap3A_36] : memref<1000x128xf32, #tpu.memory_space<vmem>>, vector<1000x128xf32>
    tpu.vector_store %arg8[%swap3A, %swap3A_36], %mul3A_35 {strides = array<i32>} : memref<1000x128xf32, #tpu.memory_space<vmem>>, vector<1000x128xf32>,
    return
  }
  func.func @transform_0(%arg0: i32) -> (i32, i32) {
    %c0_i32 = arith.constant 0 : i32
    %c0_i32_0 = arith.constant 0 : i32
    return %arg0, %c0_i32 : i32, i32
  }
  func.func @transform_1(%arg0: i32) -> (i32, i32) {
    %c0_i32 = arith.constant 0 : i32
    %c0_i32_0 = arith.constant 0 : i32
    return %arg0, %c0_i32 : i32, i32
  }
  func.func @transform_2(%arg0: i32) -> (i32, i32) {
    %c0_i32 = arith.constant 0 : i32
    %c0_i32_0 = arith.constant 0 : i32
    return %arg0, %c0_i32 : i32, i32
  }
  func.func @transform_3(%arg0: i32) -> (i32, i32) {
    %c0_i32 = arith.constant 0 : i32
    %c0_i32_0 = arith.constant 0 : i32
    return %arg0, %c0_i32 : i32, i32
  }
  func.func @transform_4(%arg0: i32) -> (i32, i32) {
    %c0_i32 = arith.constant 0 : i32
    %c0_i32_0 = arith.constant 0 : i32
    return %arg0, %c0_i32 : i32, i32
  }
  func.func @transform_5(%arg0: i32) -> (i32, i32) {
    %c0_i32 = arith.constant 0 : i32
    %c0_i32_0 = arith.constant 0 : i32
    %c0_i32_1 = arith.constant 0 : i32
    return %c0_i32, %c0_i32_0 : i32, i32
  }
  func.func @transform_6(%arg0: i32) -> (i32, i32) {
    %c0_i32 = arith.constant 0 : i32
    %c0_i32_0 = arith.constant 0 : i32
    %c0_i32_1 = arith.constant 0 : i32
    return %c0_i32, %c0_i32_0 : i32, i32
  }
  func.func @transform_7(%arg0: i32) -> (i32, i32) {
    %c0_i32 = arith.constant 0 : i32
    %c0_i32_0 = arith.constant 0 : i32
    return %arg0, %c0_i32 : i32, i32
  }
}

module attributes {stable_mosaic.version = 14 : i64} {
  func.func @_tc_fin_body(%arg0: i32, %arg1: memref<1000x128xf32, #tpu.memory_space<vmem>>, %arg2: memref<1000x128xf32, #tpu.memory_space<vmem>>, %arg3: memref<1000x128xf32, #tpu.memory_space<vmem>>, %arg4: memref<1000x16xf32, #tpu.memory_space<vmem>>, %arg5: memref<1000x16xf32, #tpu.memory_space<vmem>>, %arg6: memref<1x128xf32, #tpu.memory_space<vmem>>, %arg7: memref<1000x128xf32, #tpu.memory_space<vmem>>) attributes {dimension_semantics = [#tpu.dimension_semantics<arbitrary>], iteration_bounds = array<i64: 10>, scalar_prefetch = 0 : i64, scratch_operands = 0 : i64, tpu.core_type = #tpu.core_type<tc>, window_params = [{transform_indices = @transform_0, window_bounds = array<i64: 1000, 128>}, {transform_indices = @transform_1, window_bounds = array<i64: 1000, 128>}, {transform_indices = @transform_2, window_bounds = array<i64: 1000, 128>}, {transform_indices = @transform_3, window_bounds = array<i64: 1000, 16>}, {transform_indices = @transform_4, window_bounds = array<i64: 1000, 16>}, {pipeline_mode = #tpu.pipeline_mode<synchronous>, transform_indices = @transform_5, window_bounds = array<i64: 1, 128>}, {transform_indices = @transform_6, window_bounds = array<i64: 1000, 128>}]} {
    %get3A = arith.constant 0 : index
    %get3A_0 = arith.constant 0 : index
    %get3A_1 = vector.load %arg4[%get3A, %get3A_0] : memref<1000x16xf32, #tpu.memory_space<vmem>>, vector<1000x1xf32>
    %add3A = arith.constant 1.000000e+00 : f32
    %add3A_2 = vector.broadcast %add3A : f32 to vector<1000x1xf32>
    %add3A_3 = arith.addf %add3A_2, %get3A_1 : vector<1000x1xf32>
    %get3A_4 = arith.constant 0 : index
    %get3A_5 = arith.constant 0 : index
    %get3A_6 = vector.load %arg5[%get3A_4, %get3A_5] : memref<1000x16xf32, #tpu.memory_space<vmem>>, vector<1000x1xf32>
    %add3A_7 = arith.addf %add3A_3, %get3A_6 : vector<1000x1xf32>
    %rsqrt3A = math.rsqrt %add3A_7 : vector<1000x1xf32>
    %get3A_8 = arith.constant 0 : index
    %get3A_9 = arith.constant 0 : index
    %get3A_10 = vector.load %arg1[%get3A_8, %get3A_9] : memref<1000x128xf32, #tpu.memory_space<vmem>>, vector<1000x128xf32>
    %get3A_11 = arith.constant 0 : index
    %get3A_12 = arith.constant 0 : index
    %get3A_13 = vector.load %arg2[%get3A_11, %get3A_12] : memref<1000x128xf32, #tpu.memory_space<vmem>>, vector<1000x128xf32>
    %add3A_14 = arith.addf %get3A_10, %get3A_13 : vector<1000x128xf32>
    %get3A_15 = arith.constant 0 : index
    %get3A_16 = arith.constant 0 : index
    %get3A_17 = vector.load %arg3[%get3A_15, %get3A_16] : memref<1000x128xf32, #tpu.memory_space<vmem>>, vector<1000x128xf32>
    %add3A_18 = arith.addf %add3A_14, %get3A_17 : vector<1000x128xf32>
    %mul3A = vector.broadcast %rsqrt3A : vector<1000x1xf32> to vector<1000x128xf32>
    %mul3A_19 = arith.mulf %add3A_18, %mul3A : vector<1000x128xf32>
    %get3A_20 = arith.constant 0 : index
    %get3A_21 = arith.constant 0 : index
    %get3A_22 = vector.load %arg6[%get3A_20, %get3A_21] : memref<1x128xf32, #tpu.memory_space<vmem>>, vector<1x128xf32>
    %add3A_23 = vector.broadcast %get3A_22 : vector<1x128xf32> to vector<1000x128xf32>
    %add3A_24 = arith.addf %mul3A_19, %add3A_23 : vector<1000x128xf32>
    %swap3A = arith.constant 0 : index
    %swap3A_25 = arith.constant 0 : index
    %swap3A_26 = vector.load %arg7[%swap3A, %swap3A_25] : memref<1000x128xf32, #tpu.memory_space<vmem>>, vector<1000x128xf32>
    tpu.vector_store %arg7[%swap3A, %swap3A_25], %add3A_24 {strides = array<i32>} : memref<1000x128xf32, #tpu.memory_space<vmem>>, vector<1000x128xf32>,
    return
  }
  func.func @transform_0(%arg0: i32) -> (i32, i32) {
    %c0_i32 = arith.constant 0 : i32
    %c0_i32_0 = arith.constant 0 : i32
    return %arg0, %c0_i32 : i32, i32
  }
  func.func @transform_1(%arg0: i32) -> (i32, i32) {
    %c0_i32 = arith.constant 0 : i32
    %c0_i32_0 = arith.constant 0 : i32
    return %arg0, %c0_i32 : i32, i32
  }
  func.func @transform_2(%arg0: i32) -> (i32, i32) {
    %c0_i32 = arith.constant 0 : i32
    %c0_i32_0 = arith.constant 0 : i32
    return %arg0, %c0_i32 : i32, i32
  }
  func.func @transform_3(%arg0: i32) -> (i32, i32) {
    %c0_i32 = arith.constant 0 : i32
    %c0_i32_0 = arith.constant 0 : i32
    return %arg0, %c0_i32 : i32, i32
  }
  func.func @transform_4(%arg0: i32) -> (i32, i32) {
    %c0_i32 = arith.constant 0 : i32
    %c0_i32_0 = arith.constant 0 : i32
    return %arg0, %c0_i32 : i32, i32
  }
  func.func @transform_5(%arg0: i32) -> (i32, i32) {
    %c0_i32 = arith.constant 0 : i32
    %c0_i32_0 = arith.constant 0 : i32
    %c0_i32_1 = arith.constant 0 : i32
    return %c0_i32, %c0_i32_0 : i32, i32
  }
  func.func @transform_6(%arg0: i32) -> (i32, i32) {
    %c0_i32 = arith.constant 0 : i32
    %c0_i32_0 = arith.constant 0 : i32
    return %arg0, %c0_i32 : i32, i32
  }
}

</mosaic_0001>

<sc_bundles>
// kernel: kernel.10.cloned.1.call-start
scs
__scs_entry_jumppad:
0x0: {  	(pc) =	sbr.rel $0x88, $3  }
0x1: {  	(tag) =	ssettag $0x0;
	lr =	simm.s32 $0x1  }
0x2: {  	[smem:$0x3F97] =	sst lr;
	_ =	strace $0xD0000000  }
0x3: {  	_ = 	snop  }
0x4: {  	_ = 	snop  }
0x5: {  	_ = 	snop  }
0x6: {  	_ = 	snop  }
0x7: {  	_ = 	snop  }
__scs_overlays_trampoline_lowered:
0x8: {  	[smem:$0x3FA6] =	sst s0  }
0x9: {  	[smem:$0x3FA7] =	sst s1  }
0xa: {  	[smem:$0x3FA8] =	sst s2  }
0xb: {  	[smem:$0x3FA9] =	sst s3  }
0xc: {  	[smem:$0x3FAA] =	sst s4  }
0xd: {  	[smem:$0x3FAB] =	sst s5  }
0xe: {  	[smem:$0x3FAC] =	sst s6  }
0xf: {  	[smem:$0x3FAD] =	sst s7  }
0x10: {  	[smem:$0x3FAE] =	sst s8  }
0x11: {  	[smem:$0x3FAF] =	sst s9;
	s0 =	simm.s32 @!p0 $0x0  }
0x12: {  	s1 =	sld [smem:$0x3F95];
	s0 =	simm.s32 @p0 $0x1  }
0x13: {  	[smem:$0x3FB0] =	sst s0;
	s0 =	simm.s32 @!p1 $0x0  }
0x14: {  	s2 =	sld [smem:$0x3F94];
	s0 =	simm.s32 @p1 $0x1  }
0x15: {  	[smem:$0x3FB1] =	sst s0;
	s0 =	simm.s32 @!p2 $0x0  }
0x16: {  	s3 =	sld [smem:$0x3FDB];
	s0 =	simm.s32 @p2 $0x1  }
0x17: {  	s4 =	simm.s32 $0x1BF5;
	[smem:$0x3FB3] =	sst s0  }
0x18: {  	s0 =	sld [smem:$0x3F96];
	_ =	swait.ge [sflag:s4], $0x0  }
0x19: {  	s7 =	sld [smem:$0x3F97]  }
0x1a: {  	s8 =	sadd.s32 $0xFFFFE003, lr  }
0x1b: {  	s9 =	sadd.s32 $0xFFFFFEF7, lr;
	s5 =	simm.s32 $0xFFFFFFFF;
	p2 =	slt.u32 s8, $0xFFFFF086  }
0x1c: {  	p1 =	slt.u32 s9, $0xF7A;
	s5 =	simm.s32 @!p2 $0x0  }
0x1d: {  	s5 =	simm.s32 @p1 $0x1;
	p0 =	seq.s32 s7, s2  }
0x1e: {  	s7 =	smul.u32 @!p0 $0xF7A, s2;
	p2 =	seq.s32 @!p0 s5, $0x0  }
0x1f: {  	s9 =	smul.u32 $0xF7A, s1;
	s8 =	simm.s32 @!p0 $0x1BF5;
	p2 =	por !p2, p0  }
0x20: {  	[sflag:s8] =	ssyncset.s32 @!p0 $0xFFFFF086;
	s6 =	sadd.s32 @!p0 s3, s7;
	s7 =	simm.s32 @!p0 $0x108  }
0x21: {  	s3 =	sadd.s32 s3, s9;
	s6 =	sadd.s32 @!p0 $0x88, s6;
	s7 =	simm.s32 @p2 $0x1082  }
0x22: {  	[simem:s7], [sflag:s8] =	dma.local @!p0 [hbm:s6], $0xF7A  }
0x23: {  	s9 =	sor.u32 $0xD0000000, s2;
	s6 =	simm.s32 $0x108;
	_ =	swait.ge @!p0 [sflag:s8], $0x0  }
0x24: {  	s3 =	sadd.s32 $0x88, s3;
	s6 =	simm.s32 @!p1 $0x1082;
	[sflag:s4] =	ssyncset.s32 $0xFFFFF086  }
0x25: {  	[simem:s6], [sflag:s4] =	dma.local [hbm:s3], $0xF7A  }
0x26: {  	[smem:$0x3F97] =	sst s1;
	(tag) =	ssettag s2;
	_ =	strace s9  }
0x27: {  	s1 =	sld [smem:$0x3FA7]  }
0x28: {  	s2 =	sld [smem:$0x3FA8]  }
0x29: {  	s4 =	sld [smem:$0x3FAA]  }
0x2a: {  	p0 =	seq.s32 s5, $0x0;
	s5 =	sld [smem:$0x3FAB]  }
0x2b: {  	s6 =	sld [smem:$0x3FAC]  }
0x2c: {  	s7 =	sld [smem:$0x3FAD]  }
0x2d: {  	s3 =	simm.s32 $0x108;
	s8 =	sld [smem:$0x3FAE]  }
0x2e: {  	s3 =	simm.s32 @!p0 $0x1082;
	s9 =	sld [smem:$0x3FAF]  }
0x2f: {  	lr =	sadd.s32 s0, s3;
	s0 =	sld [smem:$0x3FA6]  }
0x30: {  	s3 =	sld [smem:$0x3FA9]  }
0x31: {  	[smem:$0x3FB2] =	sst s10  }
0x32: {  	s10 =	sld [smem:$0x3FB0];
	_ =	sdelay $0x3  }
0x33: {  	p0 =	seq.s32 s10, $0x1;
	s10 =	sld [smem:$0x3FB2];
	_ =	sdelay $0x3  }
0x34: {  	[smem:$0x3FB2] =	sst s10  }
0x35: {  	s10 =	sld [smem:$0x3FB1];
	_ =	sdelay $0x3  }
0x36: {  	p1 =	seq.s32 s10, $0x1;
	s10 =	sld [smem:$0x3FB2];
	_ =	sdelay $0x3  }
0x37: {  	[smem:$0x3FB2] =	sst s10  }
0x38: {  	s10 =	sld [smem:$0x3FB3]  }
0x39: {  	_ = 	snop;
	(pc) =	sbr.ind lr, $3  }
0x3a: {  	_ = 	snop  }
0x3b: {  	_ = 	snop  }
0x3c: {  	p2 =	seq.s32 s10, $0x1;
	s10 =	sld [smem:$0x3FB2]  }
0x3d: {  	_ =	shalt  }
0x3e: {  	_ =	shalt  }
0x3f: {  	_ =	shalt  }
0x40: {  	_ =	shalt  }
0x41: {  	_ =	shalt  }
0x42: {  	_ =	shalt  }
0x43: {  	_ =	shalt  }
0x44: {  	_ =	shalt  }
0x45: {  	_ =	shalt  }
0x46: {  	_ =	shalt  }
0x47: {  	_ =	shalt  }
0x48: {  	_ =	shalt  }
0x49: {  	_ =	shalt  }
0x4a: {  	_ =	shalt  }
0x4b: {  	_ =	shalt  }
0x4c: {  	_ =	shalt  }
0x4d: {  	_ =	shalt  }
0x4e: {  	_ =	shalt  }
0x4f: {  	_ =	shalt  }
0x50: {  	_ =	shalt  }
0x51: {  	_ =	shalt  }
0x52: {  	_ =	shalt  }
0x53: {  	_ =	shalt  }
0x54: {  	_ =	shalt  }
0x55: {  	_ =	shalt  }
0x56: {  	_ =	shalt  }
0x57: {  	_ =	shalt  }
0x58: {  	_ =	shalt  }
0x59: {  	_ =	shalt  }
0x5a: {  	_ =	shalt  }
0x5b: {  	_ =	shalt  }
0x5c: {  	_ =	shalt  }
0x5d: {  	_ =	shalt  }
0x5e: {  	_ =	shalt  }
0x5f: {  	_ =	shalt  }
0x60: {  	_ =	shalt  }
0x61: {  	_ =	shalt  }
0x62: {  	_ =	shalt  }
0x63: {  	_ =	shalt  }
0x64: {  	_ =	shalt  }
0x65: {  	_ =	shalt  }
0x66: {  	_ =	shalt  }
0x67: {  	_ =	shalt  }
0x68: {  	_ =	shalt  }
0x69: {  	_ =	shalt  }
0x6a: {  	_ =	shalt  }
0x6b: {  	_ =	shalt  }
0x6c: {  	_ =	shalt  }
0x6d: {  	_ =	shalt  }
0x6e: {  	_ =	shalt  }
0x6f: {  	_ =	shalt  }
0x70: {  	_ =	shalt  }
0x71: {  	_ =	shalt  }
0x72: {  	_ =	shalt  }
0x73: {  	_ =	shalt  }
0x74: {  	_ =	shalt  }
0x75: {  	_ =	shalt  }
0x76: {  	_ =	shalt  }
0x77: {  	_ =	shalt  }
0x78: {  	_ =	shalt  }
0x79: {  	_ =	shalt  }
0x7a: {  	_ =	shalt  }
0x7b: {  	_ =	shalt  }
0x7c: {  	_ =	shalt  }
0x7d: {  	_ =	shalt  }
0x7e: {  	_ =	shalt  }
0x7f: {  	_ =	shalt  }
0x80: {  	_ =	shalt  }
0x81: {  	_ =	shalt  }
0x82: {  	_ =	shalt  }
0x83: {  	_ =	shalt  }
0x84: {  	_ =	shalt  }
0x85: {  	_ =	shalt  }
0x86: {  	_ =	shalt  }
0x87: {  	_ =	shalt  }
.Lfunc_end0:
.L_simem_size_0:
called_computation_lowered:
.L_overlay_start_0:
0x88: {  	s2 =	sld [smem:$0x3FD9]  }
0x89: {  	s3 =	sld [smem:$0x3FFE];
	_ =	sdelay $0x1  }
0x8a: {  	s1 =	srdreg.scid  }
0x8b: {  	s0 =	sand.u32 $0x1, s1  }
0x8c: {  	s17 =	sshll.u32 s0, $0xA;
	s2 =	sadd.s32 s3, s2  }
0x8d: {  	s2 =	sadd.s32 s2, s17  }
0x8e: {  	[smem:$0x3FBE] =	sst s2  }
0x8f: {  	_ = 	snop  }
0x90: {  	s2 =	sld [smem:$0x3FD0];
	(tm) =	ssettm $0x1  }
0x91: {  	s18 =	sld [smem:$0x3FFB];
	_ =	sdelay $0x3  }
0x92: {  	_ =	strace s18  }
0x93: {  	s3 =	sld [smem:$0x3FFC];
	_ =	sdelay $0x3  }
0x94: {  	_ =	strace s3  }
0x95: {  	s3 =	sld [smem:$0x3FFD];
	_ =	sdelay $0x3  }
0x96: {  	_ =	strace s3  }
0x97: {  	_ =	strace $0x8FFFFFFF  }
0x98: {  	s19 =	sld [smem:$0x3FDB];
	_ =	sdelay $0x1  }
0x99: {  	s4 =	simm.s32 $_scs_section_size  }
0x9a: {  	s5 =	simm.s32 $_size__tile_overlayer_lowered;
	s6 =	simm.s32 $_tile_overlayer_lowered  }
0x9b: {  	s22 =	simm.s32 $0x1BFF;
	s21 =	sshll.u32 s6, $0x1;
	s3 =	sadd.s32 s4, s19  }
0x9c: {  	s7 =	simm.s32 $0x0;
	s20 =	sshll.u32 s5, $0x1;
	s5 =	sadd.s32 s21, s3  }
0x9d: {  	[timem:s7], [sflag:s22] =	dma.local [hbm:s5], s20  }
0x9e: {  	_ =	swait.ge [sflag:s22], s20  }
0x9f: {  	s4 =	ssub.s32 $0x0, s20;
	[sflag:s22] =	ssyncset.done $0x0  }
0xa0: {  	[sflag:s22] =	ssyncadd.s32 s4;
	_ =	sdelay $0x1  }
0xa1: {  	s23 =	simm.s32 $0x1B8B  }
0xa2: {  	_ =	swait.ge [sflag:s23], $0x1  }
0xa3: {  	[sflag:s23] =	ssyncset.done $0x0  }
0xa4: {  	s25 =	simm.s32 $0x1B8E;
	s24 =	sld [smem:$0x3FFE];
	[sflag:s23] =	ssyncadd.s32 $0xFFFFFFFF  }
0xa5: {  	s26 =	simm.s32 $execute0_lowered;
	[smem:$0x3FD2] =	sst s25  }
0xa6: {  	s5 =	sshll.u32 s26, $0x1;
	_ =	strace $0x80000046;
	[dreg:$0x1] =	wrdreg $0xFFFFFFFF  }
0xa7: {  	s28 =	simm.s32 $_size_execute0_lowered;
	s3 =	sadd.s32 s3, s5;
	[dreg:$0x0] =	wrdreg $0x0  }
0xa8: {  	s5 =	sshll.u32 s28, $0x1;
	[dreg:$0x2] =	wrdreg s3  }
0xa9: {  	[dreg:$0x3] =	wrdreg s5  }
0xaa: {  	[dreg:$0x4] =	wrdreg $0xC0  }
0xab: {  	_ =	task [dreg:s7], $0x5FFFF  }
0xac: {  	[dreg:$0x1] =	wrdreg $0xFFFFFFFF  }
0xad: {  	[dreg:$0x0] =	wrdreg $0x60  }
0xae: {  	[dreg:$0x2] =	wrdreg s24  }
0xaf: {  	[dreg:$0x3] =	wrdreg s2  }
0xb0: {  	[dreg:$0x4] =	wrdreg $0x68000  }
0xb1: {  	[dreg:$0x5] =	wrdreg $0x9  }
0xb2: {  	_ =	task.clear_ibuf [dreg:s7], $0x6FFFF;
	_ =	strace $0x90000046  }
0xb3: {  	s29 =	simm.s32 $0x9;
	_ =	strace $0x80000048  }
0xb4: {  	_ =	swait.ge [sflag:s29], $0x1  }
0xb5: {  	[sflag:s29] =	ssyncadd.s32 $0xFFFFFFFF  }
0xb6: {  	_ =	strace $0x90000048  }
0xb7: {  	_ =	sfence  }
0xb8: {  	s30 =	sld [smem:$0x0];
	_ =	sdelay $0x2  }
0xb9: {  	s31 =	sshll.u32 s1, $0xD;
	s1 =	sshrl.u32 s1, $0x2  }
0xba: {  	s3 =	sand.u32 $0x4000, s31;
	s1 =	sadd.s32 s1, s30  }
0xbb: {  	s0 =	sor.u32 s3, s0;
	s1 =	sshll.u32 s1, $0x11  }
0xbc: {  	s0 =	sor.u32 s1, s0  }
0xbd: {  	s0 =	sadd.s32 $0x8F2B, s0  }
0xbe: {  	[sflag:s0] =	ssyncadd.remote.s32 $0x1  }
0xbf: {  	_ =	sfence.sel $0xFFFF  }
0xc0: {  	[dreg:$0x0] =	wrdreg $0xFFFFFFFF;
	(pc) =	sbr.abs _section_cstart, $3  }
0xc1: {  	[dreg:$0x1] =	wrdreg $0xFFFFFFFF  }
0xc2: {  	_ =	task.clear_ibuf [dreg:s7], $0x2FFFF;
	_ =	strace $0x9FFFFFFF  }
0xc3: {  	(tm) =	ssettm $0x7FFFFFFF  }
tec
execute0_lowered:
.L_overlay_start_1:
0x0: {  	(tag) =	ssettag $0x1  }
0x1: {  	s7 =	rddreg [dreg:$0x0]  }
0x2: {  	s0 =	srdreg.scid;
	s2 =	rddreg [dreg:$0x1]  }
0x3: {  	s3 =	rddreg [dreg:$0x2];
	s4 =	simm.s32 $0x0;
	s6 =	sand.u32 $0x1, s0  }
0x4: {  	s13 =	simm.s32 $0x80;
	s0 =	stileid.u32;
	s8 =	smul.u32 $0x13C000, s6  }
0x5: {  	s14 =	simm.s32 $0x0;
	[smem:$0x7FF] =	sst s4;
	s9 =	smul.u32 $0x13C00, s0  }
0x6: {  	s1 =	sshll.u32 s6, $0x4;
	s30 =	smul.u32 $0x4F000, s0;
	s6 =	ssub.s32 $0x2, s6  }
0x7: {  	s11 =	sshll.u32 s0, $0x6;
	s1 =	sor.u32 s0, s1;
	s31 =	sshrl.u32 s6, $0x1  }
0x8: {  	s11 =	sor.u32 $0x1C01, s11;
	s5 =	smul.u32 $0x500, s1;
	s1 =	rddreg [dreg:$0x3]  }
0x9: {  	_ =	strace $0x80000047;
	s8 =	sadd.s32 s9, s8;
	s9 =	sshrl.u32 s30, $0x2  }
0xa: {  	s8 =	sshrl.u32 s8, $0x3;
	s12 =	sadd.s32 s9, s3;
	s9 =	simm.s32 $0x1  }
0xb: {  	s10 =	sadd.s32 s5, s7;
	s5 =	sadd.s32 $0xEC00, s7;
	s7 =	sadd.s32 s8, s7  }
0xc: {  	s8 =	ssub.s32 s6, s31;
	s12 =	sshrl.u32 s12, $0x3;
	s6 =	sadd.s32 $0x4C00, s10  }
0xd: {  	s7 =	sadd.s32 $0x11400, s7;
	s8 =	smax.u32 s8, $0x1;
	s10 =	simm.s32 $0x2800  }
.LBB2_1:
0xe: {  	[tilespmem:s4], [sflag:$0x1] =	stream.linear.gather [hbm4b:s6+s4], $0x2800, $0x38;
	[tilespmem:$0x1A400] =	vst v63  }
0xf: {  	_ =	swait.ge [sflag:s9], $0x2800  }
0x10: {  	[sflag:s9] =	ssyncset.done $0x0  }
0x11: {  	[sflag:s9] =	ssyncadd.s32 $0xFFFFD800  }
0x12: {  	[tilespmem:s10], [sflag:$0x1] =	stream.linear.gather [hbm4b:s2+s4], $0x4000, $0x38;
	[tilespmem:$0x1A400] =	vst v63  }
0x13: {  	_ =	swait.ge [sflag:s9], $0x4000  }
0x14: {  	[sflag:s9] =	ssyncset.done $0x0  }
0x15: {  	[sflag:s9] =	ssyncadd.s32 $0xFFFFC000  }
0x16: {  	[spmem:s12], [sflag:s11] =	dma.local [hbm:s5], $0x2780  }
0x17: {  	_ =	swait.ge [sflag:s9], $0x2780  }
0x18: {  	[sflag:s9] =	ssyncset.done $0x0  }
0x19: {  	[sflag:s9] =	ssyncadd.s32 $0xFFFFD880  }
0x1a: {  	s15 =	simm.s32 $0x0;
	[bflag:$0x0] =	sbarrier.arrive $0xFFFF  }
0x1b: {  	[spmem:s3] =	stream.indirect.scatter.add.f32 [tilespmem:s10], [sflag:$0x1], $0x80, s15, s13, $0xb8;
	[tilespmem:$0x1A400] =	vst v63  }
0x1c: {  	_ =	swait.ge [sflag:s9], $0x4000  }
0x1d: {  	s15 =	simm.s32 $0x200;
	[sflag:s9] =	ssyncset.done $0x0  }
.LBB2_2:
0x1e: {  	s16 =	sshra.s32 s15, $0x2;
	[sflag:s9] =	ssyncadd.s32 $0xFFFFC000;
	p0 =	sne.s32 s15, $0x9E00  }
0x1f: {  	[spmem:s3] =	stream.indirect.scatter.add.f32 [tilespmem:s10], [sflag:$0x1], $0x80, s16, s13, $0xb8;
	[tilespmem:$0x1A400] =	vst v63  }
.Ltmp0:
0x20: {  	_ = 	snop;
	(pc) =	sbr.rel @p0 .LBB2_2-.Ltmp0, $4  }
0x21: {  	_ = 	snop  }
0x22: {  	s15 =	sadd.s32 $0x200, s15  }
0x23: {  	_ =	swait.ge [sflag:s9], $0x4000  }
0x24: {  	[sflag:s9] =	ssyncset.done $0x0  }
0x25: {  	s14 =	sadd.s32 $0x1, s14  }
0x26: {  	[sflag:s9] =	ssyncadd.s32 $0xFFFFC000;
	p0 =	sne.s32 s14, s8  }
.Ltmp1:
0x27: {  	[bflag:$0x0] =	sbarrier.arrive $0xFFFF;
	(pc) =	sbr.rel @p0 .LBB2_1-.Ltmp1, $4  }
0x28: {  	[hbm:s7], [sflag:s11] =	dma.local [spmem:s12], $0x2780  }
0x29: {  	_ =	swait.ge [sflag:s9], $0x2780  }
0x2a: {  	[sflag:s9] =	ssyncset.done $0x0  }
0x2b: {  	[sflag:s9] =	ssyncadd.s32 $0xFFFFD880  }
0x2c: {  	_ =	sfence.sel $0x180000  }
0x2d: {  	[bflag:$0x0] =	sbarrier.arrive $0xFFFF  }
0x2e: {  	p0 =	sne.s32 s0, $0x0;
	_ =	strace $0x90000047  }
0x2f: {  	s0 =	sadd.s32 @!p0 $0x100000, s1;
	[bflag:$0x2] =	sbarrier.arrive $0xFFFF  }
0x30: {  	[sflag:s0] =	ssyncadd.tile.s32 @!p0 $0x1;
	_ =	shalt  }
.Lfunc_end2:
_tile_overlayer_lowered:
.L_overlay_start_2:
0x31: {  	(tag) =	ssettag $0x2  }
0x32: {  	s0 =	rddreg [dreg:$0x0];
	s2 =	stileid.u32  }
0x33: {  	s1 =	rddreg [dreg:$0x1];
	p0 =	sne.s32 s2, $0x0  }
0x34: {  	s3 =	rddreg [dreg:$0x2];
	[bflag:$0x3] =	sbarrier.arrive $0xFFFF;
	s2 =	simm.s32 @!p0 $0x1C01  }
0x35: {  	[timem:s3], [sflag:s2] =	dma.local @!p0 [hbm:s0], s1  }
0x36: {  	s0 =	simm.s32 @!p0 $0x1  }
0x37: {  	_ =	swait.ge @!p0 [sflag:s0], s1  }
0x38: {  	s1 =	ssub.s32 @!p0 $0x0, s1;
	[sflag:s0] =	ssyncset.done @!p0 $0x0  }
0x39: {  	[sflag:s0] =	ssyncadd.s32 @!p0 s1  }
0x3a: {  	[bflag:$0x3] =	sbarrier.arrive $0xFFFF  }
0x3b: {  	_ =	shalt  }

// kernel: kernel.13.cloned.1.call-start
scs
__scs_entry_jumppad:
0x0: {  	(pc) =	sbr.rel $0x88, $3  }
0x1: {  	(tag) =	ssettag $0x0;
	lr =	simm.s32 $0x1  }
0x2: {  	[smem:$0x3F97] =	sst lr;
	_ =	strace $0xD0000000  }
0x3: {  	_ = 	snop  }
0x4: {  	_ = 	snop  }
0x5: {  	_ = 	snop  }
0x6: {  	_ = 	snop  }
0x7: {  	_ = 	snop  }
__scs_overlays_trampoline_lowered:
0x8: {  	[smem:$0x3FA6] =	sst s0  }
0x9: {  	[smem:$0x3FA7] =	sst s1  }
0xa: {  	[smem:$0x3FA8] =	sst s2  }
0xb: {  	[smem:$0x3FA9] =	sst s3  }
0xc: {  	[smem:$0x3FAA] =	sst s4  }
0xd: {  	[smem:$0x3FAB] =	sst s5  }
0xe: {  	[smem:$0x3FAC] =	sst s6  }
0xf: {  	[smem:$0x3FAD] =	sst s7  }
0x10: {  	[smem:$0x3FAE] =	sst s8  }
0x11: {  	[smem:$0x3FAF] =	sst s9;
	s0 =	simm.s32 @!p0 $0x0  }
0x12: {  	s1 =	sld [smem:$0x3F95];
	s0 =	simm.s32 @p0 $0x1  }
0x13: {  	[smem:$0x3FB0] =	sst s0;
	s0 =	simm.s32 @!p1 $0x0  }
0x14: {  	s2 =	sld [smem:$0x3F94];
	s0 =	simm.s32 @p1 $0x1  }
0x15: {  	[smem:$0x3FB1] =	sst s0;
	s0 =	simm.s32 @!p2 $0x0  }
0x16: {  	s3 =	sld [smem:$0x3FDB];
	s0 =	simm.s32 @p2 $0x1  }
0x17: {  	s4 =	simm.s32 $0x1BF5;
	[smem:$0x3FB3] =	sst s0  }
0x18: {  	s0 =	sld [smem:$0x3F96];
	_ =	swait.ge [sflag:s4], $0x0  }
0x19: {  	s7 =	sld [smem:$0x3F97]  }
0x1a: {  	s8 =	sadd.s32 $0xFFFFE003, lr  }
0x1b: {  	s9 =	sadd.s32 $0xFFFFFEF7, lr;
	s5 =	simm.s32 $0xFFFFFFFF;
	p2 =	slt.u32 s8, $0xFFFFF086  }
0x1c: {  	p1 =	slt.u32 s9, $0xF7A;
	s5 =	simm.s32 @!p2 $0x0  }
0x1d: {  	s5 =	simm.s32 @p1 $0x1;
	p0 =	seq.s32 s7, s2  }
0x1e: {  	s7 =	smul.u32 @!p0 $0xF7A, s2;
	p2 =	seq.s32 @!p0 s5, $0x0  }
0x1f: {  	s9 =	smul.u32 $0xF7A, s1;
	s8 =	simm.s32 @!p0 $0x1BF5;
	p2 =	por !p2, p0  }
0x20: {  	[sflag:s8] =	ssyncset.s32 @!p0 $0xFFFFF086;
	s6 =	sadd.s32 @!p0 s3, s7;
	s7 =	simm.s32 @!p0 $0x108  }
0x21: {  	s3 =	sadd.s32 s3, s9;
	s6 =	sadd.s32 @!p0 $0x88, s6;
	s7 =	simm.s32 @p2 $0x1082  }
0x22: {  	[simem:s7], [sflag:s8] =	dma.local @!p0 [hbm:s6], $0xF7A  }
0x23: {  	s9 =	sor.u32 $0xD0000000, s2;
	s6 =	simm.s32 $0x108;
	_ =	swait.ge @!p0 [sflag:s8], $0x0  }
0x24: {  	s3 =	sadd.s32 $0x88, s3;
	s6 =	simm.s32 @!p1 $0x1082;
	[sflag:s4] =	ssyncset.s32 $0xFFFFF086  }
0x25: {  	[simem:s6], [sflag:s4] =	dma.local [hbm:s3], $0xF7A  }
0x26: {  	[smem:$0x3F97] =	sst s1;
	(tag) =	ssettag s2;
	_ =	strace s9  }
0x27: {  	s1 =	sld [smem:$0x3FA7]  }
0x28: {  	s2 =	sld [smem:$0x3FA8]  }
0x29: {  	s4 =	sld [smem:$0x3FAA]  }
0x2a: {  	p0 =	seq.s32 s5, $0x0;
	s5 =	sld [smem:$0x3FAB]  }
0x2b: {  	s6 =	sld [smem:$0x3FAC]  }
0x2c: {  	s7 =	sld [smem:$0x3FAD]  }
0x2d: {  	s3 =	simm.s32 $0x108;
	s8 =	sld [smem:$0x3FAE]  }
0x2e: {  	s3 =	simm.s32 @!p0 $0x1082;
	s9 =	sld [smem:$0x3FAF]  }
0x2f: {  	lr =	sadd.s32 s0, s3;
	s0 =	sld [smem:$0x3FA6]  }
0x30: {  	s3 =	sld [smem:$0x3FA9]  }
0x31: {  	[smem:$0x3FB2] =	sst s10  }
0x32: {  	s10 =	sld [smem:$0x3FB0];
	_ =	sdelay $0x3  }
0x33: {  	p0 =	seq.s32 s10, $0x1;
	s10 =	sld [smem:$0x3FB2];
	_ =	sdelay $0x3  }
0x34: {  	[smem:$0x3FB2] =	sst s10  }
0x35: {  	s10 =	sld [smem:$0x3FB1];
	_ =	sdelay $0x3  }
0x36: {  	p1 =	seq.s32 s10, $0x1;
	s10 =	sld [smem:$0x3FB2];
	_ =	sdelay $0x3  }
0x37: {  	[smem:$0x3FB2] =	sst s10  }
0x38: {  	s10 =	sld [smem:$0x3FB3]  }
0x39: {  	_ = 	snop;
	(pc) =	sbr.ind lr, $3  }
0x3a: {  	_ = 	snop  }
0x3b: {  	_ = 	snop  }
0x3c: {  	p2 =	seq.s32 s10, $0x1;
	s10 =	sld [smem:$0x3FB2]  }
0x3d: {  	_ =	shalt  }
0x3e: {  	_ =	shalt  }
0x3f: {  	_ =	shalt  }
0x40: {  	_ =	shalt  }
0x41: {  	_ =	shalt  }
0x42: {  	_ =	shalt  }
0x43: {  	_ =	shalt  }
0x44: {  	_ =	shalt  }
0x45: {  	_ =	shalt  }
0x46: {  	_ =	shalt  }
0x47: {  	_ =	shalt  }
0x48: {  	_ =	shalt  }
0x49: {  	_ =	shalt  }
0x4a: {  	_ =	shalt  }
0x4b: {  	_ =	shalt  }
0x4c: {  	_ =	shalt  }
0x4d: {  	_ =	shalt  }
0x4e: {  	_ =	shalt  }
0x4f: {  	_ =	shalt  }
0x50: {  	_ =	shalt  }
0x51: {  	_ =	shalt  }
0x52: {  	_ =	shalt  }
0x53: {  	_ =	shalt  }
0x54: {  	_ =	shalt  }
0x55: {  	_ =	shalt  }
0x56: {  	_ =	shalt  }
0x57: {  	_ =	shalt  }
0x58: {  	_ =	shalt  }
0x59: {  	_ =	shalt  }
0x5a: {  	_ =	shalt  }
0x5b: {  	_ =	shalt  }
0x5c: {  	_ =	shalt  }
0x5d: {  	_ =	shalt  }
0x5e: {  	_ =	shalt  }
0x5f: {  	_ =	shalt  }
0x60: {  	_ =	shalt  }
0x61: {  	_ =	shalt  }
0x62: {  	_ =	shalt  }
0x63: {  	_ =	shalt  }
0x64: {  	_ =	shalt  }
0x65: {  	_ =	shalt  }
0x66: {  	_ =	shalt  }
0x67: {  	_ =	shalt  }
0x68: {  	_ =	shalt  }
0x69: {  	_ =	shalt  }
0x6a: {  	_ =	shalt  }
0x6b: {  	_ =	shalt  }
0x6c: {  	_ =	shalt  }
0x6d: {  	_ =	shalt  }
0x6e: {  	_ =	shalt  }
0x6f: {  	_ =	shalt  }
0x70: {  	_ =	shalt  }
0x71: {  	_ =	shalt  }
0x72: {  	_ =	shalt  }
0x73: {  	_ =	shalt  }
0x74: {  	_ =	shalt  }
0x75: {  	_ =	shalt  }
0x76: {  	_ =	shalt  }
0x77: {  	_ =	shalt  }
0x78: {  	_ =	shalt  }
0x79: {  	_ =	shalt  }
0x7a: {  	_ =	shalt  }
0x7b: {  	_ =	shalt  }
0x7c: {  	_ =	shalt  }
0x7d: {  	_ =	shalt  }
0x7e: {  	_ =	shalt  }
0x7f: {  	_ =	shalt  }
0x80: {  	_ =	shalt  }
0x81: {  	_ =	shalt  }
0x82: {  	_ =	shalt  }
0x83: {  	_ =	shalt  }
0x84: {  	_ =	shalt  }
0x85: {  	_ =	shalt  }
0x86: {  	_ =	shalt  }
0x87: {  	_ =	shalt  }
.Lfunc_end0:
.L_simem_size_0:
called_computation.1_lowered:
.L_overlay_start_0:
0x88: {  	s2 =	sld [smem:$0x3FD9]  }
0x89: {  	s3 =	sld [smem:$0x3FFE];
	_ =	sdelay $0x1  }
0x8a: {  	s1 =	srdreg.scid  }
0x8b: {  	s0 =	sand.u32 $0x1, s1  }
0x8c: {  	s17 =	sshll.u32 s0, $0xA;
	s2 =	sadd.s32 s3, s2  }
0x8d: {  	s2 =	sadd.s32 s2, s17  }
0x8e: {  	[smem:$0x3FBE] =	sst s2  }
0x8f: {  	_ = 	snop  }
0x90: {  	s2 =	sld [smem:$0x3FD0];
	(tm) =	ssettm $0x1  }
0x91: {  	s18 =	sld [smem:$0x3FFB];
	_ =	sdelay $0x3  }
0x92: {  	_ =	strace s18  }
0x93: {  	s3 =	sld [smem:$0x3FFC];
	_ =	sdelay $0x3  }
0x94: {  	_ =	strace s3  }
0x95: {  	s3 =	sld [smem:$0x3FFD];
	_ =	sdelay $0x3  }
0x96: {  	_ =	strace s3  }
0x97: {  	_ =	strace $0x8FFFFFFF  }
0x98: {  	s19 =	sld [smem:$0x3FDB];
	_ =	sdelay $0x1  }
0x99: {  	s4 =	simm.s32 $_scs_section_size  }
0x9a: {  	s5 =	simm.s32 $_size__tile_overlayer_lowered;
	s6 =	simm.s32 $_tile_overlayer_lowered  }
0x9b: {  	s22 =	simm.s32 $0x1BFF;
	s21 =	sshll.u32 s6, $0x1;
	s3 =	sadd.s32 s4, s19  }
0x9c: {  	s7 =	simm.s32 $0x0;
	s20 =	sshll.u32 s5, $0x1;
	s5 =	sadd.s32 s21, s3  }
0x9d: {  	[timem:s7], [sflag:s22] =	dma.local [hbm:s5], s20  }
0x9e: {  	_ =	swait.ge [sflag:s22], s20  }
0x9f: {  	s4 =	ssub.s32 $0x0, s20;
	[sflag:s22] =	ssyncset.done $0x0  }
0xa0: {  	[sflag:s22] =	ssyncadd.s32 s4;
	_ =	sdelay $0x1  }
0xa1: {  	s23 =	simm.s32 $0x1B8B  }
0xa2: {  	_ =	swait.ge [sflag:s23], $0x1  }
0xa3: {  	[sflag:s23] =	ssyncset.done $0x0  }
0xa4: {  	s25 =	simm.s32 $0x1B8E;
	s24 =	sld [smem:$0x3FFE];
	[sflag:s23] =	ssyncadd.s32 $0xFFFFFFFF  }
0xa5: {  	s26 =	simm.s32 $execute0_lowered;
	[smem:$0x3FD2] =	sst s25  }
0xa6: {  	s5 =	sshll.u32 s26, $0x1;
	_ =	strace $0x80000049;
	[dreg:$0x1] =	wrdreg $0xFFFFFFFF  }
0xa7: {  	s28 =	simm.s32 $_size_execute0_lowered;
	s3 =	sadd.s32 s3, s5;
	[dreg:$0x0] =	wrdreg $0x0  }
0xa8: {  	s5 =	sshll.u32 s28, $0x1;
	[dreg:$0x2] =	wrdreg s3  }
0xa9: {  	[dreg:$0x3] =	wrdreg s5  }
0xaa: {  	[dreg:$0x4] =	wrdreg $0xC0  }
0xab: {  	_ =	task [dreg:s7], $0x5FFFF  }
0xac: {  	[dreg:$0x1] =	wrdreg $0xFFFFFFFF  }
0xad: {  	[dreg:$0x0] =	wrdreg $0x60  }
0xae: {  	[dreg:$0x2] =	wrdreg s2  }
0xaf: {  	[dreg:$0x3] =	wrdreg s24  }
0xb0: {  	[dreg:$0x4] =	wrdreg $0x88000  }
0xb1: {  	[dreg:$0x5] =	wrdreg $0x9  }
0xb2: {  	_ =	task.clear_ibuf [dreg:s7], $0x6FFFF;
	_ =	strace $0x90000049  }
0xb3: {  	s29 =	simm.s32 $0x9;
	_ =	strace $0x8000004B  }
0xb4: {  	_ =	swait.ge [sflag:s29], $0x1  }
0xb5: {  	[sflag:s29] =	ssyncadd.s32 $0xFFFFFFFF  }
0xb6: {  	_ =	strace $0x9000004B  }
0xb7: {  	_ =	sfence  }
0xb8: {  	s30 =	sld [smem:$0x0];
	_ =	sdelay $0x2  }
0xb9: {  	s31 =	sshll.u32 s1, $0xD;
	s1 =	sshrl.u32 s1, $0x2  }
0xba: {  	s3 =	sand.u32 $0x4000, s31;
	s1 =	sadd.s32 s1, s30  }
0xbb: {  	s0 =	sor.u32 s3, s0;
	s1 =	sshll.u32 s1, $0x11  }
0xbc: {  	s0 =	sor.u32 s1, s0  }
0xbd: {  	s0 =	sadd.s32 $0x8F2B, s0  }
0xbe: {  	[sflag:s0] =	ssyncadd.remote.s32 $0x1  }
0xbf: {  	_ =	sfence.sel $0xFFFF  }
0xc0: {  	[dreg:$0x0] =	wrdreg $0xFFFFFFFF;
	(pc) =	sbr.abs _section_cstart, $3  }
0xc1: {  	[dreg:$0x1] =	wrdreg $0xFFFFFFFF  }
0xc2: {  	_ =	task.clear_ibuf [dreg:s7], $0x2FFFF;
	_ =	strace $0x9FFFFFFF  }
0xc3: {  	(tm) =	ssettm $0x7FFFFFFF  }
tec
execute0_lowered:
.L_overlay_start_1:
0x0: {  	(tag) =	ssettag $0x1  }
0x1: {  	s1 =	rddreg [dreg:$0x0]  }
0x2: {  	s0 =	srdreg.scid;
	s2 =	rddreg [dreg:$0x1]  }
0x3: {  	s8 =	stileid.u32;
	s3 =	rddreg [dreg:$0x2]  }
0x4: {  	s4 =	simm.s32 $0x0;
	s12 =	simm.s32 $0x3;
	s13 =	simm.s32 $0x400  }
0x5: {  	s14 =	simm.s32 $0x80;
	s15 =	simm.s32 $0x800;
	s16 =	simm.s32 $0x4800  }
0x6: {  	s17 =	simm.s32 $0x1;
	s18 =	simm.s32 $0x100;
	s19 =	simm.s32 $0x2  }
0x7: {  	s20 =	simm.s32 $0x480;
	s21 =	simm.s32 $0x180;
	s22 =	simm.s32 $0x500  }
0x8: {  	s28 =	simm.s32 $0x300;
	s29 =	simm.s32 $0x680;
	s6 =	smul.u32 $0x2800, s8  }
0x9: {  	s30 =	simm.s32 $0x380;
	s31 =	simm.s32 $0x700;
	s23 =	smul.u32 $0x13C00, s8  }
0xa: {  	s0 =	sand.u32 $0x1, s0;
	[smem:$0x7FF] =	sst s4;
	s24 =	smul.u32 $0x4F000, s8  }
0xb: {  	s9 =	sadd.s32 $0xEC00, s2;
	s26 =	sshll.u32 s8, $0x6;
	s5 =	smul.u32 $0x28000, s0  }
0xc: {  	s7 =	smul.u32 $0x13C000, s0;
	_ =	strace $0x8000004A;
	s0 =	ssub.s32 $0x2, s0  }
0xd: {  	[dreg:$0x4] =	wrdreg s9;
	s25 =	sshrl.u32 s0, $0x1;
	s5 =	sadd.s32 s6, s5  }
0xe: {  	s6 =	sadd.s32 s23, s7;
	s7 =	sshrl.u32 s24, $0x2;
	s0 =	ssub.s32 s0, s25  }
0xf: {  	s23 =	simm.s32 $0x200;
	s24 =	simm.s32 $0x580;
	s25 =	simm.s32 $0x280  }
0x10: {  	s5 =	sshrl.u32 s5, $0x3;
	s6 =	sshrl.u32 s6, $0x3;
	s7 =	sadd.s32 s7, s3  }
0x11: {  	s0 =	smax.u32 s0, $0x1;
	s5 =	sadd.s32 s5, s2;
	s2 =	sadd.s32 s6, s2  }
0x12: {  	s6 =	sor.u32 $0x1C03, s26;
	[dreg:$0x7] =	wrdreg s0;
	s7 =	sshrl.u32 s7, $0x3  }
0x13: {  	s26 =	simm.s32 $0x600;
	s0 =	simm.s32 $0x0;
	[dreg:$0x5] =	wrdreg s6  }
0x14: {  	s2 =	sadd.s32 $0x6A400, s2;
	s9 =	sadd.s32 $0x4C00, s5;
	[dreg:$0x8] =	wrdreg s7  }
0x15: {  	s10 =	sadd.s32 $0x60400, s5;
	[dreg:$0x6] =	wrdreg s2;
	s2 =	simm.s32 $0x780  }
.LBB2_1:
0x16: {  	s5 =	rddreg [dreg:$0x4]  }
0x17: {  	[spmem:s7], [sflag:s6] =	dma.local [hbm:s5], $0x2780  }
0x18: {  	_ =	swait.ge [sflag:s12], $0x2780  }
0x19: {  	[sflag:s12] =	ssyncset.done $0x0  }
0x1a: {  	[sflag:s12] =	ssyncadd.s32 $0xFFFFD880  }
0x1b: {  	s8 =	sadd.s32 $0x0, s10;
	[bflag:$0x0] =	sbarrier.arrive $0xFFFF  }
0x1c: {  	[tilespmem:s4], [sflag:$0x3] =	stream.linear.gather [hbm4b:s8+s4], $0x400, $0x38;
	[tilespmem:$0x1C400] =	vst v63  }
0x1d: {  	_ =	swait.ge [sflag:s12], $0x400  }
0x1e: {  	[sflag:s12] =	ssyncset.done $0x0  }
0x1f: {  	s11 =	sadd.s32 $0x0, s9;
	[sflag:s12] =	ssyncadd.s32 $0xFFFFFC00  }
0x20: {  	[tilespmem:s13], [sflag:$0x3] =	stream.linear.gather [hbm4b:s11+s4], $0x400, $0x38;
	[tilespmem:$0x1C400] =	vst v63  }
0x21: {  	_ =	swait.ge [sflag:s12], $0x400  }
0x22: {  	[sflag:s12] =	ssyncset.done $0x0  }
0x23: {  	[sflag:s12] =	ssyncadd.s32 $0xFFFFFC00  }
0x24: {  	[tilespmem:s15], [sflag:$0x1] =	stream.indirect.gather [hbm4b:s1+s14], $0x80, s4, s14, $0xb8;
	[tilespmem:$0x1C400] =	vst v63  }
0x25: {  	_ = 	snop  }
0x26: {  	[tilespmem:s16], [sflag:$0x2] =	stream.indirect.gather [hbm4b:s1+s14], $0x80, s14, s14, $0xb8;
	[tilespmem:$0x1C400] =	vst v63  }
0x27: {  	_ =	swait.ge [sflag:s17], $0x4000  }
0x28: {  	[sflag:s17] =	ssyncset.done $0x0  }
0x29: {  	[sflag:s17] =	ssyncadd.s32 $0xFFFFC000  }
0x2a: {  	[spmem:s3] =	stream.indirect.scatter.add.f32 [tilespmem:s15], [sflag:$0x3], $0x80, s13, s14, $0xb8;
	[tilespmem:$0x1C400] =	vst v63  }
0x2b: {  	_ =	swait.ge [sflag:s12], $0x4000  }
0x2c: {  	[sflag:s12] =	ssyncset.done $0x0  }
0x2d: {  	[sflag:s12] =	ssyncadd.s32 $0xFFFFC000  }
0x2e: {  	[tilespmem:s15], [sflag:$0x1] =	stream.indirect.gather [hbm4b:s1+s14], $0x80, s18, s14, $0xb8;
	[tilespmem:$0x1C400] =	vst v63  }
0x2f: {  	_ =	swait.ge [sflag:s19], $0x4000  }
0x30: {  	[sflag:s19] =	ssyncset.done $0x0  }
0x31: {  	[sflag:s19] =	ssyncadd.s32 $0xFFFFC000  }
0x32: {  	[spmem:s3] =	stream.indirect.scatter.add.f32 [tilespmem:s16], [sflag:$0x3], $0x80, s20, s14, $0xb8;
	[tilespmem:$0x1C400] =	vst v63  }
0x33: {  	_ =	swait.ge [sflag:s12], $0x4000  }
0x34: {  	[sflag:s12] =	ssyncset.done $0x0  }
0x35: {  	[sflag:s12] =	ssyncadd.s32 $0xFFFFC000  }
0x36: {  	[tilespmem:s16], [sflag:$0x2] =	stream.indirect.gather [hbm4b:s1+s14], $0x80, s21, s14, $0xb8;
	[tilespmem:$0x1C400] =	vst v63  }
0x37: {  	_ =	swait.ge [sflag:s17], $0x4000  }
0x38: {  	[sflag:s17] =	ssyncset.done $0x0  }
0x39: {  	[sflag:s17] =	ssyncadd.s32 $0xFFFFC000  }
0x3a: {  	[spmem:s3] =	stream.indirect.scatter.add.f32 [tilespmem:s15], [sflag:$0x3], $0x80, s22, s14, $0xb8;
	[tilespmem:$0x1C400] =	vst v63  }
0x3b: {  	_ =	swait.ge [sflag:s12], $0x4000  }
0x3c: {  	[sflag:s12] =	ssyncset.done $0x0  }
0x3d: {  	[sflag:s12] =	ssyncadd.s32 $0xFFFFC000  }
0x3e: {  	[tilespmem:s15], [sflag:$0x1] =	stream.indirect.gather [hbm4b:s1+s14], $0x80, s23, s14, $0xb8;
	[tilespmem:$0x1C400] =	vst v63  }
0x3f: {  	_ =	swait.ge [sflag:s19], $0x4000  }
0x40: {  	[sflag:s19] =	ssyncset.done $0x0  }
0x41: {  	[sflag:s19] =	ssyncadd.s32 $0xFFFFC000  }
0x42: {  	[spmem:s3] =	stream.indirect.scatter.add.f32 [tilespmem:s16], [sflag:$0x3], $0x80, s24, s14, $0xb8;
	[tilespmem:$0x1C400] =	vst v63  }
0x43: {  	_ =	swait.ge [sflag:s12], $0x4000  }
0x44: {  	[sflag:s12] =	ssyncset.done $0x0  }
0x45: {  	[sflag:s12] =	ssyncadd.s32 $0xFFFFC000  }
0x46: {  	[tilespmem:s16], [sflag:$0x2] =	stream.indirect.gather [hbm4b:s1+s14], $0x80, s25, s14, $0xb8;
	[tilespmem:$0x1C400] =	vst v63  }
0x47: {  	_ =	swait.ge [sflag:s17], $0x4000  }
0x48: {  	[sflag:s17] =	ssyncset.done $0x0  }
0x49: {  	[sflag:s17] =	ssyncadd.s32 $0xFFFFC000  }
0x4a: {  	[spmem:s3] =	stream.indirect.scatter.add.f32 [tilespmem:s15], [sflag:$0x3], $0x80, s26, s14, $0xb8;
	[tilespmem:$0x1C400] =	vst v63  }
0x4b: {  	_ =	swait.ge [sflag:s12], $0x4000  }
0x4c: {  	[sflag:s12] =	ssyncset.done $0x0  }
0x4d: {  	[sflag:s12] =	ssyncadd.s32 $0xFFFFC000  }
0x4e: {  	[tilespmem:s15], [sflag:$0x1] =	stream.indirect.gather [hbm4b:s1+s14], $0x80, s28, s14, $0xb8;
	[tilespmem:$0x1C400] =	vst v63  }
0x4f: {  	_ =	swait.ge [sflag:s19], $0x4000  }
0x50: {  	[sflag:s19] =	ssyncset.done $0x0  }
0x51: {  	[sflag:s19] =	ssyncadd.s32 $0xFFFFC000  }
0x52: {  	[spmem:s3] =	stream.indirect.scatter.add.f32 [tilespmem:s16], [sflag:$0x3], $0x80, s29, s14, $0xb8;
	[tilespmem:$0x1C400] =	vst v63  }
0x53: {  	_ =	swait.ge [sflag:s12], $0x4000  }
0x54: {  	[sflag:s12] =	ssyncset.done $0x0  }
0x55: {  	[sflag:s12] =	ssyncadd.s32 $0xFFFFC000  }
0x56: {  	[tilespmem:s16], [sflag:$0x2] =	stream.indirect.gather [hbm4b:s1+s14], $0x80, s30, s14, $0xb8;
	[tilespmem:$0x1C400] =	vst v63  }
0x57: {  	_ =	swait.ge [sflag:s17], $0x4000  }
0x58: {  	[sflag:s17] =	ssyncset.done $0x0  }
0x59: {  	[sflag:s17] =	ssyncadd.s32 $0xFFFFC000  }
0x5a: {  	[spmem:s3] =	stream.indirect.scatter.add.f32 [tilespmem:s15], [sflag:$0x3], $0x80, s31, s14, $0xb8;
	[tilespmem:$0x1C400] =	vst v63  }
0x5b: {  	_ =	swait.ge [sflag:s12], $0x4000  }
0x5c: {  	[sflag:s12] =	ssyncset.done $0x0  }
0x5d: {  	[sflag:s12] =	ssyncadd.s32 $0xFFFFC000  }
0x5e: {  	_ =	swait.ge [sflag:s19], $0x4000  }
0x5f: {  	[sflag:s19] =	ssyncset.done $0x0  }
0x60: {  	[sflag:s19] =	ssyncadd.s32 $0xFFFFC000  }
0x61: {  	[spmem:s3] =	stream.indirect.scatter.add.f32 [tilespmem:s16], [sflag:$0x3], $0x80, s2, s14, $0xb8;
	[tilespmem:$0x1C400] =	vst v63  }
0x62: {  	_ =	swait.ge [sflag:s12], $0x4000  }
0x63: {  	s5 =	simm.s32 $0x80;
	s7 =	simm.s32 $0x100;
	[sflag:s12] =	ssyncset.done $0x0  }
.LBB2_2:
0x64: {  	s6 =	sadd.s32 s5, s10  }
0x65: {  	[sflag:s12] =	ssyncadd.s32 $0xFFFFC000;
	s11 =	smov.u32 s7;
	s8 =	sadd.s32 $0x80, s7  }
0x66: {  	[tilespmem:s4], [sflag:$0x3] =	stream.linear.gather [hbm4b:s6+s4], $0x400, $0x38;
	[tilespmem:$0x1C400] =	vst v63  }
0x67: {  	p0 =	sne.s32 s7, $0x480;
	_ =	swait.ge [sflag:s12], $0x400  }
0x68: {  	[sflag:s12] =	ssyncset.done $0x0  }
0x69: {  	s6 =	sadd.s32 s5, s9;
	s5 =	smov.u32 s11;
	[sflag:s12] =	ssyncadd.s32 $0xFFFFFC00  }
0x6a: {  	[tilespmem:s13], [sflag:$0x3] =	stream.linear.gather [hbm4b:s6+s4], $0x400, $0x38;
	[tilespmem:$0x1C400] =	vst v63  }
0x6b: {  	_ =	swait.ge [sflag:s12], $0x400  }
0x6c: {  	[sflag:s12] =	ssyncset.done $0x0  }
0x6d: {  	[sflag:s12] =	ssyncadd.s32 $0xFFFFFC00  }
0x6e: {  	[tilespmem:s15], [sflag:$0x1] =	stream.indirect.gather [hbm4b:s1+s14], $0x80, s4, s14, $0xb8;
	[tilespmem:$0x1C400] =	vst v63  }
0x6f: {  	_ = 	snop  }
0x70: {  	[tilespmem:s16], [sflag:$0x2] =	stream.indirect.gather [hbm4b:s1+s14], $0x80, s14, s14, $0xb8;
	[tilespmem:$0x1C400] =	vst v63  }
0x71: {  	_ =	swait.ge [sflag:s17], $0x4000  }
0x72: {  	[sflag:s17] =	ssyncset.done $0x0  }
0x73: {  	[sflag:s17] =	ssyncadd.s32 $0xFFFFC000  }
0x74: {  	[spmem:s3] =	stream.indirect.scatter.add.f32 [tilespmem:s15], [sflag:$0x3], $0x80, s13, s14, $0xb8;
	[tilespmem:$0x1C400] =	vst v63  }
0x75: {  	_ =	swait.ge [sflag:s12], $0x4000  }
0x76: {  	[sflag:s12] =	ssyncset.done $0x0  }
0x77: {  	[sflag:s12] =	ssyncadd.s32 $0xFFFFC000  }
0x78: {  	[tilespmem:s15], [sflag:$0x1] =	stream.indirect.gather [hbm4b:s1+s14], $0x80, s18, s14, $0xb8;
	[tilespmem:$0x1C400] =	vst v63  }
0x79: {  	_ =	swait.ge [sflag:s19], $0x4000  }
0x7a: {  	[sflag:s19] =	ssyncset.done $0x0  }
0x7b: {  	[sflag:s19] =	ssyncadd.s32 $0xFFFFC000  }
0x7c: {  	[spmem:s3] =	stream.indirect.scatter.add.f32 [tilespmem:s16], [sflag:$0x3], $0x80, s20, s14, $0xb8;
	[tilespmem:$0x1C400] =	vst v63  }
0x7d: {  	_ =	swait.ge [sflag:s12], $0x4000  }
0x7e: {  	[sflag:s12] =	ssyncset.done $0x0  }
0x7f: {  	[sflag:s12] =	ssyncadd.s32 $0xFFFFC000  }
0x80: {  	[tilespmem:s16], [sflag:$0x2] =	stream.indirect.gather [hbm4b:s1+s14], $0x80, s21, s14, $0xb8;
	[tilespmem:$0x1C400] =	vst v63  }
0x81: {  	_ =	swait.ge [sflag:s17], $0x4000  }
0x82: {  	[sflag:s17] =	ssyncset.done $0x0  }
0x83: {  	[sflag:s17] =	ssyncadd.s32 $0xFFFFC000  }
0x84: {  	[spmem:s3] =	stream.indirect.scatter.add.f32 [tilespmem:s15], [sflag:$0x3], $0x80, s22, s14, $0xb8;
	[tilespmem:$0x1C400] =	vst v63  }
0x85: {  	_ =	swait.ge [sflag:s12], $0x4000  }
0x86: {  	[sflag:s12] =	ssyncset.done $0x0  }
0x87: {  	[sflag:s12] =	ssyncadd.s32 $0xFFFFC000  }
0x88: {  	[tilespmem:s15], [sflag:$0x1] =	stream.indirect.gather [hbm4b:s1+s14], $0x80, s23, s14, $0xb8;
	[tilespmem:$0x1C400] =	vst v63  }
0x89: {  	_ =	swait.ge [sflag:s19], $0x4000  }
0x8a: {  	[sflag:s19] =	ssyncset.done $0x0  }
0x8b: {  	[sflag:s19] =	ssyncadd.s32 $0xFFFFC000  }
0x8c: {  	[spmem:s3] =	stream.indirect.scatter.add.f32 [tilespmem:s16], [sflag:$0x3], $0x80, s24, s14, $0xb8;
	[tilespmem:$0x1C400] =	vst v63  }
0x8d: {  	_ =	swait.ge [sflag:s12], $0x4000  }
0x8e: {  	[sflag:s12] =	ssyncset.done $0x0  }
0x8f: {  	[sflag:s12] =	ssyncadd.s32 $0xFFFFC000  }
0x90: {  	[tilespmem:s16], [sflag:$0x2] =	stream.indirect.gather [hbm4b:s1+s14], $0x80, s25, s14, $0xb8;
	[tilespmem:$0x1C400] =	vst v63  }
0x91: {  	_ =	swait.ge [sflag:s17], $0x4000  }
0x92: {  	[sflag:s17] =	ssyncset.done $0x0  }
0x93: {  	[sflag:s17] =	ssyncadd.s32 $0xFFFFC000  }
0x94: {  	[spmem:s3] =	stream.indirect.scatter.add.f32 [tilespmem:s15], [sflag:$0x3], $0x80, s26, s14, $0xb8;
	[tilespmem:$0x1C400] =	vst v63  }
0x95: {  	_ =	swait.ge [sflag:s12], $0x4000  }
0x96: {  	[sflag:s12] =	ssyncset.done $0x0  }
0x97: {  	[sflag:s12] =	ssyncadd.s32 $0xFFFFC000  }
0x98: {  	[tilespmem:s15], [sflag:$0x1] =	stream.indirect.gather [hbm4b:s1+s14], $0x80, s28, s14, $0xb8;
	[tilespmem:$0x1C400] =	vst v63  }
0x99: {  	_ =	swait.ge [sflag:s19], $0x4000  }
0x9a: {  	[sflag:s19] =	ssyncset.done $0x0  }
0x9b: {  	[sflag:s19] =	ssyncadd.s32 $0xFFFFC000  }
0x9c: {  	[spmem:s3] =	stream.indirect.scatter.add.f32 [tilespmem:s16], [sflag:$0x3], $0x80, s29, s14, $0xb8;
	[tilespmem:$0x1C400] =	vst v63  }
0x9d: {  	_ =	swait.ge [sflag:s12], $0x4000  }
0x9e: {  	[sflag:s12] =	ssyncset.done $0x0  }
0x9f: {  	[sflag:s12] =	ssyncadd.s32 $0xFFFFC000  }
0xa0: {  	[tilespmem:s16], [sflag:$0x2] =	stream.indirect.gather [hbm4b:s1+s14], $0x80, s30, s14, $0xb8;
	[tilespmem:$0x1C400] =	vst v63  }
0xa1: {  	_ =	swait.ge [sflag:s17], $0x4000  }
0xa2: {  	[sflag:s17] =	ssyncset.done $0x0  }
0xa3: {  	[sflag:s17] =	ssyncadd.s32 $0xFFFFC000  }
0xa4: {  	[spmem:s3] =	stream.indirect.scatter.add.f32 [tilespmem:s15], [sflag:$0x3], $0x80, s31, s14, $0xb8;
	[tilespmem:$0x1C400] =	vst v63  }
0xa5: {  	_ =	swait.ge [sflag:s12], $0x4000  }
0xa6: {  	[sflag:s12] =	ssyncset.done $0x0  }
0xa7: {  	[sflag:s12] =	ssyncadd.s32 $0xFFFFC000  }
0xa8: {  	_ =	swait.ge [sflag:s19], $0x4000  }
.Ltmp0:
0xa9: {  	[sflag:s19] =	ssyncset.done $0x0;
	(pc) =	sbr.rel @p0 .LBB2_2-.Ltmp0, $4  }
0xaa: {  	[sflag:s19] =	ssyncadd.s32 $0xFFFFC000  }
0xab: {  	[spmem:s3] =	stream.indirect.scatter.add.f32 [tilespmem:s16], [sflag:$0x3], $0x80, s2, s14, $0xb8;
	[tilespmem:$0x1C400] =	vst v63  }
0xac: {  	_ =	swait.ge [sflag:s12], $0x4000  }
0xad: {  	s7 =	smov.u32 s8;
	[sflag:s12] =	ssyncset.done $0x0  }
0xae: {  	s6 =	sadd.s32 s5, s10;
	[sflag:s12] =	ssyncadd.s32 $0xFFFFC000  }
0xaf: {  	[tilespmem:s4], [sflag:$0x3] =	stream.linear.gather [hbm4b:s6+s4], $0x400, $0x38;
	[tilespmem:$0x1C400] =	vst v63  }
0xb0: {  	_ =	swait.ge [sflag:s12], $0x400  }
0xb1: {  	[sflag:s12] =	ssyncset.done $0x0  }
0xb2: {  	s7 =	sadd.s32 s5, s9;
	[sflag:s12] =	ssyncadd.s32 $0xFFFFFC00  }
0xb3: {  	[tilespmem:s13], [sflag:$0x3] =	stream.linear.gather [hbm4b:s7+s4], $0x400, $0x38;
	[tilespmem:$0x1C400] =	vst v63  }
0xb4: {  	_ =	swait.ge [sflag:s12], $0x400  }
0xb5: {  	[sflag:s12] =	ssyncset.done $0x0  }
0xb6: {  	[sflag:s12] =	ssyncadd.s32 $0xFFFFFC00  }
0xb7: {  	[tilespmem:s15], [sflag:$0x1] =	stream.indirect.gather [hbm4b:s1+s14], $0x80, s4, s14, $0xb8;
	[tilespmem:$0x1C400] =	vst v63  }
0xb8: {  	_ = 	snop  }
0xb9: {  	[tilespmem:s16], [sflag:$0x2] =	stream.indirect.gather [hbm4b:s1+s14], $0x80, s14, s14, $0xb8;
	[tilespmem:$0x1C400] =	vst v63  }
0xba: {  	_ =	swait.ge [sflag:s17], $0x4000  }
0xbb: {  	[sflag:s17] =	ssyncset.done $0x0  }
0xbc: {  	[sflag:s17] =	ssyncadd.s32 $0xFFFFC000  }
0xbd: {  	[spmem:s3] =	stream.indirect.scatter.add.f32 [tilespmem:s15], [sflag:$0x3], $0x80, s13, s14, $0xb8;
	[tilespmem:$0x1C400] =	vst v63  }
0xbe: {  	_ =	swait.ge [sflag:s12], $0x4000  }
0xbf: {  	[sflag:s12] =	ssyncset.done $0x0  }
0xc0: {  	[sflag:s12] =	ssyncadd.s32 $0xFFFFC000  }
0xc1: {  	[tilespmem:s15], [sflag:$0x1] =	stream.indirect.gather [hbm4b:s1+s14], $0x80, s18, s14, $0xb8;
	[tilespmem:$0x1C400] =	vst v63  }
0xc2: {  	_ =	swait.ge [sflag:s19], $0x4000  }
0xc3: {  	[sflag:s19] =	ssyncset.done $0x0  }
0xc4: {  	[sflag:s19] =	ssyncadd.s32 $0xFFFFC000  }
0xc5: {  	[spmem:s3] =	stream.indirect.scatter.add.f32 [tilespmem:s16], [sflag:$0x3], $0x80, s20, s14, $0xb8;
	[tilespmem:$0x1C400] =	vst v63  }
0xc6: {  	_ =	swait.ge [sflag:s12], $0x4000  }
0xc7: {  	[sflag:s12] =	ssyncset.done $0x0  }
0xc8: {  	[sflag:s12] =	ssyncadd.s32 $0xFFFFC000  }
0xc9: {  	[tilespmem:s16], [sflag:$0x2] =	stream.indirect.gather [hbm4b:s1+s14], $0x80, s21, s14, $0xb8;
	[tilespmem:$0x1C400] =	vst v63  }
0xca: {  	_ =	swait.ge [sflag:s17], $0x4000  }
0xcb: {  	[sflag:s17] =	ssyncset.done $0x0  }
0xcc: {  	[sflag:s17] =	ssyncadd.s32 $0xFFFFC000  }
0xcd: {  	[spmem:s3] =	stream.indirect.scatter.add.f32 [tilespmem:s15], [sflag:$0x3], $0x80, s22, s14, $0xb8;
	[tilespmem:$0x1C400] =	vst v63  }
0xce: {  	_ =	swait.ge [sflag:s12], $0x4000  }
0xcf: {  	[sflag:s12] =	ssyncset.done $0x0  }
0xd0: {  	[sflag:s12] =	ssyncadd.s32 $0xFFFFC000  }
0xd1: {  	[tilespmem:s15], [sflag:$0x1] =	stream.indirect.gather [hbm4b:s1+s14], $0x80, s23, s14, $0xb8;
	[tilespmem:$0x1C400] =	vst v63  }
0xd2: {  	_ =	swait.ge [sflag:s19], $0x4000  }
0xd3: {  	[sflag:s19] =	ssyncset.done $0x0  }
0xd4: {  	[sflag:s19] =	ssyncadd.s32 $0xFFFFC000  }
0xd5: {  	[spmem:s3] =	stream.indirect.scatter.add.f32 [tilespmem:s16], [sflag:$0x3], $0x80, s24, s14, $0xb8;
	[tilespmem:$0x1C400] =	vst v63  }
0xd6: {  	_ =	swait.ge [sflag:s12], $0x4000  }
0xd7: {  	[sflag:s12] =	ssyncset.done $0x0  }
0xd8: {  	[sflag:s12] =	ssyncadd.s32 $0xFFFFC000  }
0xd9: {  	[tilespmem:s16], [sflag:$0x2] =	stream.indirect.gather [hbm4b:s1+s14], $0x80, s25, s14, $0xb8;
	[tilespmem:$0x1C400] =	vst v63  }
0xda: {  	_ =	swait.ge [sflag:s17], $0x4000  }
0xdb: {  	[sflag:s17] =	ssyncset.done $0x0  }
0xdc: {  	[sflag:s17] =	ssyncadd.s32 $0xFFFFC000  }
0xdd: {  	[spmem:s3] =	stream.indirect.scatter.add.f32 [tilespmem:s15], [sflag:$0x3], $0x80, s26, s14, $0xb8;
	[tilespmem:$0x1C400] =	vst v63  }
0xde: {  	_ =	swait.ge [sflag:s12], $0x4000  }
0xdf: {  	[sflag:s12] =	ssyncset.done $0x0  }
0xe0: {  	[sflag:s12] =	ssyncadd.s32 $0xFFFFC000  }
0xe1: {  	[tilespmem:s15], [sflag:$0x1] =	stream.indirect.gather [hbm4b:s1+s14], $0x80, s28, s14, $0xb8;
	[tilespmem:$0x1C400] =	vst v63  }
0xe2: {  	_ =	swait.ge [sflag:s19], $0x4000  }
0xe3: {  	[sflag:s19] =	ssyncset.done $0x0  }
0xe4: {  	[sflag:s19] =	ssyncadd.s32 $0xFFFFC000  }
0xe5: {  	[spmem:s3] =	stream.indirect.scatter.add.f32 [tilespmem:s16], [sflag:$0x3], $0x80, s29, s14, $0xb8;
	[tilespmem:$0x1C400] =	vst v63  }
0xe6: {  	_ =	swait.ge [sflag:s12], $0x4000  }
0xe7: {  	[sflag:s12] =	ssyncset.done $0x0  }
0xe8: {  	[sflag:s12] =	ssyncadd.s32 $0xFFFFC000  }
0xe9: {  	[tilespmem:s16], [sflag:$0x2] =	stream.indirect.gather [hbm4b:s1+s14], $0x80, s30, s14, $0xb8;
	[tilespmem:$0x1C400] =	vst v63  }
0xea: {  	_ =	swait.ge [sflag:s17], $0x4000  }
0xeb: {  	[sflag:s17] =	ssyncset.done $0x0  }
0xec: {  	[sflag:s17] =	ssyncadd.s32 $0xFFFFC000  }
0xed: {  	[spmem:s3] =	stream.indirect.scatter.add.f32 [tilespmem:s15], [sflag:$0x3], $0x80, s31, s14, $0xb8;
	[tilespmem:$0x1C400] =	vst v63  }
0xee: {  	_ =	swait.ge [sflag:s12], $0x4000  }
0xef: {  	[sflag:s12] =	ssyncset.done $0x0  }
0xf0: {  	[sflag:s12] =	ssyncadd.s32 $0xFFFFC000  }
0xf1: {  	_ =	swait.ge [sflag:s19], $0x4000  }
0xf2: {  	[sflag:s19] =	ssyncset.done $0x0  }
0xf3: {  	[sflag:s19] =	ssyncadd.s32 $0xFFFFC000  }
0xf4: {  	[spmem:s3] =	stream.indirect.scatter.add.f32 [tilespmem:s16], [sflag:$0x3], $0x80, s2, s14, $0xb8;
	[tilespmem:$0x1C400] =	vst v63  }
0xf5: {  	_ =	swait.ge [sflag:s12], $0x4000  }
0xf6: {  	[sflag:s12] =	ssyncset.done $0x0  }
0xf7: {  	[sflag:s12] =	ssyncadd.s32 $0xFFFFC000  }
0xf8: {  	[bflag:$0x0] =	sbarrier.arrive $0xFFFF  }
0xf9: {  	s6 =	rddreg [dreg:$0x5]  }
0xfa: {  	s8 =	rddreg [dreg:$0x6]  }
0xfb: {  	s7 =	rddreg [dreg:$0x8]  }
0xfc: {  	[hbm:s8], [sflag:s6] =	dma.local [spmem:s7], $0x2780  }
0xfd: {  	_ =	swait.ge [sflag:s12], $0x2780  }
0xfe: {  	s0 =	sadd.s32 $0x1, s0;
	s11 =	rddreg [dreg:$0x7]  }
0xff: {  	p0 =	sne.s32 s0, s11  }
.Ltmp1:
0x100: {  	_ = 	snop;
	(pc) =	sbr.rel @p0 .LBB2_1-.Ltmp1, $3  }
0x101: {  	_ =	sdelay $0x1  }
0x102: {  	[sflag:s12] =	ssyncset.done $0x0  }
0x103: {  	[sflag:s12] =	ssyncadd.s32 $0xFFFFD880  }
0x104: {  	_ =	sfence.sel $0x180000  }
0x105: {  	[bflag:$0x0] =	sbarrier.arrive $0xFFFF  }
0x106: {  	_ =	strace $0x9000004A  }
0x107: {  	s0 =	stileid.u32;
	[bflag:$0x2] =	sbarrier.arrive $0xFFFF  }
0x108: {  	p0 =	sne.s32 s0, $0x0;
	s0 =	rddreg [dreg:$0x3]  }
0x109: {  	s0 =	sadd.s32 @!p0 $0x100000, s0  }
0x10a: {  	[sflag:s0] =	ssyncadd.tile.s32 @!p0 $0x1;
	_ =	shalt  }
.Lfunc_end2:
_tile_overlayer_lowered:
.L_overlay_start_2:
0x10b: {  	(tag) =	ssettag $0x2  }
0x10c: {  	s0 =	rddreg [dreg:$0x0];
	s2 =	stileid.u32  }
0x10d: {  	s1 =	rddreg [dreg:$0x1];
	p0 =	sne.s32 s2, $0x0  }
0x10e: {  	s3 =	rddreg [dreg:$0x2];
	[bflag:$0x3] =	sbarrier.arrive $0xFFFF;
	s2 =	simm.s32 @!p0 $0x1C03  }
0x10f: {  	[timem:s3], [sflag:s2] =	dma.local @!p0 [hbm:s0], s1  }
0x110: {  	s0 =	simm.s32 @!p0 $0x3  }
0x111: {  	_ =	swait.ge @!p0 [sflag:s0], s1  }
0x112: {  	s1 =	ssub.s32 @!p0 $0x0, s1;
	[sflag:s0] =	ssyncset.done @!p0 $0x0  }
0x113: {  	[sflag:s0] =	ssyncadd.s32 @!p0 s1  }
0x114: {  	[bflag:$0x3] =	sbarrier.arrive $0xFFFF  }
0x115: {  	_ =	shalt  }

// kernel: kernel.16.cloned.1.call-start
scs
__scs_entry_jumppad:
0x0: {  	(pc) =	sbr.rel $0x88, $3  }
0x1: {  	(tag) =	ssettag $0x0;
	lr =	simm.s32 $0x1  }
0x2: {  	[smem:$0x3F97] =	sst lr;
	_ =	strace $0xD0000000  }
0x3: {  	_ = 	snop  }
0x4: {  	_ = 	snop  }
0x5: {  	_ = 	snop  }
0x6: {  	_ = 	snop  }
0x7: {  	_ = 	snop  }
__scs_overlays_trampoline_lowered:
0x8: {  	[smem:$0x3FA6] =	sst s0  }
0x9: {  	[smem:$0x3FA7] =	sst s1  }
0xa: {  	[smem:$0x3FA8] =	sst s2  }
0xb: {  	[smem:$0x3FA9] =	sst s3  }
0xc: {  	[smem:$0x3FAA] =	sst s4  }
0xd: {  	[smem:$0x3FAB] =	sst s5  }
0xe: {  	[smem:$0x3FAC] =	sst s6  }
0xf: {  	[smem:$0x3FAD] =	sst s7  }
0x10: {  	[smem:$0x3FAE] =	sst s8  }
0x11: {  	[smem:$0x3FAF] =	sst s9;
	s0 =	simm.s32 @!p0 $0x0  }
0x12: {  	s1 =	sld [smem:$0x3F95];
	s0 =	simm.s32 @p0 $0x1  }
0x13: {  	[smem:$0x3FB0] =	sst s0;
	s0 =	simm.s32 @!p1 $0x0  }
0x14: {  	s2 =	sld [smem:$0x3F94];
	s0 =	simm.s32 @p1 $0x1  }
0x15: {  	[smem:$0x3FB1] =	sst s0;
	s0 =	simm.s32 @!p2 $0x0  }
0x16: {  	s3 =	sld [smem:$0x3FDB];
	s0 =	simm.s32 @p2 $0x1  }
0x17: {  	s4 =	simm.s32 $0x1BF5;
	[smem:$0x3FB3] =	sst s0  }
0x18: {  	s0 =	sld [smem:$0x3F96];
	_ =	swait.ge [sflag:s4], $0x0  }
0x19: {  	s7 =	sld [smem:$0x3F97]  }
0x1a: {  	s8 =	sadd.s32 $0xFFFFE003, lr  }
0x1b: {  	s9 =	sadd.s32 $0xFFFFFEF7, lr;
	s5 =	simm.s32 $0xFFFFFFFF;
	p2 =	slt.u32 s8, $0xFFFFF086  }
0x1c: {  	p1 =	slt.u32 s9, $0xF7A;
	s5 =	simm.s32 @!p2 $0x0  }
0x1d: {  	s5 =	simm.s32 @p1 $0x1;
	p0 =	seq.s32 s7, s2  }
0x1e: {  	s7 =	smul.u32 @!p0 $0xF7A, s2;
	p2 =	seq.s32 @!p0 s5, $0x0  }
0x1f: {  	s9 =	smul.u32 $0xF7A, s1;
	s8 =	simm.s32 @!p0 $0x1BF5;
	p2 =	por !p2, p0  }
0x20: {  	[sflag:s8] =	ssyncset.s32 @!p0 $0xFFFFF086;
	s6 =	sadd.s32 @!p0 s3, s7;
	s7 =	simm.s32 @!p0 $0x108  }
0x21: {  	s3 =	sadd.s32 s3, s9;
	s6 =	sadd.s32 @!p0 $0x88, s6;
	s7 =	simm.s32 @p2 $0x1082  }
0x22: {  	[simem:s7], [sflag:s8] =	dma.local @!p0 [hbm:s6], $0xF7A  }
0x23: {  	s9 =	sor.u32 $0xD0000000, s2;
	s6 =	simm.s32 $0x108;
	_ =	swait.ge @!p0 [sflag:s8], $0x0  }
0x24: {  	s3 =	sadd.s32 $0x88, s3;
	s6 =	simm.s32 @!p1 $0x1082;
	[sflag:s4] =	ssyncset.s32 $0xFFFFF086  }
0x25: {  	[simem:s6], [sflag:s4] =	dma.local [hbm:s3], $0xF7A  }
0x26: {  	[smem:$0x3F97] =	sst s1;
	(tag) =	ssettag s2;
	_ =	strace s9  }
0x27: {  	s1 =	sld [smem:$0x3FA7]  }
0x28: {  	s2 =	sld [smem:$0x3FA8]  }
0x29: {  	s4 =	sld [smem:$0x3FAA]  }
0x2a: {  	p0 =	seq.s32 s5, $0x0;
	s5 =	sld [smem:$0x3FAB]  }
0x2b: {  	s6 =	sld [smem:$0x3FAC]  }
0x2c: {  	s7 =	sld [smem:$0x3FAD]  }
0x2d: {  	s3 =	simm.s32 $0x108;
	s8 =	sld [smem:$0x3FAE]  }
0x2e: {  	s3 =	simm.s32 @!p0 $0x1082;
	s9 =	sld [smem:$0x3FAF]  }
0x2f: {  	lr =	sadd.s32 s0, s3;
	s0 =	sld [smem:$0x3FA6]  }
0x30: {  	s3 =	sld [smem:$0x3FA9]  }
0x31: {  	[smem:$0x3FB2] =	sst s10  }
0x32: {  	s10 =	sld [smem:$0x3FB0];
	_ =	sdelay $0x3  }
0x33: {  	p0 =	seq.s32 s10, $0x1;
	s10 =	sld [smem:$0x3FB2];
	_ =	sdelay $0x3  }
0x34: {  	[smem:$0x3FB2] =	sst s10  }
0x35: {  	s10 =	sld [smem:$0x3FB1];
	_ =	sdelay $0x3  }
0x36: {  	p1 =	seq.s32 s10, $0x1;
	s10 =	sld [smem:$0x3FB2];
	_ =	sdelay $0x3  }
0x37: {  	[smem:$0x3FB2] =	sst s10  }
0x38: {  	s10 =	sld [smem:$0x3FB3]  }
0x39: {  	_ = 	snop;
	(pc) =	sbr.ind lr, $3  }
0x3a: {  	_ = 	snop  }
0x3b: {  	_ = 	snop  }
0x3c: {  	p2 =	seq.s32 s10, $0x1;
	s10 =	sld [smem:$0x3FB2]  }
0x3d: {  	_ =	shalt  }
0x3e: {  	_ =	shalt  }
0x3f: {  	_ =	shalt  }
0x40: {  	_ =	shalt  }
0x41: {  	_ =	shalt  }
0x42: {  	_ =	shalt  }
0x43: {  	_ =	shalt  }
0x44: {  	_ =	shalt  }
0x45: {  	_ =	shalt  }
0x46: {  	_ =	shalt  }
0x47: {  	_ =	shalt  }
0x48: {  	_ =	shalt  }
0x49: {  	_ =	shalt  }
0x4a: {  	_ =	shalt  }
0x4b: {  	_ =	shalt  }
0x4c: {  	_ =	shalt  }
0x4d: {  	_ =	shalt  }
0x4e: {  	_ =	shalt  }
0x4f: {  	_ =	shalt  }
0x50: {  	_ =	shalt  }
0x51: {  	_ =	shalt  }
0x52: {  	_ =	shalt  }
0x53: {  	_ =	shalt  }
0x54: {  	_ =	shalt  }
0x55: {  	_ =	shalt  }
0x56: {  	_ =	shalt  }
0x57: {  	_ =	shalt  }
0x58: {  	_ =	shalt  }
0x59: {  	_ =	shalt  }
0x5a: {  	_ =	shalt  }
0x5b: {  	_ =	shalt  }
0x5c: {  	_ =	shalt  }
0x5d: {  	_ =	shalt  }
0x5e: {  	_ =	shalt  }
0x5f: {  	_ =	shalt  }
0x60: {  	_ =	shalt  }
0x61: {  	_ =	shalt  }
0x62: {  	_ =	shalt  }
0x63: {  	_ =	shalt  }
0x64: {  	_ =	shalt  }
0x65: {  	_ =	shalt  }
0x66: {  	_ =	shalt  }
0x67: {  	_ =	shalt  }
0x68: {  	_ =	shalt  }
0x69: {  	_ =	shalt  }
0x6a: {  	_ =	shalt  }
0x6b: {  	_ =	shalt  }
0x6c: {  	_ =	shalt  }
0x6d: {  	_ =	shalt  }
0x6e: {  	_ =	shalt  }
0x6f: {  	_ =	shalt  }
0x70: {  	_ =	shalt  }
0x71: {  	_ =	shalt  }
0x72: {  	_ =	shalt  }
0x73: {  	_ =	shalt  }
0x74: {  	_ =	shalt  }
0x75: {  	_ =	shalt  }
0x76: {  	_ =	shalt  }
0x77: {  	_ =	shalt  }
0x78: {  	_ =	shalt  }
0x79: {  	_ =	shalt  }
0x7a: {  	_ =	shalt  }
0x7b: {  	_ =	shalt  }
0x7c: {  	_ =	shalt  }
0x7d: {  	_ =	shalt  }
0x7e: {  	_ =	shalt  }
0x7f: {  	_ =	shalt  }
0x80: {  	_ =	shalt  }
0x81: {  	_ =	shalt  }
0x82: {  	_ =	shalt  }
0x83: {  	_ =	shalt  }
0x84: {  	_ =	shalt  }
0x85: {  	_ =	shalt  }
0x86: {  	_ =	shalt  }
0x87: {  	_ =	shalt  }
.Lfunc_end0:
.L_simem_size_0:
called_computation.2_lowered:
.L_overlay_start_0:
0x88: {  	s2 =	sld [smem:$0x3FD9]  }
0x89: {  	s3 =	sld [smem:$0x3FFE];
	_ =	sdelay $0x1  }
0x8a: {  	s1 =	srdreg.scid  }
0x8b: {  	s0 =	sand.u32 $0x1, s1  }
0x8c: {  	s17 =	sshll.u32 s0, $0xA;
	s2 =	sadd.s32 s3, s2  }
0x8d: {  	s2 =	sadd.s32 s2, s17  }
0x8e: {  	[smem:$0x3FBE] =	sst s2  }
0x8f: {  	_ = 	snop  }
0x90: {  	s2 =	sld [smem:$0x3FD0];
	(tm) =	ssettm $0x1  }
0x91: {  	s18 =	sld [smem:$0x3FFB];
	_ =	sdelay $0x3  }
0x92: {  	_ =	strace s18  }
0x93: {  	s3 =	sld [smem:$0x3FFC];
	_ =	sdelay $0x3  }
0x94: {  	_ =	strace s3  }
0x95: {  	s3 =	sld [smem:$0x3FFD];
	_ =	sdelay $0x3  }
0x96: {  	_ =	strace s3  }
0x97: {  	_ =	strace $0x8FFFFFFF  }
0x98: {  	s19 =	sld [smem:$0x3FDB];
	_ =	sdelay $0x1  }
0x99: {  	s4 =	simm.s32 $_scs_section_size  }
0x9a: {  	s5 =	simm.s32 $_size__tile_overlayer_lowered;
	s6 =	simm.s32 $_tile_overlayer_lowered  }
0x9b: {  	s22 =	simm.s32 $0x1BFF;
	s21 =	sshll.u32 s6, $0x1;
	s3 =	sadd.s32 s4, s19  }
0x9c: {  	s7 =	simm.s32 $0x0;
	s20 =	sshll.u32 s5, $0x1;
	s5 =	sadd.s32 s21, s3  }
0x9d: {  	[timem:s7], [sflag:s22] =	dma.local [hbm:s5], s20  }
0x9e: {  	_ =	swait.ge [sflag:s22], s20  }
0x9f: {  	s4 =	ssub.s32 $0x0, s20;
	[sflag:s22] =	ssyncset.done $0x0  }
0xa0: {  	[sflag:s22] =	ssyncadd.s32 s4;
	_ =	sdelay $0x1  }
0xa1: {  	s23 =	simm.s32 $0x1B8B  }
0xa2: {  	_ =	swait.ge [sflag:s23], $0x1  }
0xa3: {  	[sflag:s23] =	ssyncset.done $0x0  }
0xa4: {  	s25 =	simm.s32 $0x1B8E;
	s24 =	sld [smem:$0x3FFE];
	[sflag:s23] =	ssyncadd.s32 $0xFFFFFFFF  }
0xa5: {  	s26 =	simm.s32 $execute0_lowered;
	[smem:$0x3FD2] =	sst s25  }
0xa6: {  	s5 =	sshll.u32 s26, $0x1;
	_ =	strace $0x8000004C;
	[dreg:$0x1] =	wrdreg $0xFFFFFFFF  }
0xa7: {  	s28 =	simm.s32 $_size_execute0_lowered;
	s3 =	sadd.s32 s3, s5;
	[dreg:$0x0] =	wrdreg $0x0  }
0xa8: {  	s5 =	sshll.u32 s28, $0x1;
	[dreg:$0x2] =	wrdreg s3  }
0xa9: {  	[dreg:$0x3] =	wrdreg s5  }
0xaa: {  	[dreg:$0x4] =	wrdreg $0xC0  }
0xab: {  	_ =	task [dreg:s7], $0x5FFFF  }
0xac: {  	[dreg:$0x1] =	wrdreg $0xFFFFFFFF  }
0xad: {  	[dreg:$0x0] =	wrdreg $0x60  }
0xae: {  	[dreg:$0x2] =	wrdreg s2  }
0xaf: {  	[dreg:$0x3] =	wrdreg s24  }
0xb0: {  	[dreg:$0x4] =	wrdreg $0x88000  }
0xb1: {  	[dreg:$0x5] =	wrdreg $0x9  }
0xb2: {  	_ =	task.clear_ibuf [dreg:s7], $0x6FFFF;
	_ =	strace $0x9000004C  }
0xb3: {  	s29 =	simm.s32 $0x9;
	_ =	strace $0x8000004E  }
0xb4: {  	_ =	swait.ge [sflag:s29], $0x1  }
0xb5: {  	[sflag:s29] =	ssyncadd.s32 $0xFFFFFFFF  }
0xb6: {  	_ =	strace $0x9000004E  }
0xb7: {  	_ =	sfence  }
0xb8: {  	s30 =	sld [smem:$0x0];
	_ =	sdelay $0x2  }
0xb9: {  	s31 =	sshll.u32 s1, $0xD;
	s1 =	sshrl.u32 s1, $0x2  }
0xba: {  	s3 =	sand.u32 $0x4000, s31;
	s1 =	sadd.s32 s1, s30  }
0xbb: {  	s0 =	sor.u32 s3, s0;
	s1 =	sshll.u32 s1, $0x11  }
0xbc: {  	s0 =	sor.u32 s1, s0  }
0xbd: {  	s0 =	sadd.s32 $0x8F2B, s0  }
0xbe: {  	[sflag:s0] =	ssyncadd.remote.s32 $0x1  }
0xbf: {  	_ =	sfence.sel $0xFFFF  }
0xc0: {  	[dreg:$0x0] =	wrdreg $0xFFFFFFFF;
	(pc) =	sbr.abs _section_cstart, $3  }
0xc1: {  	[dreg:$0x1] =	wrdreg $0xFFFFFFFF  }
0xc2: {  	_ =	task.clear_ibuf [dreg:s7], $0x2FFFF;
	_ =	strace $0x9FFFFFFF  }
0xc3: {  	(tm) =	ssettm $0x7FFFFFFF  }
tec
execute0_lowered:
.L_overlay_start_1:
0x0: {  	(tag) =	ssettag $0x1  }
0x1: {  	s1 =	rddreg [dreg:$0x0]  }
0x2: {  	s0 =	srdreg.scid;
	s2 =	rddreg [dreg:$0x1]  }
0x3: {  	s8 =	stileid.u32;
	s3 =	rddreg [dreg:$0x2]  }
0x4: {  	s4 =	simm.s32 $0x0;
	s12 =	simm.s32 $0x3;
	s13 =	simm.s32 $0x400  }
0x5: {  	s14 =	simm.s32 $0x80;
	s15 =	simm.s32 $0x800;
	s16 =	simm.s32 $0x4800  }
0x6: {  	s17 =	simm.s32 $0x1;
	s18 =	simm.s32 $0x100;
	s19 =	simm.s32 $0x2  }
0x7: {  	s20 =	simm.s32 $0x480;
	s21 =	simm.s32 $0x180;
	s22 =	simm.s32 $0x500  }
0x8: {  	s28 =	simm.s32 $0x300;
	s29 =	simm.s32 $0x680;
	s6 =	smul.u32 $0x2800, s8  }
0x9: {  	s30 =	simm.s32 $0x380;
	s31 =	simm.s32 $0x700;
	s23 =	smul.u32 $0x13C00, s8  }
0xa: {  	s0 =	sand.u32 $0x1, s0;
	[smem:$0x7FF] =	sst s4;
	s24 =	smul.u32 $0x4F000, s8  }
0xb: {  	s9 =	sadd.s32 $0xEC00, s2;
	s26 =	sshll.u32 s8, $0x6;
	s5 =	smul.u32 $0x28000, s0  }
0xc: {  	s7 =	smul.u32 $0x13C000, s0;
	_ =	strace $0x8000004D;
	s0 =	ssub.s32 $0x2, s0  }
0xd: {  	[dreg:$0x4] =	wrdreg s9;
	s25 =	sshrl.u32 s0, $0x1;
	s5 =	sadd.s32 s6, s5  }
0xe: {  	s6 =	sadd.s32 s23, s7;
	s7 =	sshrl.u32 s24, $0x2;
	s0 =	ssub.s32 s0, s25  }
0xf: {  	s23 =	simm.s32 $0x200;
	s24 =	simm.s32 $0x580;
	s25 =	simm.s32 $0x280  }
0x10: {  	s5 =	sshrl.u32 s5, $0x3;
	s6 =	sshrl.u32 s6, $0x3;
	s7 =	sadd.s32 s7, s3  }
0x11: {  	s0 =	smax.u32 s0, $0x1;
	s5 =	sadd.s32 s5, s2;
	s2 =	sadd.s32 s6, s2  }
0x12: {  	s6 =	sor.u32 $0x1C03, s26;
	[dreg:$0x7] =	wrdreg s0;
	s7 =	sshrl.u32 s7, $0x3  }
0x13: {  	s26 =	simm.s32 $0x600;
	s0 =	simm.s32 $0x0;
	[dreg:$0x5] =	wrdreg s6  }
0x14: {  	s2 =	sadd.s32 $0x6A400, s2;
	s9 =	sadd.s32 $0x4C00, s5;
	[dreg:$0x8] =	wrdreg s7  }
0x15: {  	s10 =	sadd.s32 $0x60400, s5;
	[dreg:$0x6] =	wrdreg s2;
	s2 =	simm.s32 $0x780  }
.LBB2_1:
0x16: {  	s5 =	rddreg [dreg:$0x4]  }
0x17: {  	[spmem:s7], [sflag:s6] =	dma.local [hbm:s5], $0x2780  }
0x18: {  	_ =	swait.ge [sflag:s12], $0x2780  }
0x19: {  	[sflag:s12] =	ssyncset.done $0x0  }
0x1a: {  	[sflag:s12] =	ssyncadd.s32 $0xFFFFD880  }
0x1b: {  	s8 =	sadd.s32 $0x0, s10;
	[bflag:$0x0] =	sbarrier.arrive $0xFFFF  }
0x1c: {  	[tilespmem:s4], [sflag:$0x3] =	stream.linear.gather [hbm4b:s8+s4], $0x400, $0x38;
	[tilespmem:$0x1C400] =	vst v63  }
0x1d: {  	_ =	swait.ge [sflag:s12], $0x400  }
0x1e: {  	[sflag:s12] =	ssyncset.done $0x0  }
0x1f: {  	s11 =	sadd.s32 $0x0, s9;
	[sflag:s12] =	ssyncadd.s32 $0xFFFFFC00  }
0x20: {  	[tilespmem:s13], [sflag:$0x3] =	stream.linear.gather [hbm4b:s11+s4], $0x400, $0x38;
	[tilespmem:$0x1C400] =	vst v63  }
0x21: {  	_ =	swait.ge [sflag:s12], $0x400  }
0x22: {  	[sflag:s12] =	ssyncset.done $0x0  }
0x23: {  	[sflag:s12] =	ssyncadd.s32 $0xFFFFFC00  }
0x24: {  	[tilespmem:s15], [sflag:$0x1] =	stream.indirect.gather [hbm4b:s1+s14], $0x80, s4, s14, $0xb8;
	[tilespmem:$0x1C400] =	vst v63  }
0x25: {  	_ = 	snop  }
0x26: {  	[tilespmem:s16], [sflag:$0x2] =	stream.indirect.gather [hbm4b:s1+s14], $0x80, s14, s14, $0xb8;
	[tilespmem:$0x1C400] =	vst v63  }
0x27: {  	_ =	swait.ge [sflag:s17], $0x4000  }
0x28: {  	[sflag:s17] =	ssyncset.done $0x0  }
0x29: {  	[sflag:s17] =	ssyncadd.s32 $0xFFFFC000  }
0x2a: {  	[spmem:s3] =	stream.indirect.scatter.add.f32 [tilespmem:s15], [sflag:$0x3], $0x80, s13, s14, $0xb8;
	[tilespmem:$0x1C400] =	vst v63  }
0x2b: {  	_ =	swait.ge [sflag:s12], $0x4000  }
0x2c: {  	[sflag:s12] =	ssyncset.done $0x0  }
0x2d: {  	[sflag:s12] =	ssyncadd.s32 $0xFFFFC000  }
0x2e: {  	[tilespmem:s15], [sflag:$0x1] =	stream.indirect.gather [hbm4b:s1+s14], $0x80, s18, s14, $0xb8;
	[tilespmem:$0x1C400] =	vst v63  }
0x2f: {  	_ =	swait.ge [sflag:s19], $0x4000  }
0x30: {  	[sflag:s19] =	ssyncset.done $0x0  }
0x31: {  	[sflag:s19] =	ssyncadd.s32 $0xFFFFC000  }
0x32: {  	[spmem:s3] =	stream.indirect.scatter.add.f32 [tilespmem:s16], [sflag:$0x3], $0x80, s20, s14, $0xb8;
	[tilespmem:$0x1C400] =	vst v63  }
0x33: {  	_ =	swait.ge [sflag:s12], $0x4000  }
0x34: {  	[sflag:s12] =	ssyncset.done $0x0  }
0x35: {  	[sflag:s12] =	ssyncadd.s32 $0xFFFFC000  }
0x36: {  	[tilespmem:s16], [sflag:$0x2] =	stream.indirect.gather [hbm4b:s1+s14], $0x80, s21, s14, $0xb8;
	[tilespmem:$0x1C400] =	vst v63  }
0x37: {  	_ =	swait.ge [sflag:s17], $0x4000  }
0x38: {  	[sflag:s17] =	ssyncset.done $0x0  }
0x39: {  	[sflag:s17] =	ssyncadd.s32 $0xFFFFC000  }
0x3a: {  	[spmem:s3] =	stream.indirect.scatter.add.f32 [tilespmem:s15], [sflag:$0x3], $0x80, s22, s14, $0xb8;
	[tilespmem:$0x1C400] =	vst v63  }
0x3b: {  	_ =	swait.ge [sflag:s12], $0x4000  }
0x3c: {  	[sflag:s12] =	ssyncset.done $0x0  }
0x3d: {  	[sflag:s12] =	ssyncadd.s32 $0xFFFFC000  }
0x3e: {  	[tilespmem:s15], [sflag:$0x1] =	stream.indirect.gather [hbm4b:s1+s14], $0x80, s23, s14, $0xb8;
	[tilespmem:$0x1C400] =	vst v63  }
0x3f: {  	_ =	swait.ge [sflag:s19], $0x4000  }
0x40: {  	[sflag:s19] =	ssyncset.done $0x0  }
0x41: {  	[sflag:s19] =	ssyncadd.s32 $0xFFFFC000  }
0x42: {  	[spmem:s3] =	stream.indirect.scatter.add.f32 [tilespmem:s16], [sflag:$0x3], $0x80, s24, s14, $0xb8;
	[tilespmem:$0x1C400] =	vst v63  }
0x43: {  	_ =	swait.ge [sflag:s12], $0x4000  }
0x44: {  	[sflag:s12] =	ssyncset.done $0x0  }
0x45: {  	[sflag:s12] =	ssyncadd.s32 $0xFFFFC000  }
0x46: {  	[tilespmem:s16], [sflag:$0x2] =	stream.indirect.gather [hbm4b:s1+s14], $0x80, s25, s14, $0xb8;
	[tilespmem:$0x1C400] =	vst v63  }
0x47: {  	_ =	swait.ge [sflag:s17], $0x4000  }
0x48: {  	[sflag:s17] =	ssyncset.done $0x0  }
0x49: {  	[sflag:s17] =	ssyncadd.s32 $0xFFFFC000  }
0x4a: {  	[spmem:s3] =	stream.indirect.scatter.add.f32 [tilespmem:s15], [sflag:$0x3], $0x80, s26, s14, $0xb8;
	[tilespmem:$0x1C400] =	vst v63  }
0x4b: {  	_ =	swait.ge [sflag:s12], $0x4000  }
0x4c: {  	[sflag:s12] =	ssyncset.done $0x0  }
0x4d: {  	[sflag:s12] =	ssyncadd.s32 $0xFFFFC000  }
0x4e: {  	[tilespmem:s15], [sflag:$0x1] =	stream.indirect.gather [hbm4b:s1+s14], $0x80, s28, s14, $0xb8;
	[tilespmem:$0x1C400] =	vst v63  }
0x4f: {  	_ =	swait.ge [sflag:s19], $0x4000  }
0x50: {  	[sflag:s19] =	ssyncset.done $0x0  }
0x51: {  	[sflag:s19] =	ssyncadd.s32 $0xFFFFC000  }
0x52: {  	[spmem:s3] =	stream.indirect.scatter.add.f32 [tilespmem:s16], [sflag:$0x3], $0x80, s29, s14, $0xb8;
	[tilespmem:$0x1C400] =	vst v63  }
0x53: {  	_ =	swait.ge [sflag:s12], $0x4000  }
0x54: {  	[sflag:s12] =	ssyncset.done $0x0  }
0x55: {  	[sflag:s12] =	ssyncadd.s32 $0xFFFFC000  }
0x56: {  	[tilespmem:s16], [sflag:$0x2] =	stream.indirect.gather [hbm4b:s1+s14], $0x80, s30, s14, $0xb8;
	[tilespmem:$0x1C400] =	vst v63  }
0x57: {  	_ =	swait.ge [sflag:s17], $0x4000  }
0x58: {  	[sflag:s17] =	ssyncset.done $0x0  }
0x59: {  	[sflag:s17] =	ssyncadd.s32 $0xFFFFC000  }
0x5a: {  	[spmem:s3] =	stream.indirect.scatter.add.f32 [tilespmem:s15], [sflag:$0x3], $0x80, s31, s14, $0xb8;
	[tilespmem:$0x1C400] =	vst v63  }
0x5b: {  	_ =	swait.ge [sflag:s12], $0x4000  }
0x5c: {  	[sflag:s12] =	ssyncset.done $0x0  }
0x5d: {  	[sflag:s12] =	ssyncadd.s32 $0xFFFFC000  }
0x5e: {  	_ =	swait.ge [sflag:s19], $0x4000  }
0x5f: {  	[sflag:s19] =	ssyncset.done $0x0  }
0x60: {  	[sflag:s19] =	ssyncadd.s32 $0xFFFFC000  }
0x61: {  	[spmem:s3] =	stream.indirect.scatter.add.f32 [tilespmem:s16], [sflag:$0x3], $0x80, s2, s14, $0xb8;
	[tilespmem:$0x1C400] =	vst v63  }
0x62: {  	_ =	swait.ge [sflag:s12], $0x4000  }
0x63: {  	s5 =	simm.s32 $0x80;
	s7 =	simm.s32 $0x100;
	[sflag:s12] =	ssyncset.done $0x0  }
.LBB2_2:
0x64: {  	s6 =	sadd.s32 s5, s10  }
0x65: {  	[sflag:s12] =	ssyncadd.s32 $0xFFFFC000;
	s11 =	smov.u32 s7;
	s8 =	sadd.s32 $0x80, s7  }
0x66: {  	[tilespmem:s4], [sflag:$0x3] =	stream.linear.gather [hbm4b:s6+s4], $0x400, $0x38;
	[tilespmem:$0x1C400] =	vst v63  }
0x67: {  	p0 =	sne.s32 s7, $0x480;
	_ =	swait.ge [sflag:s12], $0x400  }
0x68: {  	[sflag:s12] =	ssyncset.done $0x0  }
0x69: {  	s6 =	sadd.s32 s5, s9;
	s5 =	smov.u32 s11;
	[sflag:s12] =	ssyncadd.s32 $0xFFFFFC00  }
0x6a: {  	[tilespmem:s13], [sflag:$0x3] =	stream.linear.gather [hbm4b:s6+s4], $0x400, $0x38;
	[tilespmem:$0x1C400] =	vst v63  }
0x6b: {  	_ =	swait.ge [sflag:s12], $0x400  }
0x6c: {  	[sflag:s12] =	ssyncset.done $0x0  }
0x6d: {  	[sflag:s12] =	ssyncadd.s32 $0xFFFFFC00  }
0x6e: {  	[tilespmem:s15], [sflag:$0x1] =	stream.indirect.gather [hbm4b:s1+s14], $0x80, s4, s14, $0xb8;
	[tilespmem:$0x1C400] =	vst v63  }
0x6f: {  	_ = 	snop  }
0x70: {  	[tilespmem:s16], [sflag:$0x2] =	stream.indirect.gather [hbm4b:s1+s14], $0x80, s14, s14, $0xb8;
	[tilespmem:$0x1C400] =	vst v63  }
0x71: {  	_ =	swait.ge [sflag:s17], $0x4000  }
0x72: {  	[sflag:s17] =	ssyncset.done $0x0  }
0x73: {  	[sflag:s17] =	ssyncadd.s32 $0xFFFFC000  }
0x74: {  	[spmem:s3] =	stream.indirect.scatter.add.f32 [tilespmem:s15], [sflag:$0x3], $0x80, s13, s14, $0xb8;
	[tilespmem:$0x1C400] =	vst v63  }
0x75: {  	_ =	swait.ge [sflag:s12], $0x4000  }
0x76: {  	[sflag:s12] =	ssyncset.done $0x0  }
0x77: {  	[sflag:s12] =	ssyncadd.s32 $0xFFFFC000  }
0x78: {  	[tilespmem:s15], [sflag:$0x1] =	stream.indirect.gather [hbm4b:s1+s14], $0x80, s18, s14, $0xb8;
	[tilespmem:$0x1C400] =	vst v63  }
0x79: {  	_ =	swait.ge [sflag:s19], $0x4000  }
0x7a: {  	[sflag:s19] =	ssyncset.done $0x0  }
0x7b: {  	[sflag:s19] =	ssyncadd.s32 $0xFFFFC000  }
0x7c: {  	[spmem:s3] =	stream.indirect.scatter.add.f32 [tilespmem:s16], [sflag:$0x3], $0x80, s20, s14, $0xb8;
	[tilespmem:$0x1C400] =	vst v63  }
0x7d: {  	_ =	swait.ge [sflag:s12], $0x4000  }
0x7e: {  	[sflag:s12] =	ssyncset.done $0x0  }
0x7f: {  	[sflag:s12] =	ssyncadd.s32 $0xFFFFC000  }
0x80: {  	[tilespmem:s16], [sflag:$0x2] =	stream.indirect.gather [hbm4b:s1+s14], $0x80, s21, s14, $0xb8;
	[tilespmem:$0x1C400] =	vst v63  }
0x81: {  	_ =	swait.ge [sflag:s17], $0x4000  }
0x82: {  	[sflag:s17] =	ssyncset.done $0x0  }
0x83: {  	[sflag:s17] =	ssyncadd.s32 $0xFFFFC000  }
0x84: {  	[spmem:s3] =	stream.indirect.scatter.add.f32 [tilespmem:s15], [sflag:$0x3], $0x80, s22, s14, $0xb8;
	[tilespmem:$0x1C400] =	vst v63  }
0x85: {  	_ =	swait.ge [sflag:s12], $0x4000  }
0x86: {  	[sflag:s12] =	ssyncset.done $0x0  }
0x87: {  	[sflag:s12] =	ssyncadd.s32 $0xFFFFC000  }
0x88: {  	[tilespmem:s15], [sflag:$0x1] =	stream.indirect.gather [hbm4b:s1+s14], $0x80, s23, s14, $0xb8;
	[tilespmem:$0x1C400] =	vst v63  }
0x89: {  	_ =	swait.ge [sflag:s19], $0x4000  }
0x8a: {  	[sflag:s19] =	ssyncset.done $0x0  }
0x8b: {  	[sflag:s19] =	ssyncadd.s32 $0xFFFFC000  }
0x8c: {  	[spmem:s3] =	stream.indirect.scatter.add.f32 [tilespmem:s16], [sflag:$0x3], $0x80, s24, s14, $0xb8;
	[tilespmem:$0x1C400] =	vst v63  }
0x8d: {  	_ =	swait.ge [sflag:s12], $0x4000  }
0x8e: {  	[sflag:s12] =	ssyncset.done $0x0  }
0x8f: {  	[sflag:s12] =	ssyncadd.s32 $0xFFFFC000  }
0x90: {  	[tilespmem:s16], [sflag:$0x2] =	stream.indirect.gather [hbm4b:s1+s14], $0x80, s25, s14, $0xb8;
	[tilespmem:$0x1C400] =	vst v63  }
0x91: {  	_ =	swait.ge [sflag:s17], $0x4000  }
0x92: {  	[sflag:s17] =	ssyncset.done $0x0  }
0x93: {  	[sflag:s17] =	ssyncadd.s32 $0xFFFFC000  }
0x94: {  	[spmem:s3] =	stream.indirect.scatter.add.f32 [tilespmem:s15], [sflag:$0x3], $0x80, s26, s14, $0xb8;
	[tilespmem:$0x1C400] =	vst v63  }
0x95: {  	_ =	swait.ge [sflag:s12], $0x4000  }
0x96: {  	[sflag:s12] =	ssyncset.done $0x0  }
0x97: {  	[sflag:s12] =	ssyncadd.s32 $0xFFFFC000  }
0x98: {  	[tilespmem:s15], [sflag:$0x1] =	stream.indirect.gather [hbm4b:s1+s14], $0x80, s28, s14, $0xb8;
	[tilespmem:$0x1C400] =	vst v63  }
0x99: {  	_ =	swait.ge [sflag:s19], $0x4000  }
0x9a: {  	[sflag:s19] =	ssyncset.done $0x0  }
0x9b: {  	[sflag:s19] =	ssyncadd.s32 $0xFFFFC000  }
0x9c: {  	[spmem:s3] =	stream.indirect.scatter.add.f32 [tilespmem:s16], [sflag:$0x3], $0x80, s29, s14, $0xb8;
	[tilespmem:$0x1C400] =	vst v63  }
0x9d: {  	_ =	swait.ge [sflag:s12], $0x4000  }
0x9e: {  	[sflag:s12] =	ssyncset.done $0x0  }
0x9f: {  	[sflag:s12] =	ssyncadd.s32 $0xFFFFC000  }
0xa0: {  	[tilespmem:s16], [sflag:$0x2] =	stream.indirect.gather [hbm4b:s1+s14], $0x80, s30, s14, $0xb8;
	[tilespmem:$0x1C400] =	vst v63  }
0xa1: {  	_ =	swait.ge [sflag:s17], $0x4000  }
0xa2: {  	[sflag:s17] =	ssyncset.done $0x0  }
0xa3: {  	[sflag:s17] =	ssyncadd.s32 $0xFFFFC000  }
0xa4: {  	[spmem:s3] =	stream.indirect.scatter.add.f32 [tilespmem:s15], [sflag:$0x3], $0x80, s31, s14, $0xb8;
	[tilespmem:$0x1C400] =	vst v63  }
0xa5: {  	_ =	swait.ge [sflag:s12], $0x4000  }
0xa6: {  	[sflag:s12] =	ssyncset.done $0x0  }
0xa7: {  	[sflag:s12] =	ssyncadd.s32 $0xFFFFC000  }
0xa8: {  	_ =	swait.ge [sflag:s19], $0x4000  }
.Ltmp0:
0xa9: {  	[sflag:s19] =	ssyncset.done $0x0;
	(pc) =	sbr.rel @p0 .LBB2_2-.Ltmp0, $4  }
0xaa: {  	[sflag:s19] =	ssyncadd.s32 $0xFFFFC000  }
0xab: {  	[spmem:s3] =	stream.indirect.scatter.add.f32 [tilespmem:s16], [sflag:$0x3], $0x80, s2, s14, $0xb8;
	[tilespmem:$0x1C400] =	vst v63  }
0xac: {  	_ =	swait.ge [sflag:s12], $0x4000  }
0xad: {  	s7 =	smov.u32 s8;
	[sflag:s12] =	ssyncset.done $0x0  }
0xae: {  	s6 =	sadd.s32 s5, s10;
	[sflag:s12] =	ssyncadd.s32 $0xFFFFC000  }
0xaf: {  	[tilespmem:s4], [sflag:$0x3] =	stream.linear.gather [hbm4b:s6+s4], $0x400, $0x38;
	[tilespmem:$0x1C400] =	vst v63  }
0xb0: {  	_ =	swait.ge [sflag:s12], $0x400  }
0xb1: {  	[sflag:s12] =	ssyncset.done $0x0  }
0xb2: {  	s7 =	sadd.s32 s5, s9;
	[sflag:s12] =	ssyncadd.s32 $0xFFFFFC00  }
0xb3: {  	[tilespmem:s13], [sflag:$0x3] =	stream.linear.gather [hbm4b:s7+s4], $0x400, $0x38;
	[tilespmem:$0x1C400] =	vst v63  }
0xb4: {  	_ =	swait.ge [sflag:s12], $0x400  }
0xb5: {  	[sflag:s12] =	ssyncset.done $0x0  }
0xb6: {  	[sflag:s12] =	ssyncadd.s32 $0xFFFFFC00  }
0xb7: {  	[tilespmem:s15], [sflag:$0x1] =	stream.indirect.gather [hbm4b:s1+s14], $0x80, s4, s14, $0xb8;
	[tilespmem:$0x1C400] =	vst v63  }
0xb8: {  	_ = 	snop  }
0xb9: {  	[tilespmem:s16], [sflag:$0x2] =	stream.indirect.gather [hbm4b:s1+s14], $0x80, s14, s14, $0xb8;
	[tilespmem:$0x1C400] =	vst v63  }
0xba: {  	_ =	swait.ge [sflag:s17], $0x4000  }
0xbb: {  	[sflag:s17] =	ssyncset.done $0x0  }
0xbc: {  	[sflag:s17] =	ssyncadd.s32 $0xFFFFC000  }
0xbd: {  	[spmem:s3] =	stream.indirect.scatter.add.f32 [tilespmem:s15], [sflag:$0x3], $0x80, s13, s14, $0xb8;
	[tilespmem:$0x1C400] =	vst v63  }
0xbe: {  	_ =	swait.ge [sflag:s12], $0x4000  }
0xbf: {  	[sflag:s12] =	ssyncset.done $0x0  }
0xc0: {  	[sflag:s12] =	ssyncadd.s32 $0xFFFFC000  }
0xc1: {  	[tilespmem:s15], [sflag:$0x1] =	stream.indirect.gather [hbm4b:s1+s14], $0x80, s18, s14, $0xb8;
	[tilespmem:$0x1C400] =	vst v63  }
0xc2: {  	_ =	swait.ge [sflag:s19], $0x4000  }
0xc3: {  	[sflag:s19] =	ssyncset.done $0x0  }
0xc4: {  	[sflag:s19] =	ssyncadd.s32 $0xFFFFC000  }
0xc5: {  	[spmem:s3] =	stream.indirect.scatter.add.f32 [tilespmem:s16], [sflag:$0x3], $0x80, s20, s14, $0xb8;
	[tilespmem:$0x1C400] =	vst v63  }
0xc6: {  	_ =	swait.ge [sflag:s12], $0x4000  }
0xc7: {  	[sflag:s12] =	ssyncset.done $0x0  }
0xc8: {  	[sflag:s12] =	ssyncadd.s32 $0xFFFFC000  }
0xc9: {  	[tilespmem:s16], [sflag:$0x2] =	stream.indirect.gather [hbm4b:s1+s14], $0x80, s21, s14, $0xb8;
	[tilespmem:$0x1C400] =	vst v63  }
0xca: {  	_ =	swait.ge [sflag:s17], $0x4000  }
0xcb: {  	[sflag:s17] =	ssyncset.done $0x0  }
0xcc: {  	[sflag:s17] =	ssyncadd.s32 $0xFFFFC000  }
0xcd: {  	[spmem:s3] =	stream.indirect.scatter.add.f32 [tilespmem:s15], [sflag:$0x3], $0x80, s22, s14, $0xb8;
	[tilespmem:$0x1C400] =	vst v63  }
0xce: {  	_ =	swait.ge [sflag:s12], $0x4000  }
0xcf: {  	[sflag:s12] =	ssyncset.done $0x0  }
0xd0: {  	[sflag:s12] =	ssyncadd.s32 $0xFFFFC000  }
0xd1: {  	[tilespmem:s15], [sflag:$0x1] =	stream.indirect.gather [hbm4b:s1+s14], $0x80, s23, s14, $0xb8;
	[tilespmem:$0x1C400] =	vst v63  }
0xd2: {  	_ =	swait.ge [sflag:s19], $0x4000  }
0xd3: {  	[sflag:s19] =	ssyncset.done $0x0  }
0xd4: {  	[sflag:s19] =	ssyncadd.s32 $0xFFFFC000  }
0xd5: {  	[spmem:s3] =	stream.indirect.scatter.add.f32 [tilespmem:s16], [sflag:$0x3], $0x80, s24, s14, $0xb8;
	[tilespmem:$0x1C400] =	vst v63  }
0xd6: {  	_ =	swait.ge [sflag:s12], $0x4000  }
0xd7: {  	[sflag:s12] =	ssyncset.done $0x0  }
0xd8: {  	[sflag:s12] =	ssyncadd.s32 $0xFFFFC000  }
0xd9: {  	[tilespmem:s16], [sflag:$0x2] =	stream.indirect.gather [hbm4b:s1+s14], $0x80, s25, s14, $0xb8;
	[tilespmem:$0x1C400] =	vst v63  }
0xda: {  	_ =	swait.ge [sflag:s17], $0x4000  }
0xdb: {  	[sflag:s17] =	ssyncset.done $0x0  }
0xdc: {  	[sflag:s17] =	ssyncadd.s32 $0xFFFFC000  }
0xdd: {  	[spmem:s3] =	stream.indirect.scatter.add.f32 [tilespmem:s15], [sflag:$0x3], $0x80, s26, s14, $0xb8;
	[tilespmem:$0x1C400] =	vst v63  }
0xde: {  	_ =	swait.ge [sflag:s12], $0x4000  }
0xdf: {  	[sflag:s12] =	ssyncset.done $0x0  }
0xe0: {  	[sflag:s12] =	ssyncadd.s32 $0xFFFFC000  }
0xe1: {  	[tilespmem:s15], [sflag:$0x1] =	stream.indirect.gather [hbm4b:s1+s14], $0x80, s28, s14, $0xb8;
	[tilespmem:$0x1C400] =	vst v63  }
0xe2: {  	_ =	swait.ge [sflag:s19], $0x4000  }
0xe3: {  	[sflag:s19] =	ssyncset.done $0x0  }
0xe4: {  	[sflag:s19] =	ssyncadd.s32 $0xFFFFC000  }
0xe5: {  	[spmem:s3] =	stream.indirect.scatter.add.f32 [tilespmem:s16], [sflag:$0x3], $0x80, s29, s14, $0xb8;
	[tilespmem:$0x1C400] =	vst v63  }
0xe6: {  	_ =	swait.ge [sflag:s12], $0x4000  }
0xe7: {  	[sflag:s12] =	ssyncset.done $0x0  }
0xe8: {  	[sflag:s12] =	ssyncadd.s32 $0xFFFFC000  }
0xe9: {  	[tilespmem:s16], [sflag:$0x2] =	stream.indirect.gather [hbm4b:s1+s14], $0x80, s30, s14, $0xb8;
	[tilespmem:$0x1C400] =	vst v63  }
0xea: {  	_ =	swait.ge [sflag:s17], $0x4000  }
0xeb: {  	[sflag:s17] =	ssyncset.done $0x0  }
0xec: {  	[sflag:s17] =	ssyncadd.s32 $0xFFFFC000  }
0xed: {  	[spmem:s3] =	stream.indirect.scatter.add.f32 [tilespmem:s15], [sflag:$0x3], $0x80, s31, s14, $0xb8;
	[tilespmem:$0x1C400] =	vst v63  }
0xee: {  	_ =	swait.ge [sflag:s12], $0x4000  }
0xef: {  	[sflag:s12] =	ssyncset.done $0x0  }
0xf0: {  	[sflag:s12] =	ssyncadd.s32 $0xFFFFC000  }
0xf1: {  	_ =	swait.ge [sflag:s19], $0x4000  }
0xf2: {  	[sflag:s19] =	ssyncset.done $0x0  }
0xf3: {  	[sflag:s19] =	ssyncadd.s32 $0xFFFFC000  }
0xf4: {  	[spmem:s3] =	stream.indirect.scatter.add.f32 [tilespmem:s16], [sflag:$0x3], $0x80, s2, s14, $0xb8;
	[tilespmem:$0x1C400] =	vst v63  }
0xf5: {  	_ =	swait.ge [sflag:s12], $0x4000  }
0xf6: {  	[sflag:s12] =	ssyncset.done $0x0  }
0xf7: {  	[sflag:s12] =	ssyncadd.s32 $0xFFFFC000  }
0xf8: {  	[bflag:$0x0] =	sbarrier.arrive $0xFFFF  }
0xf9: {  	s6 =	rddreg [dreg:$0x5]  }
0xfa: {  	s8 =	rddreg [dreg:$0x6]  }
0xfb: {  	s7 =	rddreg [dreg:$0x8]  }
0xfc: {  	[hbm:s8], [sflag:s6] =	dma.local [spmem:s7], $0x2780  }
0xfd: {  	_ =	swait.ge [sflag:s12], $0x2780  }
0xfe: {  	s0 =	sadd.s32 $0x1, s0;
	s11 =	rddreg [dreg:$0x7]  }
0xff: {  	p0 =	sne.s32 s0, s11  }
.Ltmp1:
0x100: {  	_ = 	snop;
	(pc) =	sbr.rel @p0 .LBB2_1-.Ltmp1, $3  }
0x101: {  	_ =	sdelay $0x1  }
0x102: {  	[sflag:s12] =	ssyncset.done $0x0  }
0x103: {  	[sflag:s12] =	ssyncadd.s32 $0xFFFFD880  }
0x104: {  	_ =	sfence.sel $0x180000  }
0x105: {  	[bflag:$0x0] =	sbarrier.arrive $0xFFFF  }
0x106: {  	_ =	strace $0x9000004D  }
0x107: {  	s0 =	stileid.u32;
	[bflag:$0x2] =	sbarrier.arrive $0xFFFF  }
0x108: {  	p0 =	sne.s32 s0, $0x0;
	s0 =	rddreg [dreg:$0x3]  }
0x109: {  	s0 =	sadd.s32 @!p0 $0x100000, s0  }
0x10a: {  	[sflag:s0] =	ssyncadd.tile.s32 @!p0 $0x1;
	_ =	shalt  }
.Lfunc_end2:
_tile_overlayer_lowered:
.L_overlay_start_2:
0x10b: {  	(tag) =	ssettag $0x2  }
0x10c: {  	s0 =	rddreg [dreg:$0x0];
	s2 =	stileid.u32  }
0x10d: {  	s1 =	rddreg [dreg:$0x1];
	p0 =	sne.s32 s2, $0x0  }
0x10e: {  	s3 =	rddreg [dreg:$0x2];
	[bflag:$0x3] =	sbarrier.arrive $0xFFFF;
	s2 =	simm.s32 @!p0 $0x1C03  }
0x10f: {  	[timem:s3], [sflag:s2] =	dma.local @!p0 [hbm:s0], s1  }
0x110: {  	s0 =	simm.s32 @!p0 $0x3  }
0x111: {  	_ =	swait.ge @!p0 [sflag:s0], s1  }
0x112: {  	s1 =	ssub.s32 @!p0 $0x0, s1;
	[sflag:s0] =	ssyncset.done @!p0 $0x0  }
0x113: {  	[sflag:s0] =	ssyncadd.s32 @!p0 s1  }
0x114: {  	[bflag:$0x3] =	sbarrier.arrive $0xFFFF  }
0x115: {  	_ =	shalt  }

// kernel: kernel.19.cloned.1.call-start
scs
__scs_entry_jumppad:
0x0: {  	(pc) =	sbr.rel $0x88, $3  }
0x1: {  	(tag) =	ssettag $0x0;
	lr =	simm.s32 $0x1  }
0x2: {  	[smem:$0x3F97] =	sst lr;
	_ =	strace $0xD0000000  }
0x3: {  	_ = 	snop  }
0x4: {  	_ = 	snop  }
0x5: {  	_ = 	snop  }
0x6: {  	_ = 	snop  }
0x7: {  	_ = 	snop  }
__scs_overlays_trampoline_lowered:
0x8: {  	[smem:$0x3FA6] =	sst s0  }
0x9: {  	[smem:$0x3FA7] =	sst s1  }
0xa: {  	[smem:$0x3FA8] =	sst s2  }
0xb: {  	[smem:$0x3FA9] =	sst s3  }
0xc: {  	[smem:$0x3FAA] =	sst s4  }
0xd: {  	[smem:$0x3FAB] =	sst s5  }
0xe: {  	[smem:$0x3FAC] =	sst s6  }
0xf: {  	[smem:$0x3FAD] =	sst s7  }
0x10: {  	[smem:$0x3FAE] =	sst s8  }
0x11: {  	[smem:$0x3FAF] =	sst s9;
	s0 =	simm.s32 @!p0 $0x0  }
0x12: {  	s1 =	sld [smem:$0x3F95];
	s0 =	simm.s32 @p0 $0x1  }
0x13: {  	[smem:$0x3FB0] =	sst s0;
	s0 =	simm.s32 @!p1 $0x0  }
0x14: {  	s2 =	sld [smem:$0x3F94];
	s0 =	simm.s32 @p1 $0x1  }
0x15: {  	[smem:$0x3FB1] =	sst s0;
	s0 =	simm.s32 @!p2 $0x0  }
0x16: {  	s3 =	sld [smem:$0x3FDB];
	s0 =	simm.s32 @p2 $0x1  }
0x17: {  	s4 =	simm.s32 $0x1BF5;
	[smem:$0x3FB3] =	sst s0  }
0x18: {  	s0 =	sld [smem:$0x3F96];
	_ =	swait.ge [sflag:s4], $0x0  }
0x19: {  	s7 =	sld [smem:$0x3F97]  }
0x1a: {  	s8 =	sadd.s32 $0xFFFFE003, lr  }
0x1b: {  	s9 =	sadd.s32 $0xFFFFFEF7, lr;
	s5 =	simm.s32 $0xFFFFFFFF;
	p2 =	slt.u32 s8, $0xFFFFF086  }
0x1c: {  	p1 =	slt.u32 s9, $0xF7A;
	s5 =	simm.s32 @!p2 $0x0  }
0x1d: {  	s5 =	simm.s32 @p1 $0x1;
	p0 =	seq.s32 s7, s2  }
0x1e: {  	s7 =	smul.u32 @!p0 $0xF7A, s2;
	p2 =	seq.s32 @!p0 s5, $0x0  }
0x1f: {  	s9 =	smul.u32 $0xF7A, s1;
	s8 =	simm.s32 @!p0 $0x1BF5;
	p2 =	por !p2, p0  }
0x20: {  	[sflag:s8] =	ssyncset.s32 @!p0 $0xFFFFF086;
	s6 =	sadd.s32 @!p0 s3, s7;
	s7 =	simm.s32 @!p0 $0x108  }
0x21: {  	s3 =	sadd.s32 s3, s9;
	s6 =	sadd.s32 @!p0 $0x88, s6;
	s7 =	simm.s32 @p2 $0x1082  }
0x22: {  	[simem:s7], [sflag:s8] =	dma.local @!p0 [hbm:s6], $0xF7A  }
0x23: {  	s9 =	sor.u32 $0xD0000000, s2;
	s6 =	simm.s32 $0x108;
	_ =	swait.ge @!p0 [sflag:s8], $0x0  }
0x24: {  	s3 =	sadd.s32 $0x88, s3;
	s6 =	simm.s32 @!p1 $0x1082;
	[sflag:s4] =	ssyncset.s32 $0xFFFFF086  }
0x25: {  	[simem:s6], [sflag:s4] =	dma.local [hbm:s3], $0xF7A  }
0x26: {  	[smem:$0x3F97] =	sst s1;
	(tag) =	ssettag s2;
	_ =	strace s9  }
0x27: {  	s1 =	sld [smem:$0x3FA7]  }
0x28: {  	s2 =	sld [smem:$0x3FA8]  }
0x29: {  	s4 =	sld [smem:$0x3FAA]  }
0x2a: {  	p0 =	seq.s32 s5, $0x0;
	s5 =	sld [smem:$0x3FAB]  }
0x2b: {  	s6 =	sld [smem:$0x3FAC]  }
0x2c: {  	s7 =	sld [smem:$0x3FAD]  }
0x2d: {  	s3 =	simm.s32 $0x108;
	s8 =	sld [smem:$0x3FAE]  }
0x2e: {  	s3 =	simm.s32 @!p0 $0x1082;
	s9 =	sld [smem:$0x3FAF]  }
0x2f: {  	lr =	sadd.s32 s0, s3;
	s0 =	sld [smem:$0x3FA6]  }
0x30: {  	s3 =	sld [smem:$0x3FA9]  }
0x31: {  	[smem:$0x3FB2] =	sst s10  }
0x32: {  	s10 =	sld [smem:$0x3FB0];
	_ =	sdelay $0x3  }
0x33: {  	p0 =	seq.s32 s10, $0x1;
	s10 =	sld [smem:$0x3FB2];
	_ =	sdelay $0x3  }
0x34: {  	[smem:$0x3FB2] =	sst s10  }
0x35: {  	s10 =	sld [smem:$0x3FB1];
	_ =	sdelay $0x3  }
0x36: {  	p1 =	seq.s32 s10, $0x1;
	s10 =	sld [smem:$0x3FB2];
	_ =	sdelay $0x3  }
0x37: {  	[smem:$0x3FB2] =	sst s10  }
0x38: {  	s10 =	sld [smem:$0x3FB3]  }
0x39: {  	_ = 	snop;
	(pc) =	sbr.ind lr, $3  }
0x3a: {  	_ = 	snop  }
0x3b: {  	_ = 	snop  }
0x3c: {  	p2 =	seq.s32 s10, $0x1;
	s10 =	sld [smem:$0x3FB2]  }
0x3d: {  	_ =	shalt  }
0x3e: {  	_ =	shalt  }
0x3f: {  	_ =	shalt  }
0x40: {  	_ =	shalt  }
0x41: {  	_ =	shalt  }
0x42: {  	_ =	shalt  }
0x43: {  	_ =	shalt  }
0x44: {  	_ =	shalt  }
0x45: {  	_ =	shalt  }
0x46: {  	_ =	shalt  }
0x47: {  	_ =	shalt  }
0x48: {  	_ =	shalt  }
0x49: {  	_ =	shalt  }
0x4a: {  	_ =	shalt  }
0x4b: {  	_ =	shalt  }
0x4c: {  	_ =	shalt  }
0x4d: {  	_ =	shalt  }
0x4e: {  	_ =	shalt  }
0x4f: {  	_ =	shalt  }
0x50: {  	_ =	shalt  }
0x51: {  	_ =	shalt  }
0x52: {  	_ =	shalt  }
0x53: {  	_ =	shalt  }
0x54: {  	_ =	shalt  }
0x55: {  	_ =	shalt  }
0x56: {  	_ =	shalt  }
0x57: {  	_ =	shalt  }
0x58: {  	_ =	shalt  }
0x59: {  	_ =	shalt  }
0x5a: {  	_ =	shalt  }
0x5b: {  	_ =	shalt  }
0x5c: {  	_ =	shalt  }
0x5d: {  	_ =	shalt  }
0x5e: {  	_ =	shalt  }
0x5f: {  	_ =	shalt  }
0x60: {  	_ =	shalt  }
0x61: {  	_ =	shalt  }
0x62: {  	_ =	shalt  }
0x63: {  	_ =	shalt  }
0x64: {  	_ =	shalt  }
0x65: {  	_ =	shalt  }
0x66: {  	_ =	shalt  }
0x67: {  	_ =	shalt  }
0x68: {  	_ =	shalt  }
0x69: {  	_ =	shalt  }
0x6a: {  	_ =	shalt  }
0x6b: {  	_ =	shalt  }
0x6c: {  	_ =	shalt  }
0x6d: {  	_ =	shalt  }
0x6e: {  	_ =	shalt  }
0x6f: {  	_ =	shalt  }
0x70: {  	_ =	shalt  }
0x71: {  	_ =	shalt  }
0x72: {  	_ =	shalt  }
0x73: {  	_ =	shalt  }
0x74: {  	_ =	shalt  }
0x75: {  	_ =	shalt  }
0x76: {  	_ =	shalt  }
0x77: {  	_ =	shalt  }
0x78: {  	_ =	shalt  }
0x79: {  	_ =	shalt  }
0x7a: {  	_ =	shalt  }
0x7b: {  	_ =	shalt  }
0x7c: {  	_ =	shalt  }
0x7d: {  	_ =	shalt  }
0x7e: {  	_ =	shalt  }
0x7f: {  	_ =	shalt  }
0x80: {  	_ =	shalt  }
0x81: {  	_ =	shalt  }
0x82: {  	_ =	shalt  }
0x83: {  	_ =	shalt  }
0x84: {  	_ =	shalt  }
0x85: {  	_ =	shalt  }
0x86: {  	_ =	shalt  }
0x87: {  	_ =	shalt  }
.Lfunc_end0:
.L_simem_size_0:
called_computation.3_lowered:
.L_overlay_start_0:
0x88: {  	s2 =	sld [smem:$0x3FD9]  }
0x89: {  	s3 =	sld [smem:$0x3FFE];
	_ =	sdelay $0x1  }
0x8a: {  	s1 =	srdreg.scid  }
0x8b: {  	s0 =	sand.u32 $0x1, s1  }
0x8c: {  	s17 =	sshll.u32 s0, $0xA;
	s2 =	sadd.s32 s3, s2  }
0x8d: {  	s2 =	sadd.s32 s2, s17  }
0x8e: {  	[smem:$0x3FBE] =	sst s2  }
0x8f: {  	_ = 	snop  }
0x90: {  	s2 =	sld [smem:$0x3FD0];
	(tm) =	ssettm $0x1  }
0x91: {  	s18 =	sld [smem:$0x3FFB];
	_ =	sdelay $0x3  }
0x92: {  	_ =	strace s18  }
0x93: {  	s3 =	sld [smem:$0x3FFC];
	_ =	sdelay $0x3  }
0x94: {  	_ =	strace s3  }
0x95: {  	s3 =	sld [smem:$0x3FFD];
	_ =	sdelay $0x3  }
0x96: {  	_ =	strace s3  }
0x97: {  	_ =	strace $0x8FFFFFFF  }
0x98: {  	s19 =	sld [smem:$0x3FDB];
	_ =	sdelay $0x1  }
0x99: {  	s4 =	simm.s32 $_scs_section_size  }
0x9a: {  	s5 =	simm.s32 $_size__tile_overlayer_lowered;
	s6 =	simm.s32 $_tile_overlayer_lowered  }
0x9b: {  	s22 =	simm.s32 $0x1BFF;
	s21 =	sshll.u32 s6, $0x1;
	s3 =	sadd.s32 s4, s19  }
0x9c: {  	s7 =	simm.s32 $0x0;
	s20 =	sshll.u32 s5, $0x1;
	s5 =	sadd.s32 s21, s3  }
0x9d: {  	[timem:s7], [sflag:s22] =	dma.local [hbm:s5], s20  }
0x9e: {  	_ =	swait.ge [sflag:s22], s20  }
0x9f: {  	s4 =	ssub.s32 $0x0, s20;
	[sflag:s22] =	ssyncset.done $0x0  }
0xa0: {  	[sflag:s22] =	ssyncadd.s32 s4;
	_ =	sdelay $0x1  }
0xa1: {  	s23 =	simm.s32 $0x1B8B  }
0xa2: {  	_ =	swait.ge [sflag:s23], $0x1  }
0xa3: {  	[sflag:s23] =	ssyncset.done $0x0  }
0xa4: {  	s25 =	simm.s32 $0x1B8E;
	s24 =	sld [smem:$0x3FFE];
	[sflag:s23] =	ssyncadd.s32 $0xFFFFFFFF  }
0xa5: {  	s26 =	simm.s32 $execute0_lowered;
	[smem:$0x3FD2] =	sst s25  }
0xa6: {  	s5 =	sshll.u32 s26, $0x1;
	_ =	strace $0x8000004F;
	[dreg:$0x1] =	wrdreg $0xFFFFFFFF  }
0xa7: {  	s28 =	simm.s32 $_size_execute0_lowered;
	s3 =	sadd.s32 s3, s5;
	[dreg:$0x0] =	wrdreg $0x0  }
0xa8: {  	s5 =	sshll.u32 s28, $0x1;
	[dreg:$0x2] =	wrdreg s3  }
0xa9: {  	[dreg:$0x3] =	wrdreg s5  }
0xaa: {  	[dreg:$0x4] =	wrdreg $0xC0  }
0xab: {  	_ =	task [dreg:s7], $0x5FFFF  }
0xac: {  	[dreg:$0x1] =	wrdreg $0xFFFFFFFF  }
0xad: {  	[dreg:$0x0] =	wrdreg $0x60  }
0xae: {  	[dreg:$0x2] =	wrdreg s2  }
0xaf: {  	[dreg:$0x3] =	wrdreg s24  }
0xb0: {  	[dreg:$0x4] =	wrdreg $0x88000  }
0xb1: {  	[dreg:$0x5] =	wrdreg $0x9  }
0xb2: {  	_ =	task.clear_ibuf [dreg:s7], $0x6FFFF;
	_ =	strace $0x9000004F  }
0xb3: {  	s29 =	simm.s32 $0x9;
	_ =	strace $0x80000051  }
0xb4: {  	_ =	swait.ge [sflag:s29], $0x1  }
0xb5: {  	[sflag:s29] =	ssyncadd.s32 $0xFFFFFFFF  }
0xb6: {  	_ =	strace $0x90000051  }
0xb7: {  	_ =	sfence  }
0xb8: {  	s30 =	sld [smem:$0x0];
	_ =	sdelay $0x2  }
0xb9: {  	s31 =	sshll.u32 s1, $0xD;
	s1 =	sshrl.u32 s1, $0x2  }
0xba: {  	s3 =	sand.u32 $0x4000, s31;
	s1 =	sadd.s32 s1, s30  }
0xbb: {  	s0 =	sor.u32 s3, s0;
	s1 =	sshll.u32 s1, $0x11  }
0xbc: {  	s0 =	sor.u32 s1, s0  }
0xbd: {  	s0 =	sadd.s32 $0x8F2B, s0  }
0xbe: {  	[sflag:s0] =	ssyncadd.remote.s32 $0x1  }
0xbf: {  	_ =	sfence.sel $0xFFFF  }
0xc0: {  	[dreg:$0x0] =	wrdreg $0xFFFFFFFF;
	(pc) =	sbr.abs _section_cstart, $3  }
0xc1: {  	[dreg:$0x1] =	wrdreg $0xFFFFFFFF  }
0xc2: {  	_ =	task.clear_ibuf [dreg:s7], $0x2FFFF;
	_ =	strace $0x9FFFFFFF  }
0xc3: {  	(tm) =	ssettm $0x7FFFFFFF  }
tec
execute0_lowered:
.L_overlay_start_1:
0x0: {  	(tag) =	ssettag $0x1  }
0x1: {  	s1 =	rddreg [dreg:$0x0]  }
0x2: {  	s0 =	srdreg.scid;
	s2 =	rddreg [dreg:$0x1]  }
0x3: {  	s8 =	stileid.u32;
	s3 =	rddreg [dreg:$0x2]  }
0x4: {  	s4 =	simm.s32 $0x0;
	s12 =	simm.s32 $0x3;
	s13 =	simm.s32 $0x400  }
0x5: {  	s14 =	simm.s32 $0x80;
	s15 =	simm.s32 $0x800;
	s16 =	simm.s32 $0x4800  }
0x6: {  	s17 =	simm.s32 $0x1;
	s18 =	simm.s32 $0x100;
	s19 =	simm.s32 $0x2  }
0x7: {  	s20 =	simm.s32 $0x480;
	s21 =	simm.s32 $0x180;
	s22 =	simm.s32 $0x500  }
0x8: {  	s28 =	simm.s32 $0x300;
	s29 =	simm.s32 $0x680;
	s6 =	smul.u32 $0x2800, s8  }
0x9: {  	s30 =	simm.s32 $0x380;
	s31 =	simm.s32 $0x700;
	s23 =	smul.u32 $0x13C00, s8  }
0xa: {  	s0 =	sand.u32 $0x1, s0;
	[smem:$0x7FF] =	sst s4;
	s24 =	smul.u32 $0x4F000, s8  }
0xb: {  	s9 =	sadd.s32 $0xEC00, s2;
	s26 =	sshll.u32 s8, $0x6;
	s5 =	smul.u32 $0x28000, s0  }
0xc: {  	s7 =	smul.u32 $0x13C000, s0;
	_ =	strace $0x80000050;
	s0 =	ssub.s32 $0x2, s0  }
0xd: {  	[dreg:$0x4] =	wrdreg s9;
	s25 =	sshrl.u32 s0, $0x1;
	s5 =	sadd.s32 s6, s5  }
0xe: {  	s6 =	sadd.s32 s23, s7;
	s7 =	sshrl.u32 s24, $0x2;
	s0 =	ssub.s32 s0, s25  }
0xf: {  	s23 =	simm.s32 $0x200;
	s24 =	simm.s32 $0x580;
	s25 =	simm.s32 $0x280  }
0x10: {  	s5 =	sshrl.u32 s5, $0x3;
	s6 =	sshrl.u32 s6, $0x3;
	s7 =	sadd.s32 s7, s3  }
0x11: {  	s0 =	smax.u32 s0, $0x1;
	s5 =	sadd.s32 s5, s2;
	s2 =	sadd.s32 s6, s2  }
0x12: {  	s6 =	sor.u32 $0x1C03, s26;
	[dreg:$0x7] =	wrdreg s0;
	s7 =	sshrl.u32 s7, $0x3  }
0x13: {  	s26 =	simm.s32 $0x600;
	s0 =	simm.s32 $0x0;
	[dreg:$0x5] =	wrdreg s6  }
0x14: {  	s2 =	sadd.s32 $0x6A400, s2;
	s9 =	sadd.s32 $0x4C00, s5;
	[dreg:$0x8] =	wrdreg s7  }
0x15: {  	s10 =	sadd.s32 $0x60400, s5;
	[dreg:$0x6] =	wrdreg s2;
	s2 =	simm.s32 $0x780  }
.LBB2_1:
0x16: {  	s5 =	rddreg [dreg:$0x4]  }
0x17: {  	[spmem:s7], [sflag:s6] =	dma.local [hbm:s5], $0x2780  }
0x18: {  	_ =	swait.ge [sflag:s12], $0x2780  }
0x19: {  	[sflag:s12] =	ssyncset.done $0x0  }
0x1a: {  	[sflag:s12] =	ssyncadd.s32 $0xFFFFD880  }
0x1b: {  	s8 =	sadd.s32 $0x0, s10;
	[bflag:$0x0] =	sbarrier.arrive $0xFFFF  }
0x1c: {  	[tilespmem:s4], [sflag:$0x3] =	stream.linear.gather [hbm4b:s8+s4], $0x400, $0x38;
	[tilespmem:$0x1C400] =	vst v63  }
0x1d: {  	_ =	swait.ge [sflag:s12], $0x400  }
0x1e: {  	[sflag:s12] =	ssyncset.done $0x0  }
0x1f: {  	s11 =	sadd.s32 $0x0, s9;
	[sflag:s12] =	ssyncadd.s32 $0xFFFFFC00  }
0x20: {  	[tilespmem:s13], [sflag:$0x3] =	stream.linear.gather [hbm4b:s11+s4], $0x400, $0x38;
	[tilespmem:$0x1C400] =	vst v63  }
0x21: {  	_ =	swait.ge [sflag:s12], $0x400  }
0x22: {  	[sflag:s12] =	ssyncset.done $0x0  }
0x23: {  	[sflag:s12] =	ssyncadd.s32 $0xFFFFFC00  }
0x24: {  	[tilespmem:s15], [sflag:$0x1] =	stream.indirect.gather [hbm4b:s1+s14], $0x80, s4, s14, $0xb8;
	[tilespmem:$0x1C400] =	vst v63  }
0x25: {  	_ = 	snop  }
0x26: {  	[tilespmem:s16], [sflag:$0x2] =	stream.indirect.gather [hbm4b:s1+s14], $0x80, s14, s14, $0xb8;
	[tilespmem:$0x1C400] =	vst v63  }
0x27: {  	_ =	swait.ge [sflag:s17], $0x4000  }
0x28: {  	[sflag:s17] =	ssyncset.done $0x0  }
0x29: {  	[sflag:s17] =	ssyncadd.s32 $0xFFFFC000  }
0x2a: {  	[spmem:s3] =	stream.indirect.scatter.add.f32 [tilespmem:s15], [sflag:$0x3], $0x80, s13, s14, $0xb8;
	[tilespmem:$0x1C400] =	vst v63  }
0x2b: {  	_ =	swait.ge [sflag:s12], $0x4000  }
0x2c: {  	[sflag:s12] =	ssyncset.done $0x0  }
0x2d: {  	[sflag:s12] =	ssyncadd.s32 $0xFFFFC000  }
0x2e: {  	[tilespmem:s15], [sflag:$0x1] =	stream.indirect.gather [hbm4b:s1+s14], $0x80, s18, s14, $0xb8;
	[tilespmem:$0x1C400] =	vst v63  }
0x2f: {  	_ =	swait.ge [sflag:s19], $0x4000  }
0x30: {  	[sflag:s19] =	ssyncset.done $0x0  }
0x31: {  	[sflag:s19] =	ssyncadd.s32 $0xFFFFC000  }
0x32: {  	[spmem:s3] =	stream.indirect.scatter.add.f32 [tilespmem:s16], [sflag:$0x3], $0x80, s20, s14, $0xb8;
	[tilespmem:$0x1C400] =	vst v63  }
0x33: {  	_ =	swait.ge [sflag:s12], $0x4000  }
0x34: {  	[sflag:s12] =	ssyncset.done $0x0  }
0x35: {  	[sflag:s12] =	ssyncadd.s32 $0xFFFFC000  }
0x36: {  	[tilespmem:s16], [sflag:$0x2] =	stream.indirect.gather [hbm4b:s1+s14], $0x80, s21, s14, $0xb8;
	[tilespmem:$0x1C400] =	vst v63  }
0x37: {  	_ =	swait.ge [sflag:s17], $0x4000  }
0x38: {  	[sflag:s17] =	ssyncset.done $0x0  }
0x39: {  	[sflag:s17] =	ssyncadd.s32 $0xFFFFC000  }
0x3a: {  	[spmem:s3] =	stream.indirect.scatter.add.f32 [tilespmem:s15], [sflag:$0x3], $0x80, s22, s14, $0xb8;
	[tilespmem:$0x1C400] =	vst v63  }
0x3b: {  	_ =	swait.ge [sflag:s12], $0x4000  }
0x3c: {  	[sflag:s12] =	ssyncset.done $0x0  }
0x3d: {  	[sflag:s12] =	ssyncadd.s32 $0xFFFFC000  }
0x3e: {  	[tilespmem:s15], [sflag:$0x1] =	stream.indirect.gather [hbm4b:s1+s14], $0x80, s23, s14, $0xb8;
	[tilespmem:$0x1C400] =	vst v63  }
0x3f: {  	_ =	swait.ge [sflag:s19], $0x4000  }
0x40: {  	[sflag:s19] =	ssyncset.done $0x0  }
0x41: {  	[sflag:s19] =	ssyncadd.s32 $0xFFFFC000  }
0x42: {  	[spmem:s3] =	stream.indirect.scatter.add.f32 [tilespmem:s16], [sflag:$0x3], $0x80, s24, s14, $0xb8;
	[tilespmem:$0x1C400] =	vst v63  }
0x43: {  	_ =	swait.ge [sflag:s12], $0x4000  }
0x44: {  	[sflag:s12] =	ssyncset.done $0x0  }
0x45: {  	[sflag:s12] =	ssyncadd.s32 $0xFFFFC000  }
0x46: {  	[tilespmem:s16], [sflag:$0x2] =	stream.indirect.gather [hbm4b:s1+s14], $0x80, s25, s14, $0xb8;
	[tilespmem:$0x1C400] =	vst v63  }
0x47: {  	_ =	swait.ge [sflag:s17], $0x4000  }
0x48: {  	[sflag:s17] =	ssyncset.done $0x0  }
0x49: {  	[sflag:s17] =	ssyncadd.s32 $0xFFFFC000  }
0x4a: {  	[spmem:s3] =	stream.indirect.scatter.add.f32 [tilespmem:s15], [sflag:$0x3], $0x80, s26, s14, $0xb8;
	[tilespmem:$0x1C400] =	vst v63  }
0x4b: {  	_ =	swait.ge [sflag:s12], $0x4000  }
0x4c: {  	[sflag:s12] =	ssyncset.done $0x0  }
0x4d: {  	[sflag:s12] =	ssyncadd.s32 $0xFFFFC000  }
0x4e: {  	[tilespmem:s15], [sflag:$0x1] =	stream.indirect.gather [hbm4b:s1+s14], $0x80, s28, s14, $0xb8;
	[tilespmem:$0x1C400] =	vst v63  }
0x4f: {  	_ =	swait.ge [sflag:s19], $0x4000  }
0x50: {  	[sflag:s19] =	ssyncset.done $0x0  }
0x51: {  	[sflag:s19] =	ssyncadd.s32 $0xFFFFC000  }
0x52: {  	[spmem:s3] =	stream.indirect.scatter.add.f32 [tilespmem:s16], [sflag:$0x3], $0x80, s29, s14, $0xb8;
	[tilespmem:$0x1C400] =	vst v63  }
0x53: {  	_ =	swait.ge [sflag:s12], $0x4000  }
0x54: {  	[sflag:s12] =	ssyncset.done $0x0  }
0x55: {  	[sflag:s12] =	ssyncadd.s32 $0xFFFFC000  }
0x56: {  	[tilespmem:s16], [sflag:$0x2] =	stream.indirect.gather [hbm4b:s1+s14], $0x80, s30, s14, $0xb8;
	[tilespmem:$0x1C400] =	vst v63  }
0x57: {  	_ =	swait.ge [sflag:s17], $0x4000  }
0x58: {  	[sflag:s17] =	ssyncset.done $0x0  }
0x59: {  	[sflag:s17] =	ssyncadd.s32 $0xFFFFC000  }
0x5a: {  	[spmem:s3] =	stream.indirect.scatter.add.f32 [tilespmem:s15], [sflag:$0x3], $0x80, s31, s14, $0xb8;
	[tilespmem:$0x1C400] =	vst v63  }
0x5b: {  	_ =	swait.ge [sflag:s12], $0x4000  }
0x5c: {  	[sflag:s12] =	ssyncset.done $0x0  }
0x5d: {  	[sflag:s12] =	ssyncadd.s32 $0xFFFFC000  }
0x5e: {  	_ =	swait.ge [sflag:s19], $0x4000  }
0x5f: {  	[sflag:s19] =	ssyncset.done $0x0  }
0x60: {  	[sflag:s19] =	ssyncadd.s32 $0xFFFFC000  }
0x61: {  	[spmem:s3] =	stream.indirect.scatter.add.f32 [tilespmem:s16], [sflag:$0x3], $0x80, s2, s14, $0xb8;
	[tilespmem:$0x1C400] =	vst v63  }
0x62: {  	_ =	swait.ge [sflag:s12], $0x4000  }
0x63: {  	s5 =	simm.s32 $0x80;
	s7 =	simm.s32 $0x100;
	[sflag:s12] =	ssyncset.done $0x0  }
.LBB2_2:
0x64: {  	s6 =	sadd.s32 s5, s10  }
0x65: {  	[sflag:s12] =	ssyncadd.s32 $0xFFFFC000;
	s11 =	smov.u32 s7;
	s8 =	sadd.s32 $0x80, s7  }
0x66: {  	[tilespmem:s4], [sflag:$0x3] =	stream.linear.gather [hbm4b:s6+s4], $0x400, $0x38;
	[tilespmem:$0x1C400] =	vst v63  }
0x67: {  	p0 =	sne.s32 s7, $0x480;
	_ =	swait.ge [sflag:s12], $0x400  }
0x68: {  	[sflag:s12] =	ssyncset.done $0x0  }
0x69: {  	s6 =	sadd.s32 s5, s9;
	s5 =	smov.u32 s11;
	[sflag:s12] =	ssyncadd.s32 $0xFFFFFC00  }
0x6a: {  	[tilespmem:s13], [sflag:$0x3] =	stream.linear.gather [hbm4b:s6+s4], $0x400, $0x38;
	[tilespmem:$0x1C400] =	vst v63  }
0x6b: {  	_ =	swait.ge [sflag:s12], $0x400  }
0x6c: {  	[sflag:s12] =	ssyncset.done $0x0  }
0x6d: {  	[sflag:s12] =	ssyncadd.s32 $0xFFFFFC00  }
0x6e: {  	[tilespmem:s15], [sflag:$0x1] =	stream.indirect.gather [hbm4b:s1+s14], $0x80, s4, s14, $0xb8;
	[tilespmem:$0x1C400] =	vst v63  }
0x6f: {  	_ = 	snop  }
0x70: {  	[tilespmem:s16], [sflag:$0x2] =	stream.indirect.gather [hbm4b:s1+s14], $0x80, s14, s14, $0xb8;
	[tilespmem:$0x1C400] =	vst v63  }
0x71: {  	_ =	swait.ge [sflag:s17], $0x4000  }
0x72: {  	[sflag:s17] =	ssyncset.done $0x0  }
0x73: {  	[sflag:s17] =	ssyncadd.s32 $0xFFFFC000  }
0x74: {  	[spmem:s3] =	stream.indirect.scatter.add.f32 [tilespmem:s15], [sflag:$0x3], $0x80, s13, s14, $0xb8;
	[tilespmem:$0x1C400] =	vst v63  }
0x75: {  	_ =	swait.ge [sflag:s12], $0x4000  }
0x76: {  	[sflag:s12] =	ssyncset.done $0x0  }
0x77: {  	[sflag:s12] =	ssyncadd.s32 $0xFFFFC000  }
0x78: {  	[tilespmem:s15], [sflag:$0x1] =	stream.indirect.gather [hbm4b:s1+s14], $0x80, s18, s14, $0xb8;
	[tilespmem:$0x1C400] =	vst v63  }
0x79: {  	_ =	swait.ge [sflag:s19], $0x4000  }
0x7a: {  	[sflag:s19] =	ssyncset.done $0x0  }
0x7b: {  	[sflag:s19] =	ssyncadd.s32 $0xFFFFC000  }
0x7c: {  	[spmem:s3] =	stream.indirect.scatter.add.f32 [tilespmem:s16], [sflag:$0x3], $0x80, s20, s14, $0xb8;
	[tilespmem:$0x1C400] =	vst v63  }
0x7d: {  	_ =	swait.ge [sflag:s12], $0x4000  }
0x7e: {  	[sflag:s12] =	ssyncset.done $0x0  }
0x7f: {  	[sflag:s12] =	ssyncadd.s32 $0xFFFFC000  }
0x80: {  	[tilespmem:s16], [sflag:$0x2] =	stream.indirect.gather [hbm4b:s1+s14], $0x80, s21, s14, $0xb8;
	[tilespmem:$0x1C400] =	vst v63  }
0x81: {  	_ =	swait.ge [sflag:s17], $0x4000  }
0x82: {  	[sflag:s17] =	ssyncset.done $0x0  }
0x83: {  	[sflag:s17] =	ssyncadd.s32 $0xFFFFC000  }
0x84: {  	[spmem:s3] =	stream.indirect.scatter.add.f32 [tilespmem:s15], [sflag:$0x3], $0x80, s22, s14, $0xb8;
	[tilespmem:$0x1C400] =	vst v63  }
0x85: {  	_ =	swait.ge [sflag:s12], $0x4000  }
0x86: {  	[sflag:s12] =	ssyncset.done $0x0  }
0x87: {  	[sflag:s12] =	ssyncadd.s32 $0xFFFFC000  }
0x88: {  	[tilespmem:s15], [sflag:$0x1] =	stream.indirect.gather [hbm4b:s1+s14], $0x80, s23, s14, $0xb8;
	[tilespmem:$0x1C400] =	vst v63  }
0x89: {  	_ =	swait.ge [sflag:s19], $0x4000  }
0x8a: {  	[sflag:s19] =	ssyncset.done $0x0  }
0x8b: {  	[sflag:s19] =	ssyncadd.s32 $0xFFFFC000  }
0x8c: {  	[spmem:s3] =	stream.indirect.scatter.add.f32 [tilespmem:s16], [sflag:$0x3], $0x80, s24, s14, $0xb8;
	[tilespmem:$0x1C400] =	vst v63  }
0x8d: {  	_ =	swait.ge [sflag:s12], $0x4000  }
0x8e: {  	[sflag:s12] =	ssyncset.done $0x0  }
0x8f: {  	[sflag:s12] =	ssyncadd.s32 $0xFFFFC000  }
0x90: {  	[tilespmem:s16], [sflag:$0x2] =	stream.indirect.gather [hbm4b:s1+s14], $0x80, s25, s14, $0xb8;
	[tilespmem:$0x1C400] =	vst v63  }
0x91: {  	_ =	swait.ge [sflag:s17], $0x4000  }
0x92: {  	[sflag:s17] =	ssyncset.done $0x0  }
0x93: {  	[sflag:s17] =	ssyncadd.s32 $0xFFFFC000  }
0x94: {  	[spmem:s3] =	stream.indirect.scatter.add.f32 [tilespmem:s15], [sflag:$0x3], $0x80, s26, s14, $0xb8;
	[tilespmem:$0x1C400] =	vst v63  }
0x95: {  	_ =	swait.ge [sflag:s12], $0x4000  }
0x96: {  	[sflag:s12] =	ssyncset.done $0x0  }
0x97: {  	[sflag:s12] =	ssyncadd.s32 $0xFFFFC000  }
0x98: {  	[tilespmem:s15], [sflag:$0x1] =	stream.indirect.gather [hbm4b:s1+s14], $0x80, s28, s14, $0xb8;
	[tilespmem:$0x1C400] =	vst v63  }
0x99: {  	_ =	swait.ge [sflag:s19], $0x4000  }
0x9a: {  	[sflag:s19] =	ssyncset.done $0x0  }
0x9b: {  	[sflag:s19] =	ssyncadd.s32 $0xFFFFC000  }
0x9c: {  	[spmem:s3] =	stream.indirect.scatter.add.f32 [tilespmem:s16], [sflag:$0x3], $0x80, s29, s14, $0xb8;
	[tilespmem:$0x1C400] =	vst v63  }
0x9d: {  	_ =	swait.ge [sflag:s12], $0x4000  }
0x9e: {  	[sflag:s12] =	ssyncset.done $0x0  }
0x9f: {  	[sflag:s12] =	ssyncadd.s32 $0xFFFFC000  }
0xa0: {  	[tilespmem:s16], [sflag:$0x2] =	stream.indirect.gather [hbm4b:s1+s14], $0x80, s30, s14, $0xb8;
	[tilespmem:$0x1C400] =	vst v63  }
0xa1: {  	_ =	swait.ge [sflag:s17], $0x4000  }
0xa2: {  	[sflag:s17] =	ssyncset.done $0x0  }
0xa3: {  	[sflag:s17] =	ssyncadd.s32 $0xFFFFC000  }
0xa4: {  	[spmem:s3] =	stream.indirect.scatter.add.f32 [tilespmem:s15], [sflag:$0x3], $0x80, s31, s14, $0xb8;
	[tilespmem:$0x1C400] =	vst v63  }
0xa5: {  	_ =	swait.ge [sflag:s12], $0x4000  }
0xa6: {  	[sflag:s12] =	ssyncset.done $0x0  }
0xa7: {  	[sflag:s12] =	ssyncadd.s32 $0xFFFFC000  }
0xa8: {  	_ =	swait.ge [sflag:s19], $0x4000  }
.Ltmp0:
0xa9: {  	[sflag:s19] =	ssyncset.done $0x0;
	(pc) =	sbr.rel @p0 .LBB2_2-.Ltmp0, $4  }
0xaa: {  	[sflag:s19] =	ssyncadd.s32 $0xFFFFC000  }
0xab: {  	[spmem:s3] =	stream.indirect.scatter.add.f32 [tilespmem:s16], [sflag:$0x3], $0x80, s2, s14, $0xb8;
	[tilespmem:$0x1C400] =	vst v63  }
0xac: {  	_ =	swait.ge [sflag:s12], $0x4000  }
0xad: {  	s7 =	smov.u32 s8;
	[sflag:s12] =	ssyncset.done $0x0  }
0xae: {  	s6 =	sadd.s32 s5, s10;
	[sflag:s12] =	ssyncadd.s32 $0xFFFFC000  }
0xaf: {  	[tilespmem:s4], [sflag:$0x3] =	stream.linear.gather [hbm4b:s6+s4], $0x400, $0x38;
	[tilespmem:$0x1C400] =	vst v63  }
0xb0: {  	_ =	swait.ge [sflag:s12], $0x400  }
0xb1: {  	[sflag:s12] =	ssyncset.done $0x0  }
0xb2: {  	s7 =	sadd.s32 s5, s9;
	[sflag:s12] =	ssyncadd.s32 $0xFFFFFC00  }
0xb3: {  	[tilespmem:s13], [sflag:$0x3] =	stream.linear.gather [hbm4b:s7+s4], $0x400, $0x38;
	[tilespmem:$0x1C400] =	vst v63  }
0xb4: {  	_ =	swait.ge [sflag:s12], $0x400  }
0xb5: {  	[sflag:s12] =	ssyncset.done $0x0  }
0xb6: {  	[sflag:s12] =	ssyncadd.s32 $0xFFFFFC00  }
0xb7: {  	[tilespmem:s15], [sflag:$0x1] =	stream.indirect.gather [hbm4b:s1+s14], $0x80, s4, s14, $0xb8;
	[tilespmem:$0x1C400] =	vst v63  }
0xb8: {  	_ = 	snop  }
0xb9: {  	[tilespmem:s16], [sflag:$0x2] =	stream.indirect.gather [hbm4b:s1+s14], $0x80, s14, s14, $0xb8;
	[tilespmem:$0x1C400] =	vst v63  }
0xba: {  	_ =	swait.ge [sflag:s17], $0x4000  }
0xbb: {  	[sflag:s17] =	ssyncset.done $0x0  }
0xbc: {  	[sflag:s17] =	ssyncadd.s32 $0xFFFFC000  }
0xbd: {  	[spmem:s3] =	stream.indirect.scatter.add.f32 [tilespmem:s15], [sflag:$0x3], $0x80, s13, s14, $0xb8;
	[tilespmem:$0x1C400] =	vst v63  }
0xbe: {  	_ =	swait.ge [sflag:s12], $0x4000  }
0xbf: {  	[sflag:s12] =	ssyncset.done $0x0  }
0xc0: {  	[sflag:s12] =	ssyncadd.s32 $0xFFFFC000  }
0xc1: {  	[tilespmem:s15], [sflag:$0x1] =	stream.indirect.gather [hbm4b:s1+s14], $0x80, s18, s14, $0xb8;
	[tilespmem:$0x1C400] =	vst v63  }
0xc2: {  	_ =	swait.ge [sflag:s19], $0x4000  }
0xc3: {  	[sflag:s19] =	ssyncset.done $0x0  }
0xc4: {  	[sflag:s19] =	ssyncadd.s32 $0xFFFFC000  }
0xc5: {  	[spmem:s3] =	stream.indirect.scatter.add.f32 [tilespmem:s16], [sflag:$0x3], $0x80, s20, s14, $0xb8;
	[tilespmem:$0x1C400] =	vst v63  }
0xc6: {  	_ =	swait.ge [sflag:s12], $0x4000  }
0xc7: {  	[sflag:s12] =	ssyncset.done $0x0  }
0xc8: {  	[sflag:s12] =	ssyncadd.s32 $0xFFFFC000  }
0xc9: {  	[tilespmem:s16], [sflag:$0x2] =	stream.indirect.gather [hbm4b:s1+s14], $0x80, s21, s14, $0xb8;
	[tilespmem:$0x1C400] =	vst v63  }
0xca: {  	_ =	swait.ge [sflag:s17], $0x4000  }
0xcb: {  	[sflag:s17] =	ssyncset.done $0x0  }
0xcc: {  	[sflag:s17] =	ssyncadd.s32 $0xFFFFC000  }
0xcd: {  	[spmem:s3] =	stream.indirect.scatter.add.f32 [tilespmem:s15], [sflag:$0x3], $0x80, s22, s14, $0xb8;
	[tilespmem:$0x1C400] =	vst v63  }
0xce: {  	_ =	swait.ge [sflag:s12], $0x4000  }
0xcf: {  	[sflag:s12] =	ssyncset.done $0x0  }
0xd0: {  	[sflag:s12] =	ssyncadd.s32 $0xFFFFC000  }
0xd1: {  	[tilespmem:s15], [sflag:$0x1] =	stream.indirect.gather [hbm4b:s1+s14], $0x80, s23, s14, $0xb8;
	[tilespmem:$0x1C400] =	vst v63  }
0xd2: {  	_ =	swait.ge [sflag:s19], $0x4000  }
0xd3: {  	[sflag:s19] =	ssyncset.done $0x0  }
0xd4: {  	[sflag:s19] =	ssyncadd.s32 $0xFFFFC000  }
0xd5: {  	[spmem:s3] =	stream.indirect.scatter.add.f32 [tilespmem:s16], [sflag:$0x3], $0x80, s24, s14, $0xb8;
	[tilespmem:$0x1C400] =	vst v63  }
0xd6: {  	_ =	swait.ge [sflag:s12], $0x4000  }
0xd7: {  	[sflag:s12] =	ssyncset.done $0x0  }
0xd8: {  	[sflag:s12] =	ssyncadd.s32 $0xFFFFC000  }
0xd9: {  	[tilespmem:s16], [sflag:$0x2] =	stream.indirect.gather [hbm4b:s1+s14], $0x80, s25, s14, $0xb8;
	[tilespmem:$0x1C400] =	vst v63  }
0xda: {  	_ =	swait.ge [sflag:s17], $0x4000  }
0xdb: {  	[sflag:s17] =	ssyncset.done $0x0  }
0xdc: {  	[sflag:s17] =	ssyncadd.s32 $0xFFFFC000  }
0xdd: {  	[spmem:s3] =	stream.indirect.scatter.add.f32 [tilespmem:s15], [sflag:$0x3], $0x80, s26, s14, $0xb8;
	[tilespmem:$0x1C400] =	vst v63  }
0xde: {  	_ =	swait.ge [sflag:s12], $0x4000  }
0xdf: {  	[sflag:s12] =	ssyncset.done $0x0  }
0xe0: {  	[sflag:s12] =	ssyncadd.s32 $0xFFFFC000  }
0xe1: {  	[tilespmem:s15], [sflag:$0x1] =	stream.indirect.gather [hbm4b:s1+s14], $0x80, s28, s14, $0xb8;
	[tilespmem:$0x1C400] =	vst v63  }
0xe2: {  	_ =	swait.ge [sflag:s19], $0x4000  }
0xe3: {  	[sflag:s19] =	ssyncset.done $0x0  }
0xe4: {  	[sflag:s19] =	ssyncadd.s32 $0xFFFFC000  }
0xe5: {  	[spmem:s3] =	stream.indirect.scatter.add.f32 [tilespmem:s16], [sflag:$0x3], $0x80, s29, s14, $0xb8;
	[tilespmem:$0x1C400] =	vst v63  }
0xe6: {  	_ =	swait.ge [sflag:s12], $0x4000  }
0xe7: {  	[sflag:s12] =	ssyncset.done $0x0  }
0xe8: {  	[sflag:s12] =	ssyncadd.s32 $0xFFFFC000  }
0xe9: {  	[tilespmem:s16], [sflag:$0x2] =	stream.indirect.gather [hbm4b:s1+s14], $0x80, s30, s14, $0xb8;
	[tilespmem:$0x1C400] =	vst v63  }
0xea: {  	_ =	swait.ge [sflag:s17], $0x4000  }
0xeb: {  	[sflag:s17] =	ssyncset.done $0x0  }
0xec: {  	[sflag:s17] =	ssyncadd.s32 $0xFFFFC000  }
0xed: {  	[spmem:s3] =	stream.indirect.scatter.add.f32 [tilespmem:s15], [sflag:$0x3], $0x80, s31, s14, $0xb8;
	[tilespmem:$0x1C400] =	vst v63  }
0xee: {  	_ =	swait.ge [sflag:s12], $0x4000  }
0xef: {  	[sflag:s12] =	ssyncset.done $0x0  }
0xf0: {  	[sflag:s12] =	ssyncadd.s32 $0xFFFFC000  }
0xf1: {  	_ =	swait.ge [sflag:s19], $0x4000  }
0xf2: {  	[sflag:s19] =	ssyncset.done $0x0  }
0xf3: {  	[sflag:s19] =	ssyncadd.s32 $0xFFFFC000  }
0xf4: {  	[spmem:s3] =	stream.indirect.scatter.add.f32 [tilespmem:s16], [sflag:$0x3], $0x80, s2, s14, $0xb8;
	[tilespmem:$0x1C400] =	vst v63  }
0xf5: {  	_ =	swait.ge [sflag:s12], $0x4000  }
0xf6: {  	[sflag:s12] =	ssyncset.done $0x0  }
0xf7: {  	[sflag:s12] =	ssyncadd.s32 $0xFFFFC000  }
0xf8: {  	[bflag:$0x0] =	sbarrier.arrive $0xFFFF  }
0xf9: {  	s6 =	rddreg [dreg:$0x5]  }
0xfa: {  	s8 =	rddreg [dreg:$0x6]  }
0xfb: {  	s7 =	rddreg [dreg:$0x8]  }
0xfc: {  	[hbm:s8], [sflag:s6] =	dma.local [spmem:s7], $0x2780  }
0xfd: {  	_ =	swait.ge [sflag:s12], $0x2780  }
0xfe: {  	s0 =	sadd.s32 $0x1, s0;
	s11 =	rddreg [dreg:$0x7]  }
0xff: {  	p0 =	sne.s32 s0, s11  }
.Ltmp1:
0x100: {  	_ = 	snop;
	(pc) =	sbr.rel @p0 .LBB2_1-.Ltmp1, $3  }
0x101: {  	_ =	sdelay $0x1  }
0x102: {  	[sflag:s12] =	ssyncset.done $0x0  }
0x103: {  	[sflag:s12] =	ssyncadd.s32 $0xFFFFD880  }
0x104: {  	_ =	sfence.sel $0x180000  }
0x105: {  	[bflag:$0x0] =	sbarrier.arrive $0xFFFF  }
0x106: {  	_ =	strace $0x90000050  }
0x107: {  	s0 =	stileid.u32;
	[bflag:$0x2] =	sbarrier.arrive $0xFFFF  }
0x108: {  	p0 =	sne.s32 s0, $0x0;
	s0 =	rddreg [dreg:$0x3]  }
0x109: {  	s0 =	sadd.s32 @!p0 $0x100000, s0  }
0x10a: {  	[sflag:s0] =	ssyncadd.tile.s32 @!p0 $0x1;
	_ =	shalt  }
.Lfunc_end2:
_tile_overlayer_lowered:
.L_overlay_start_2:
0x10b: {  	(tag) =	ssettag $0x2  }
0x10c: {  	s0 =	rddreg [dreg:$0x0];
	s2 =	stileid.u32  }
0x10d: {  	s1 =	rddreg [dreg:$0x1];
	p0 =	sne.s32 s2, $0x0  }
0x10e: {  	s3 =	rddreg [dreg:$0x2];
	[bflag:$0x3] =	sbarrier.arrive $0xFFFF;
	s2 =	simm.s32 @!p0 $0x1C03  }
0x10f: {  	[timem:s3], [sflag:s2] =	dma.local @!p0 [hbm:s0], s1  }
0x110: {  	s0 =	simm.s32 @!p0 $0x3  }
0x111: {  	_ =	swait.ge @!p0 [sflag:s0], s1  }
0x112: {  	s1 =	ssub.s32 @!p0 $0x0, s1;
	[sflag:s0] =	ssyncset.done @!p0 $0x0  }
0x113: {  	[sflag:s0] =	ssyncadd.s32 @!p0 s1  }
0x114: {  	[bflag:$0x3] =	sbarrier.arrive $0xFFFF  }
0x115: {  	_ =	shalt  }

</sc_bundles>
